<compile_context>
chip_gen: v7x
topology: tpu7x:2x2x1
jax: 0.10.2.dev20260603
libtpu: 0.0.44.dev20260713+nightly
codegen_flags: <defaults>
</compile_context>

<pallas_src>
import functools

import jax
import jax.numpy as jnp
from jax import lax
from jax.experimental import pallas as pl
from jax.experimental.pallas import tpu as pltpu
from jax.experimental.pallas import tpu_sc as plsc

N = 10000
E = 320000
D = 128
H = 4
C = 32

NPAD = 10240
ROWS = 512

EW = E // 16
BLK = 400
NGRP = BLK // 16
SBLK = 2000
NSB = EW // SBLK
NSUB = SBLK // BLK
NP1 = 10000
F32 = jnp.float32
I32 = jnp.int32


def _proj_body(x_ref, w_ref, y_ref):
    y_ref[...] = jnp.dot(x_ref[...], w_ref[...],
                         preferred_element_type=F32)


def _project(xpad, wcat):
    return pl.pallas_call(
        _proj_body,
        grid=(NPAD // ROWS,),
        in_specs=[
            pl.BlockSpec((ROWS, D), lambda i: (i, 0)),
            pl.BlockSpec((D, 256), lambda i: (0, 0)),
        ],
        out_specs=pl.BlockSpec((ROWS, 256), lambda i: (i, 0)),
        out_shape=jax.ShapeDtypeStruct((NPAD, 256), F32),
    )(xpad, wcat)


def _sc_body(esrc, edst, sdt, whr, mtab, iden, outc,
             agg, den, tabs, dloc, rows,
             sbuf, dbuf, gibuf, sibuf, abuf, mbuf, ribuf):
    cid = lax.axis_index("c")
    sid = lax.axis_index("s")
    iota16 = lax.iota(I32, 16)
    zf = jnp.zeros((16,), F32)

    def zrows(r, c):
        rows[r, pl.ds(0, 16)] = zf
        rows[r, pl.ds(16, 16)] = zf
        return c
    lax.fori_loop(0, BLK, zrows, 0)

    def zd(r, c):
        dloc[r, pl.ds(0, 16)] = zf
        return c
    lax.fori_loop(0, 1280, zd, 0)

    pltpu.sync_copy(iden.at[pl.ds(0, 640)], ribuf)
    for ch in range(5):
        pltpu.sync_copy(rows.at[pl.ds(0, 256)],
                        agg.at[pl.ds(sid * 1280 + ch * 256, 256)])
    pltpu.sync_copy(dloc.at[pl.ds(0, 80)], den.at[pl.ds(sid * 80, 80)])
    plsc.subcore_barrier()

    g0 = 2 * cid
    pltpu.sync_copy(sdt.at[pl.ds(g0 * N, N)], tabs.at[pl.ds(0, N)])
    pltpu.sync_copy(sdt.at[pl.ds((g0 + 4) * N, N)], tabs.at[pl.ds(NP1, N)])
    pltpu.sync_copy(sdt.at[pl.ds((g0 + 1) * N, N)], tabs.at[pl.ds(2 * NP1, N)])
    pltpu.sync_copy(sdt.at[pl.ds((g0 + 5) * N, N)], tabs.at[pl.ds(3 * NP1, N)])
    pltpu.sync_copy(mtab.at[pl.ds(g0 * 16, 32)], mbuf)
    m0 = mbuf[pl.ds(0, 16)]
    m1 = mbuf[pl.ds(16, 16)]
    ebase = sid * EW

    def p1_block(b, c):
        base = ebase + b * SBLK
        pltpu.sync_copy(esrc.at[pl.ds(base, SBLK)], sbuf)
        pltpu.sync_copy(edst.at[pl.ds(base, SBLK)], dbuf)

        def p1_group(g, cc):
            off = g * 16
            sv = sbuf[pl.ds(off, 16)]
            dv = dbuf[pl.ds(off, 16)]
            for lh in range(2):
                se = plsc.load_gather(tabs, [sv + 2 * lh * NP1])
                de = plsc.load_gather(tabs, [dv + (2 * lh + 1) * NP1])
                z = se + de
                e = jnp.maximum(z, 0.2 * z)
                ee = jnp.exp(e - (m0 if lh == 0 else m1))
                didx = dv + lh * NP1
                rowi = lax.shift_right_logical(didx, 4)
                coli = jnp.bitwise_and(didx, 15)
                plsc.addupdate_scatter(dloc, [rowi, coli], ee)
            return cc
        lax.fori_loop(0, SBLK // 16, p1_group, 0)
        return c
    lax.fori_loop(0, NSB, p1_block, 0)

    pltpu.sync_copy(dloc.at[pl.ds(0, 640)], den.at[ribuf], add=True)
    pltpu.sync_copy(iden.at[pl.ds(640, 640)], ribuf)
    pltpu.sync_copy(dloc.at[pl.ds(640, 640)], den.at[ribuf], add=True)
    plsc.subcore_barrier()
    pltpu.sync_copy(den, dloc)

    def p2_block(b, c):
        base = ebase + b * SBLK
        pltpu.sync_copy(esrc.at[pl.ds(base, SBLK)], sbuf)
        pltpu.sync_copy(edst.at[pl.ds(base, SBLK)], dbuf)

        def p2_sub(u, c2):
          for lh in range(2):
            def p2_idx(g, cc):
                off = u * BLK + g * 16
                sv = sbuf[pl.ds(off, 16)]
                dv = dbuf[pl.ds(off, 16)]
                se = plsc.load_gather(tabs, [sv + 2 * lh * NP1])
                de = plsc.load_gather(tabs, [dv + (2 * lh + 1) * NP1])
                z = se + de
                e = jnp.maximum(z, 0.2 * z)
                ee = jnp.exp(e - (m0 if lh == 0 else m1))
                didx = dv + lh * NP1
                dnv = plsc.load_gather(
                    dloc, [lax.shift_right_logical(didx, 4),
                           jnp.bitwise_and(didx, 15)])
                al = ee / (dnv + 1e-16)
                abuf[pl.ds(g * 16, 16)] = al
                gibuf[pl.ds(g * 16, 16)] = sv * H + (g0 + lh)
                sibuf[pl.ds(g * 16, 16)] = dv * 2 + lh
                return cc
            lax.fori_loop(0, NGRP, p2_idx, 0)
            pltpu.sync_copy(whr.at[gibuf], rows)

            def p2_scale(g, cc):
                al = abuf[pl.ds(g * 16, 16)]
                base = g * 16
                for k in range(16):
                    spl = lax.gather(
                        al, jnp.full((16, 1), k, I32),
                        lax.GatherDimensionNumbers(
                            offset_dims=(), collapsed_slice_dims=(0,),
                            start_index_map=(0,)),
                        (1,), mode=lax.GatherScatterMode.PROMISE_IN_BOUNDS)
                    v0 = rows[base + k, pl.ds(0, 16)]
                    v1 = rows[base + k, pl.ds(16, 16)]
                    rows[base + k, pl.ds(0, 16)] = v0 * spl
                    rows[base + k, pl.ds(16, 16)] = v1 * spl
                return cc
            lax.fori_loop(0, NGRP, p2_scale, 0)
            pltpu.sync_copy(rows, agg.at[sibuf], add=True)
          return c2
        lax.fori_loop(0, NSUB, p2_sub, 0)
        return c
    lax.fori_loop(0, NSB, p2_block, 0)
    plsc.subcore_barrier()

    nbase = sid * 1280
    for ch in range(5):
        rb = nbase + ch * 256
        pltpu.sync_copy(agg.at[pl.ds(rb, 256)], rows.at[pl.ds(0, 256)])

        def elu_loop(r, c):
            for half in range(2):
                v = rows[r, pl.ds(half * 16, 16)]
                ev = jnp.exp(v) - 1.0
                rows[r, pl.ds(half * 16, 16)] = jnp.where(v > 0.0, v, ev)
            return c
        lax.fori_loop(0, 256, elu_loop, 0)
        pltpu.sync_copy(rows.at[pl.ds(0, 256)], outc.at[cid, pl.ds(rb, 256)])


_sc_kernel = functools.partial(
    pl.kernel,
    out_type=jax.ShapeDtypeStruct((2, 20480, C), F32),
    mesh=plsc.VectorSubcoreMesh(core_axis_name="c", subcore_axis_name="s"),
    compiler_params=pltpu.CompilerParams(needs_layout_passes=False, use_tc_tiling_on_sc=False),
    scratch_types=[
        pltpu.VMEM_SHARED((20480, C), F32),
        pltpu.VMEM_SHARED((1280, 16), F32),
        pltpu.VMEM((4 * NP1,), F32),
        pltpu.VMEM((1280, 16), F32),
        pltpu.VMEM((BLK, C), F32),
        pltpu.VMEM((SBLK,), I32),
        pltpu.VMEM((SBLK,), I32),
        pltpu.VMEM((BLK,), I32),
        pltpu.VMEM((BLK,), I32),
        pltpu.VMEM((BLK,), F32),
        pltpu.VMEM((32,), F32),
        pltpu.VMEM((640,), I32),
    ],
)(_sc_body)


def kernel(x, edge_index, W, att):
    att_s = att[0, :, :C]
    att_d = att[0, :, C:]
    W3 = W.reshape(D, H, C)
    Ws = (W3 * att_s[None, :, :]).sum(-1)
    Wd = (W3 * att_d[None, :, :]).sum(-1)
    wcat = jnp.concatenate(
        [W, Ws, Wd, jnp.zeros((D, 256 - D - 2 * H), F32)], axis=1)
    xpad = jnp.concatenate([x, jnp.zeros((NPAD - N, D), F32)], axis=0)

    y = _project(xpad, wcat)
    wh = y[:N, :D]
    s = y[:N, D:D + H]
    d = y[:N, D + H:D + 2 * H]

    sdt = jnp.concatenate([s.T, d.T], axis=0).reshape(8 * N)
    mh = s.max(0) + d.max(0)
    mh = jnp.maximum(mh, 0.2 * mh)
    mtab = jnp.repeat(mh, 16)
    whr = wh.reshape(N * H, C)
    iden = jnp.arange(1280, dtype=I32)

    outc = _sc_kernel(edge_index[0], edge_index[1], sdt, whr, mtab, iden)
    return jnp.concatenate(
        [outc[0, :2 * N].reshape(N, 2 * C),
         outc[1, :2 * N].reshape(N, 2 * C)], axis=1)

# --- scband reference (transcript-rebuilt; emitter-appended) ---
"""Pipeline reference for scband-gatlayer-27195732918651 (READ-ONLY COPY).

The authoritative reference and input builder live on the scoring server;
editing this copy changes nothing except your own understanding.
"""

import jax, jax.numpy as jnp
import numpy as np

N = 10000
E = 320000
D = 128
H = 4
C = 32


def setup_inputs(seed: int = 0) -> dict:
    key = jax.random.key(seed)
    k1, k2, k3, k4 = jax.random.split(key, 4)
    x = jax.random.normal(k1, (N, D), dtype=jnp.float32)
    edge_index = jax.random.randint(k2, (2, E), 0, N, dtype=jnp.int32)
    # Linear weight (no bias): maps D -> H*C. Stored as [D, H*C] for x @ W.
    W = jax.random.normal(k3, (D, H * C), dtype=jnp.float32) * (1.0 / np.sqrt(D))
    # Attention vector a, shape [1, H, 2C]
    att = jax.random.normal(k4, (1, H, 2 * C), dtype=jnp.float32) * 0.1
    return {"x": x, "edge_index": edge_index, "W": W, "att": att}


def reference(x, edge_index, W, att):
    n = x.shape[0]
    src = edge_index[0]
    dst = edge_index[1]
    Wh = (x @ W).reshape(n, H, C)                              # [n, H, C]
    Wh_src = Wh[src]                                           # gather [E, H, C]
    Wh_dst = Wh[dst]                                           # gather [E, H, C]
    e_src = (Wh_src * att[:, :, :C]).sum(-1)                   # [E, H]
    e_dst = (Wh_dst * att[:, :, C:]).sum(-1)                   # [E, H]
    e = jax.nn.leaky_relu(e_src + e_dst, negative_slope=0.2)   # [E, H]
    # segment softmax over incoming edges of each dst node
    e_max = jax.ops.segment_max(e, dst, num_segments=n)        # [n, H]
    e_exp = jnp.exp(e - e_max[dst])                            # [E, H]
    denom = jax.ops.segment_sum(e_exp, dst, num_segments=n)    # [n, H]
    alpha = e_exp / (denom[dst] + 1e-16)                       # [E, H]
    # dropout p=0.0 / eval mode -> identity
    agg = jax.ops.segment_sum(alpha[:, :, None] * Wh_src, dst, num_segments=n)  # [n, H, C]
    return jax.nn.elu(agg.reshape(n, H * C))

if __name__ == "__main__":
    import jax
    _d = setup_inputs()
    print(jax.jit(kernel)(*tuple(_d.values())))

</pallas_src>

<mosaic_0001>
#map = affine_map<(d0, d1) -> (0)>
#map1 = affine_map<(d0, d1) -> (0, 0)>
#map2 = affine_map<(d0, d1) -> (0, 0, 0)>
module attributes {stable_mosaic.version = 14 : i64} {
  func.func @_sc_body(%arg0: i32, %arg1: i32, %arg2: memref<320000xi32, #tpu.memory_space<hbm>>, %arg3: memref<320000xi32, #tpu.memory_space<hbm>>, %arg4: memref<80000xf32, #tpu.memory_space<hbm>>, %arg5: memref<40000x32xf32, #tpu.memory_space<hbm>>, %arg6: memref<64xf32, #tpu.memory_space<hbm>>, %arg7: memref<1280xi32, #tpu.memory_space<hbm>>, %arg8: memref<2x20480x32xf32, #tpu.memory_space<hbm>>, %arg9: memref<20480x32xf32, #tpu.memory_space<vmem_shared>>, %arg10: memref<1280x16xf32, #tpu.memory_space<vmem_shared>>, %arg11: memref<40000xf32, #tpu.memory_space<vmem>>, %arg12: memref<1280x16xf32, #tpu.memory_space<vmem>>, %arg13: memref<400x32xf32, #tpu.memory_space<vmem>>, %arg14: memref<2000xi32, #tpu.memory_space<vmem>>, %arg15: memref<2000xi32, #tpu.memory_space<vmem>>, %arg16: memref<400xi32, #tpu.memory_space<vmem>>, %arg17: memref<400xi32, #tpu.memory_space<vmem>>, %arg18: memref<400xf32, #tpu.memory_space<vmem>>, %arg19: memref<32xf32, #tpu.memory_space<vmem>>, %arg20: memref<640xi32, #tpu.memory_space<vmem>>) attributes {dimension_semantics = [#tpu.dimension_semantics<core_parallel>, #tpu.dimension_semantics<subcore_parallel>], iteration_bounds = array<i64: 2, 16>, scalar_prefetch = 0 : i64, scratch_operands = 12 : i64, tpu.core_type = #tpu.core_type<sc_vector_subcore>, window_params = [{transform_indices = #map}, {transform_indices = #map}, {transform_indices = #map}, {transform_indices = #map1}, {transform_indices = #map}, {transform_indices = #map}, {transform_indices = #map2}]} {
    %iota3A = tpu.iota {dimensions = array<i32: 0>} : vector<16xi32>
    %broadcast_in_dim3A = arith.constant 0.000000e+00 : f32
    %broadcast_in_dim3A_0 = vector.broadcast %broadcast_in_dim3A : f32 to vector<16xf32>
    %scan3A = arith.constant 0 : i32
    %scan3A_1 = arith.constant 0 : i32
    %scan3A_2 = arith.constant 400 : i32
    %scan3A_3 = arith.addi %scan3A_1, %scan3A_2 : i32
    %scan3A_4 = arith.constant 1 : i32
    scf.for %scan3A_111 = %scan3A_1 to %scan3A_3 step %scan3A_4  : i32 {
      %swap3A = arith.index_cast %scan3A_111 : i32 to index
      %swap3A_112 = arith.constant 0 : index
      %swap3A_113 = tpu.vector_load %arg13[%swap3A, %swap3A_112] {strides = array<i32>} : memref<400x32xf32, #tpu.memory_space<vmem>>, vector<16xf32>,
      tpu.vector_store %arg13[%swap3A, %swap3A_112], %broadcast_in_dim3A_0 {strides = array<i32>} : memref<400x32xf32, #tpu.memory_space<vmem>>, vector<16xf32>,
      %swap3A_114 = arith.index_cast %scan3A_111 : i32 to index
      %swap3A_115 = arith.constant 16 : index
      %swap3A_116 = tpu.vector_load %arg13[%swap3A_114, %swap3A_115] {strides = array<i32>} : memref<400x32xf32, #tpu.memory_space<vmem>>, vector<16xf32>,
      tpu.vector_store %arg13[%swap3A_114, %swap3A_115], %broadcast_in_dim3A_0 {strides = array<i32>} : memref<400x32xf32, #tpu.memory_space<vmem>>, vector<16xf32>,
    }
    %scan3A_5 = arith.constant 400 : i32
    %scan3A_6 = arith.constant 0 : i32
    %scan3A_7 = arith.constant 0 : i32
    %scan3A_8 = arith.constant 1280 : i32
    %scan3A_9 = arith.addi %scan3A_7, %scan3A_8 : i32
    %scan3A_10 = arith.constant 1 : i32
    scf.for %scan3A_111 = %scan3A_7 to %scan3A_9 step %scan3A_10  : i32 {
      %swap3A = arith.index_cast %scan3A_111 : i32 to index
      %swap3A_112 = arith.constant 0 : index
      %swap3A_113 = tpu.vector_load %arg12[%swap3A, %swap3A_112] {strides = array<i32>} : memref<1280x16xf32, #tpu.memory_space<vmem>>, vector<16xf32>,
      tpu.vector_store %arg12[%swap3A, %swap3A_112], %broadcast_in_dim3A_0 {strides = array<i32>} : memref<1280x16xf32, #tpu.memory_space<vmem>>, vector<16xf32>,
    }
    %scan3A_11 = arith.constant 1280 : i32
    "tpu.region"() ({
      %run_scoped3A = tpu.sem_alloc : memref<!tpu.dma_semaphore, #tpu.memory_space<semaphore_mem>>
      %dma_start3A = arith.constant 0 : i32
      %dma_start3A_111 = tpu.memref_slice %arg7[%dma_start3A] : memref<1280xi32, #tpu.memory_space<hbm>> -> memref<640xi32, #tpu.memory_space<hbm>>
      %dma_start3A_112 = arith.constant 0 : i32
      %dma_start3A_113 = tpu.memref_slice %arg7[%dma_start3A_112] : memref<1280xi32, #tpu.memory_space<hbm>> -> memref<640xi32, #tpu.memory_space<hbm>>
      tpu.enqueue_dma source(%dma_start3A_113 : memref<640xi32, #tpu.memory_space<hbm>>) target(%arg20 : memref<640xi32, #tpu.memory_space<vmem>>) target_semaphore(%run_scoped3A : memref<!tpu.dma_semaphore, #tpu.memory_space<semaphore_mem>>)
      %dma_wait3A = arith.constant 0 : i32
      %dma_wait3A_114 = tpu.memref_slice %arg7[%dma_wait3A] : memref<1280xi32, #tpu.memory_space<hbm>> -> memref<640xi32, #tpu.memory_space<hbm>>
      %dma_wait3A_115 = arith.constant 0 : i32
      %dma_wait3A_116 = tpu.memref_slice %arg7[%dma_wait3A_115] : memref<1280xi32, #tpu.memory_space<hbm>> -> memref<640xi32, #tpu.memory_space<hbm>>
      tpu.wait_dma2 semaphore(%run_scoped3A : memref<!tpu.dma_semaphore, #tpu.memory_space<semaphore_mem>>) src(%dma_wait3A_116 : memref<640xi32, #tpu.memory_space<hbm>>) dst(%arg20 : memref<640xi32, #tpu.memory_space<vmem>>)
      tpu.yield
    }) : () -> ()
    %mul3A = arith.constant 1280 : i32
    %mul3A_12 = arith.muli %arg1, %mul3A : i32
    %add3A = arith.constant 0 : i32
    %add3A_13 = arith.addi %mul3A_12, %add3A : i32
    "tpu.region"() ({
      %run_scoped3A = tpu.sem_alloc : memref<!tpu.dma_semaphore, #tpu.memory_space<semaphore_mem>>
      %dma_start3A = arith.constant 0 : i32
      %dma_start3A_111 = arith.constant 0 : i32
      %dma_start3A_112 = tpu.memref_slice %arg13[%dma_start3A, %dma_start3A_111] : memref<400x32xf32, #tpu.memory_space<vmem>> -> memref<256x32xf32, #tpu.memory_space<vmem>>
      %dma_start3A_113 = arith.constant 0 : i32
      %dma_start3A_114 = tpu.memref_slice %arg9[%add3A_13, %dma_start3A_113] : memref<20480x32xf32, #tpu.memory_space<vmem_shared>> -> memref<256x32xf32, #tpu.memory_space<vmem_shared>>
      %dma_start3A_115 = arith.constant 0 : i32
      %dma_start3A_116 = tpu.memref_slice %arg9[%add3A_13, %dma_start3A_115] : memref<20480x32xf32, #tpu.memory_space<vmem_shared>> -> memref<256x32xf32, #tpu.memory_space<vmem_shared>>
      %dma_start3A_117 = arith.constant 0 : i32
      %dma_start3A_118 = arith.constant 0 : i32
      %dma_start3A_119 = tpu.memref_slice %arg13[%dma_start3A_117, %dma_start3A_118] : memref<400x32xf32, #tpu.memory_space<vmem>> -> memref<256x32xf32, #tpu.memory_space<vmem>>
      tpu.enqueue_dma source(%dma_start3A_119 : memref<256x32xf32, #tpu.memory_space<vmem>>) target(%dma_start3A_116 : memref<256x32xf32, #tpu.memory_space<vmem_shared>>) target_semaphore(%run_scoped3A : memref<!tpu.dma_semaphore, #tpu.memory_space<semaphore_mem>>)
      %dma_wait3A = arith.constant 0 : i32
      %dma_wait3A_120 = arith.constant 0 : i32
      %dma_wait3A_121 = tpu.memref_slice %arg13[%dma_wait3A, %dma_wait3A_120] : memref<400x32xf32, #tpu.memory_space<vmem>> -> memref<256x32xf32, #tpu.memory_space<vmem>>
      %dma_wait3A_122 = arith.constant 0 : i32
      %dma_wait3A_123 = tpu.memref_slice %arg9[%add3A_13, %dma_wait3A_122] : memref<20480x32xf32, #tpu.memory_space<vmem_shared>> -> memref<256x32xf32, #tpu.memory_space<vmem_shared>>
      %dma_wait3A_124 = arith.constant 0 : i32
      %dma_wait3A_125 = tpu.memref_slice %arg9[%add3A_13, %dma_wait3A_124] : memref<20480x32xf32, #tpu.memory_space<vmem_shared>> -> memref<256x32xf32, #tpu.memory_space<vmem_shared>>
      %dma_wait3A_126 = arith.constant 0 : i32
      %dma_wait3A_127 = arith.constant 0 : i32
      %dma_wait3A_128 = tpu.memref_slice %arg13[%dma_wait3A_126, %dma_wait3A_127] : memref<400x32xf32, #tpu.memory_space<vmem>> -> memref<256x32xf32, #tpu.memory_space<vmem>>
      tpu.wait_dma2 semaphore(%run_scoped3A : memref<!tpu.dma_semaphore, #tpu.memory_space<semaphore_mem>>) src(%dma_wait3A_128 : memref<256x32xf32, #tpu.memory_space<vmem>>) dst(%dma_wait3A_125 : memref<256x32xf32, #tpu.memory_space<vmem_shared>>)
      tpu.yield
    }) : () -> ()
    %mul3A_14 = arith.constant 1280 : i32
    %mul3A_15 = arith.muli %arg1, %mul3A_14 : i32
    %add3A_16 = arith.constant 256 : i32
    %add3A_17 = arith.addi %mul3A_15, %add3A_16 : i32
    "tpu.region"() ({
      %run_scoped3A = tpu.sem_alloc : memref<!tpu.dma_semaphore, #tpu.memory_space<semaphore_mem>>
      %dma_start3A = arith.constant 0 : i32
      %dma_start3A_111 = arith.constant 0 : i32
      %dma_start3A_112 = tpu.memref_slice %arg13[%dma_start3A, %dma_start3A_111] : memref<400x32xf32, #tpu.memory_space<vmem>> -> memref<256x32xf32, #tpu.memory_space<vmem>>
      %dma_start3A_113 = arith.constant 0 : i32
      %dma_start3A_114 = tpu.memref_slice %arg9[%add3A_17, %dma_start3A_113] : memref<20480x32xf32, #tpu.memory_space<vmem_shared>> -> memref<256x32xf32, #tpu.memory_space<vmem_shared>>
      %dma_start3A_115 = arith.constant 0 : i32
      %dma_start3A_116 = tpu.memref_slice %arg9[%add3A_17, %dma_start3A_115] : memref<20480x32xf32, #tpu.memory_space<vmem_shared>> -> memref<256x32xf32, #tpu.memory_space<vmem_shared>>
      %dma_start3A_117 = arith.constant 0 : i32
      %dma_start3A_118 = arith.constant 0 : i32
      %dma_start3A_119 = tpu.memref_slice %arg13[%dma_start3A_117, %dma_start3A_118] : memref<400x32xf32, #tpu.memory_space<vmem>> -> memref<256x32xf32, #tpu.memory_space<vmem>>
      tpu.enqueue_dma source(%dma_start3A_119 : memref<256x32xf32, #tpu.memory_space<vmem>>) target(%dma_start3A_116 : memref<256x32xf32, #tpu.memory_space<vmem_shared>>) target_semaphore(%run_scoped3A : memref<!tpu.dma_semaphore, #tpu.memory_space<semaphore_mem>>)
      %dma_wait3A = arith.constant 0 : i32
      %dma_wait3A_120 = arith.constant 0 : i32
      %dma_wait3A_121 = tpu.memref_slice %arg13[%dma_wait3A, %dma_wait3A_120] : memref<400x32xf32, #tpu.memory_space<vmem>> -> memref<256x32xf32, #tpu.memory_space<vmem>>
      %dma_wait3A_122 = arith.constant 0 : i32
      %dma_wait3A_123 = tpu.memref_slice %arg9[%add3A_17, %dma_wait3A_122] : memref<20480x32xf32, #tpu.memory_space<vmem_shared>> -> memref<256x32xf32, #tpu.memory_space<vmem_shared>>
      %dma_wait3A_124 = arith.constant 0 : i32
      %dma_wait3A_125 = tpu.memref_slice %arg9[%add3A_17, %dma_wait3A_124] : memref<20480x32xf32, #tpu.memory_space<vmem_shared>> -> memref<256x32xf32, #tpu.memory_space<vmem_shared>>
      %dma_wait3A_126 = arith.constant 0 : i32
      %dma_wait3A_127 = arith.constant 0 : i32
      %dma_wait3A_128 = tpu.memref_slice %arg13[%dma_wait3A_126, %dma_wait3A_127] : memref<400x32xf32, #tpu.memory_space<vmem>> -> memref<256x32xf32, #tpu.memory_space<vmem>>
      tpu.wait_dma2 semaphore(%run_scoped3A : memref<!tpu.dma_semaphore, #tpu.memory_space<semaphore_mem>>) src(%dma_wait3A_128 : memref<256x32xf32, #tpu.memory_space<vmem>>) dst(%dma_wait3A_125 : memref<256x32xf32, #tpu.memory_space<vmem_shared>>)
      tpu.yield
    }) : () -> ()
    %mul3A_18 = arith.constant 1280 : i32
    %mul3A_19 = arith.muli %arg1, %mul3A_18 : i32
    %add3A_20 = arith.constant 512 : i32
    %add3A_21 = arith.addi %mul3A_19, %add3A_20 : i32
    "tpu.region"() ({
      %run_scoped3A = tpu.sem_alloc : memref<!tpu.dma_semaphore, #tpu.memory_space<semaphore_mem>>
      %dma_start3A = arith.constant 0 : i32
      %dma_start3A_111 = arith.constant 0 : i32
      %dma_start3A_112 = tpu.memref_slice %arg13[%dma_start3A, %dma_start3A_111] : memref<400x32xf32, #tpu.memory_space<vmem>> -> memref<256x32xf32, #tpu.memory_space<vmem>>
      %dma_start3A_113 = arith.constant 0 : i32
      %dma_start3A_114 = tpu.memref_slice %arg9[%add3A_21, %dma_start3A_113] : memref<20480x32xf32, #tpu.memory_space<vmem_shared>> -> memref<256x32xf32, #tpu.memory_space<vmem_shared>>
      %dma_start3A_115 = arith.constant 0 : i32
      %dma_start3A_116 = tpu.memref_slice %arg9[%add3A_21, %dma_start3A_115] : memref<20480x32xf32, #tpu.memory_space<vmem_shared>> -> memref<256x32xf32, #tpu.memory_space<vmem_shared>>
      %dma_start3A_117 = arith.constant 0 : i32
      %dma_start3A_118 = arith.constant 0 : i32
      %dma_start3A_119 = tpu.memref_slice %arg13[%dma_start3A_117, %dma_start3A_118] : memref<400x32xf32, #tpu.memory_space<vmem>> -> memref<256x32xf32, #tpu.memory_space<vmem>>
      tpu.enqueue_dma source(%dma_start3A_119 : memref<256x32xf32, #tpu.memory_space<vmem>>) target(%dma_start3A_116 : memref<256x32xf32, #tpu.memory_space<vmem_shared>>) target_semaphore(%run_scoped3A : memref<!tpu.dma_semaphore, #tpu.memory_space<semaphore_mem>>)
      %dma_wait3A = arith.constant 0 : i32
      %dma_wait3A_120 = arith.constant 0 : i32
      %dma_wait3A_121 = tpu.memref_slice %arg13[%dma_wait3A, %dma_wait3A_120] : memref<400x32xf32, #tpu.memory_space<vmem>> -> memref<256x32xf32, #tpu.memory_space<vmem>>
      %dma_wait3A_122 = arith.constant 0 : i32
      %dma_wait3A_123 = tpu.memref_slice %arg9[%add3A_21, %dma_wait3A_122] : memref<20480x32xf32, #tpu.memory_space<vmem_shared>> -> memref<256x32xf32, #tpu.memory_space<vmem_shared>>
      %dma_wait3A_124 = arith.constant 0 : i32
      %dma_wait3A_125 = tpu.memref_slice %arg9[%add3A_21, %dma_wait3A_124] : memref<20480x32xf32, #tpu.memory_space<vmem_shared>> -> memref<256x32xf32, #tpu.memory_space<vmem_shared>>
      %dma_wait3A_126 = arith.constant 0 : i32
      %dma_wait3A_127 = arith.constant 0 : i32
      %dma_wait3A_128 = tpu.memref_slice %arg13[%dma_wait3A_126, %dma_wait3A_127] : memref<400x32xf32, #tpu.memory_space<vmem>> -> memref<256x32xf32, #tpu.memory_space<vmem>>
      tpu.wait_dma2 semaphore(%run_scoped3A : memref<!tpu.dma_semaphore, #tpu.memory_space<semaphore_mem>>) src(%dma_wait3A_128 : memref<256x32xf32, #tpu.memory_space<vmem>>) dst(%dma_wait3A_125 : memref<256x32xf32, #tpu.memory_space<vmem_shared>>)
      tpu.yield
    }) : () -> ()
    %mul3A_22 = arith.constant 1280 : i32
    %mul3A_23 = arith.muli %arg1, %mul3A_22 : i32
    %add3A_24 = arith.constant 768 : i32
    %add3A_25 = arith.addi %mul3A_23, %add3A_24 : i32
    "tpu.region"() ({
      %run_scoped3A = tpu.sem_alloc : memref<!tpu.dma_semaphore, #tpu.memory_space<semaphore_mem>>
      %dma_start3A = arith.constant 0 : i32
      %dma_start3A_111 = arith.constant 0 : i32
      %dma_start3A_112 = tpu.memref_slice %arg13[%dma_start3A, %dma_start3A_111] : memref<400x32xf32, #tpu.memory_space<vmem>> -> memref<256x32xf32, #tpu.memory_space<vmem>>
      %dma_start3A_113 = arith.constant 0 : i32
      %dma_start3A_114 = tpu.memref_slice %arg9[%add3A_25, %dma_start3A_113] : memref<20480x32xf32, #tpu.memory_space<vmem_shared>> -> memref<256x32xf32, #tpu.memory_space<vmem_shared>>
      %dma_start3A_115 = arith.constant 0 : i32
      %dma_start3A_116 = tpu.memref_slice %arg9[%add3A_25, %dma_start3A_115] : memref<20480x32xf32, #tpu.memory_space<vmem_shared>> -> memref<256x32xf32, #tpu.memory_space<vmem_shared>>
      %dma_start3A_117 = arith.constant 0 : i32
      %dma_start3A_118 = arith.constant 0 : i32
      %dma_start3A_119 = tpu.memref_slice %arg13[%dma_start3A_117, %dma_start3A_118] : memref<400x32xf32, #tpu.memory_space<vmem>> -> memref<256x32xf32, #tpu.memory_space<vmem>>
      tpu.enqueue_dma source(%dma_start3A_119 : memref<256x32xf32, #tpu.memory_space<vmem>>) target(%dma_start3A_116 : memref<256x32xf32, #tpu.memory_space<vmem_shared>>) target_semaphore(%run_scoped3A : memref<!tpu.dma_semaphore, #tpu.memory_space<semaphore_mem>>)
      %dma_wait3A = arith.constant 0 : i32
      %dma_wait3A_120 = arith.constant 0 : i32
      %dma_wait3A_121 = tpu.memref_slice %arg13[%dma_wait3A, %dma_wait3A_120] : memref<400x32xf32, #tpu.memory_space<vmem>> -> memref<256x32xf32, #tpu.memory_space<vmem>>
      %dma_wait3A_122 = arith.constant 0 : i32
      %dma_wait3A_123 = tpu.memref_slice %arg9[%add3A_25, %dma_wait3A_122] : memref<20480x32xf32, #tpu.memory_space<vmem_shared>> -> memref<256x32xf32, #tpu.memory_space<vmem_shared>>
      %dma_wait3A_124 = arith.constant 0 : i32
      %dma_wait3A_125 = tpu.memref_slice %arg9[%add3A_25, %dma_wait3A_124] : memref<20480x32xf32, #tpu.memory_space<vmem_shared>> -> memref<256x32xf32, #tpu.memory_space<vmem_shared>>
      %dma_wait3A_126 = arith.constant 0 : i32
      %dma_wait3A_127 = arith.constant 0 : i32
      %dma_wait3A_128 = tpu.memref_slice %arg13[%dma_wait3A_126, %dma_wait3A_127] : memref<400x32xf32, #tpu.memory_space<vmem>> -> memref<256x32xf32, #tpu.memory_space<vmem>>
      tpu.wait_dma2 semaphore(%run_scoped3A : memref<!tpu.dma_semaphore, #tpu.memory_space<semaphore_mem>>) src(%dma_wait3A_128 : memref<256x32xf32, #tpu.memory_space<vmem>>) dst(%dma_wait3A_125 : memref<256x32xf32, #tpu.memory_space<vmem_shared>>)
      tpu.yield
    }) : () -> ()
    %mul3A_26 = arith.constant 1280 : i32
    %mul3A_27 = arith.muli %arg1, %mul3A_26 : i32
    %add3A_28 = arith.constant 1024 : i32
    %add3A_29 = arith.addi %mul3A_27, %add3A_28 : i32
    "tpu.region"() ({
      %run_scoped3A = tpu.sem_alloc : memref<!tpu.dma_semaphore, #tpu.memory_space<semaphore_mem>>
      %dma_start3A = arith.constant 0 : i32
      %dma_start3A_111 = arith.constant 0 : i32
      %dma_start3A_112 = tpu.memref_slice %arg13[%dma_start3A, %dma_start3A_111] : memref<400x32xf32, #tpu.memory_space<vmem>> -> memref<256x32xf32, #tpu.memory_space<vmem>>
      %dma_start3A_113 = arith.constant 0 : i32
      %dma_start3A_114 = tpu.memref_slice %arg9[%add3A_29, %dma_start3A_113] : memref<20480x32xf32, #tpu.memory_space<vmem_shared>> -> memref<256x32xf32, #tpu.memory_space<vmem_shared>>
      %dma_start3A_115 = arith.constant 0 : i32
      %dma_start3A_116 = tpu.memref_slice %arg9[%add3A_29, %dma_start3A_115] : memref<20480x32xf32, #tpu.memory_space<vmem_shared>> -> memref<256x32xf32, #tpu.memory_space<vmem_shared>>
      %dma_start3A_117 = arith.constant 0 : i32
      %dma_start3A_118 = arith.constant 0 : i32
      %dma_start3A_119 = tpu.memref_slice %arg13[%dma_start3A_117, %dma_start3A_118] : memref<400x32xf32, #tpu.memory_space<vmem>> -> memref<256x32xf32, #tpu.memory_space<vmem>>
      tpu.enqueue_dma source(%dma_start3A_119 : memref<256x32xf32, #tpu.memory_space<vmem>>) target(%dma_start3A_116 : memref<256x32xf32, #tpu.memory_space<vmem_shared>>) target_semaphore(%run_scoped3A : memref<!tpu.dma_semaphore, #tpu.memory_space<semaphore_mem>>)
      %dma_wait3A = arith.constant 0 : i32
      %dma_wait3A_120 = arith.constant 0 : i32
      %dma_wait3A_121 = tpu.memref_slice %arg13[%dma_wait3A, %dma_wait3A_120] : memref<400x32xf32, #tpu.memory_space<vmem>> -> memref<256x32xf32, #tpu.memory_space<vmem>>
      %dma_wait3A_122 = arith.constant 0 : i32
      %dma_wait3A_123 = tpu.memref_slice %arg9[%add3A_29, %dma_wait3A_122] : memref<20480x32xf32, #tpu.memory_space<vmem_shared>> -> memref<256x32xf32, #tpu.memory_space<vmem_shared>>
      %dma_wait3A_124 = arith.constant 0 : i32
      %dma_wait3A_125 = tpu.memref_slice %arg9[%add3A_29, %dma_wait3A_124] : memref<20480x32xf32, #tpu.memory_space<vmem_shared>> -> memref<256x32xf32, #tpu.memory_space<vmem_shared>>
      %dma_wait3A_126 = arith.constant 0 : i32
      %dma_wait3A_127 = arith.constant 0 : i32
      %dma_wait3A_128 = tpu.memref_slice %arg13[%dma_wait3A_126, %dma_wait3A_127] : memref<400x32xf32, #tpu.memory_space<vmem>> -> memref<256x32xf32, #tpu.memory_space<vmem>>
      tpu.wait_dma2 semaphore(%run_scoped3A : memref<!tpu.dma_semaphore, #tpu.memory_space<semaphore_mem>>) src(%dma_wait3A_128 : memref<256x32xf32, #tpu.memory_space<vmem>>) dst(%dma_wait3A_125 : memref<256x32xf32, #tpu.memory_space<vmem_shared>>)
      tpu.yield
    }) : () -> ()
    %mul3A_30 = arith.constant 80 : i32
    %mul3A_31 = arith.muli %arg1, %mul3A_30 : i32
    "tpu.region"() ({
      %run_scoped3A = tpu.sem_alloc : memref<!tpu.dma_semaphore, #tpu.memory_space<semaphore_mem>>
      %dma_start3A = arith.constant 0 : i32
      %dma_start3A_111 = arith.constant 0 : i32
      %dma_start3A_112 = tpu.memref_slice %arg12[%dma_start3A, %dma_start3A_111] : memref<1280x16xf32, #tpu.memory_space<vmem>> -> memref<80x16xf32, #tpu.memory_space<vmem>>
      %dma_start3A_113 = arith.constant 0 : i32
      %dma_start3A_114 = tpu.memref_slice %arg10[%mul3A_31, %dma_start3A_113] : memref<1280x16xf32, #tpu.memory_space<vmem_shared>> -> memref<80x16xf32, #tpu.memory_space<vmem_shared>>
      %dma_start3A_115 = arith.constant 0 : i32
      %dma_start3A_116 = tpu.memref_slice %arg10[%mul3A_31, %dma_start3A_115] : memref<1280x16xf32, #tpu.memory_space<vmem_shared>> -> memref<80x16xf32, #tpu.memory_space<vmem_shared>>
      %dma_start3A_117 = arith.constant 0 : i32
      %dma_start3A_118 = arith.constant 0 : i32
      %dma_start3A_119 = tpu.memref_slice %arg12[%dma_start3A_117, %dma_start3A_118] : memref<1280x16xf32, #tpu.memory_space<vmem>> -> memref<80x16xf32, #tpu.memory_space<vmem>>
      tpu.enqueue_dma source(%dma_start3A_119 : memref<80x16xf32, #tpu.memory_space<vmem>>) target(%dma_start3A_116 : memref<80x16xf32, #tpu.memory_space<vmem_shared>>) target_semaphore(%run_scoped3A : memref<!tpu.dma_semaphore, #tpu.memory_space<semaphore_mem>>)
      %dma_wait3A = arith.constant 0 : i32
      %dma_wait3A_120 = arith.constant 0 : i32
      %dma_wait3A_121 = tpu.memref_slice %arg12[%dma_wait3A, %dma_wait3A_120] : memref<1280x16xf32, #tpu.memory_space<vmem>> -> memref<80x16xf32, #tpu.memory_space<vmem>>
      %dma_wait3A_122 = arith.constant 0 : i32
      %dma_wait3A_123 = tpu.memref_slice %arg10[%mul3A_31, %dma_wait3A_122] : memref<1280x16xf32, #tpu.memory_space<vmem_shared>> -> memref<80x16xf32, #tpu.memory_space<vmem_shared>>
      %dma_wait3A_124 = arith.constant 0 : i32
      %dma_wait3A_125 = tpu.memref_slice %arg10[%mul3A_31, %dma_wait3A_124] : memref<1280x16xf32, #tpu.memory_space<vmem_shared>> -> memref<80x16xf32, #tpu.memory_space<vmem_shared>>
      %dma_wait3A_126 = arith.constant 0 : i32
      %dma_wait3A_127 = arith.constant 0 : i32
      %dma_wait3A_128 = tpu.memref_slice %arg12[%dma_wait3A_126, %dma_wait3A_127] : memref<1280x16xf32, #tpu.memory_space<vmem>> -> memref<80x16xf32, #tpu.memory_space<vmem>>
      tpu.wait_dma2 semaphore(%run_scoped3A : memref<!tpu.dma_semaphore, #tpu.memory_space<semaphore_mem>>) src(%dma_wait3A_128 : memref<80x16xf32, #tpu.memory_space<vmem>>) dst(%dma_wait3A_125 : memref<80x16xf32, #tpu.memory_space<vmem_shared>>)
      tpu.yield
    }) : () -> ()
    %barrier3A = arith.constant 0 : index
    tpu.barrier barrier_id(%barrier3A)
    %mul3A_32 = arith.constant 2 : i32
    %mul3A_33 = arith.muli %mul3A_32, %arg0 : i32
    %mul3A_34 = arith.constant 10000 : i32
    %mul3A_35 = arith.muli %mul3A_33, %mul3A_34 : i32
    "tpu.region"() ({
      %run_scoped3A = tpu.sem_alloc : memref<!tpu.dma_semaphore, #tpu.memory_space<semaphore_mem>>
      %dma_start3A = arith.constant 0 : i32
      %dma_start3A_111 = tpu.memref_slice %arg11[%dma_start3A] : memref<40000xf32, #tpu.memory_space<vmem>> -> memref<10000xf32, #tpu.memory_space<vmem>>
      %dma_start3A_112 = tpu.memref_slice %arg4[%mul3A_35] : memref<80000xf32, #tpu.memory_space<hbm>> -> memref<10000xf32, #tpu.memory_space<hbm>>
      %dma_start3A_113 = arith.constant 0 : i32
      %dma_start3A_114 = tpu.memref_slice %arg11[%dma_start3A_113] : memref<40000xf32, #tpu.memory_space<vmem>> -> memref<10000xf32, #tpu.memory_space<vmem>>
      %dma_start3A_115 = tpu.memref_slice %arg4[%mul3A_35] : memref<80000xf32, #tpu.memory_space<hbm>> -> memref<10000xf32, #tpu.memory_space<hbm>>
      tpu.enqueue_dma source(%dma_start3A_115 : memref<10000xf32, #tpu.memory_space<hbm>>) target(%dma_start3A_114 : memref<10000xf32, #tpu.memory_space<vmem>>) target_semaphore(%run_scoped3A : memref<!tpu.dma_semaphore, #tpu.memory_space<semaphore_mem>>)
      %dma_wait3A = arith.constant 0 : i32
      %dma_wait3A_116 = tpu.memref_slice %arg11[%dma_wait3A] : memref<40000xf32, #tpu.memory_space<vmem>> -> memref<10000xf32, #tpu.memory_space<vmem>>
      %dma_wait3A_117 = tpu.memref_slice %arg4[%mul3A_35] : memref<80000xf32, #tpu.memory_space<hbm>> -> memref<10000xf32, #tpu.memory_space<hbm>>
      %dma_wait3A_118 = arith.constant 0 : i32
      %dma_wait3A_119 = tpu.memref_slice %arg11[%dma_wait3A_118] : memref<40000xf32, #tpu.memory_space<vmem>> -> memref<10000xf32, #tpu.memory_space<vmem>>
      %dma_wait3A_120 = tpu.memref_slice %arg4[%mul3A_35] : memref<80000xf32, #tpu.memory_space<hbm>> -> memref<10000xf32, #tpu.memory_space<hbm>>
      tpu.wait_dma2 semaphore(%run_scoped3A : memref<!tpu.dma_semaphore, #tpu.memory_space<semaphore_mem>>) src(%dma_wait3A_120 : memref<10000xf32, #tpu.memory_space<hbm>>) dst(%dma_wait3A_119 : memref<10000xf32, #tpu.memory_space<vmem>>)
      tpu.yield
    }) : () -> ()
    %add3A_36 = arith.constant 4 : i32
    %add3A_37 = arith.addi %mul3A_33, %add3A_36 : i32
    %mul3A_38 = arith.constant 10000 : i32
    %mul3A_39 = arith.muli %add3A_37, %mul3A_38 : i32
    "tpu.region"() ({
      %run_scoped3A = tpu.sem_alloc : memref<!tpu.dma_semaphore, #tpu.memory_space<semaphore_mem>>
      %dma_start3A = arith.constant 10000 : i32
      %dma_start3A_111 = tpu.memref_slice %arg11[%dma_start3A] : memref<40000xf32, #tpu.memory_space<vmem>> -> memref<10000xf32, #tpu.memory_space<vmem>>
      %dma_start3A_112 = tpu.memref_slice %arg4[%mul3A_39] : memref<80000xf32, #tpu.memory_space<hbm>> -> memref<10000xf32, #tpu.memory_space<hbm>>
      %dma_start3A_113 = arith.constant 10000 : i32
      %dma_start3A_114 = tpu.memref_slice %arg11[%dma_start3A_113] : memref<40000xf32, #tpu.memory_space<vmem>> -> memref<10000xf32, #tpu.memory_space<vmem>>
      %dma_start3A_115 = tpu.memref_slice %arg4[%mul3A_39] : memref<80000xf32, #tpu.memory_space<hbm>> -> memref<10000xf32, #tpu.memory_space<hbm>>
      tpu.enqueue_dma source(%dma_start3A_115 : memref<10000xf32, #tpu.memory_space<hbm>>) target(%dma_start3A_114 : memref<10000xf32, #tpu.memory_space<vmem>>) target_semaphore(%run_scoped3A : memref<!tpu.dma_semaphore, #tpu.memory_space<semaphore_mem>>)
      %dma_wait3A = arith.constant 10000 : i32
      %dma_wait3A_116 = tpu.memref_slice %arg11[%dma_wait3A] : memref<40000xf32, #tpu.memory_space<vmem>> -> memref<10000xf32, #tpu.memory_space<vmem>>
      %dma_wait3A_117 = tpu.memref_slice %arg4[%mul3A_39] : memref<80000xf32, #tpu.memory_space<hbm>> -> memref<10000xf32, #tpu.memory_space<hbm>>
      %dma_wait3A_118 = arith.constant 10000 : i32
      %dma_wait3A_119 = tpu.memref_slice %arg11[%dma_wait3A_118] : memref<40000xf32, #tpu.memory_space<vmem>> -> memref<10000xf32, #tpu.memory_space<vmem>>
      %dma_wait3A_120 = tpu.memref_slice %arg4[%mul3A_39] : memref<80000xf32, #tpu.memory_space<hbm>> -> memref<10000xf32, #tpu.memory_space<hbm>>
      tpu.wait_dma2 semaphore(%run_scoped3A : memref<!tpu.dma_semaphore, #tpu.memory_space<semaphore_mem>>) src(%dma_wait3A_120 : memref<10000xf32, #tpu.memory_space<hbm>>) dst(%dma_wait3A_119 : memref<10000xf32, #tpu.memory_space<vmem>>)
      tpu.yield
    }) : () -> ()
    %add3A_40 = arith.constant 1 : i32
    %add3A_41 = arith.addi %mul3A_33, %add3A_40 : i32
    %mul3A_42 = arith.constant 10000 : i32
    %mul3A_43 = arith.muli %add3A_41, %mul3A_42 : i32
    "tpu.region"() ({
      %run_scoped3A = tpu.sem_alloc : memref<!tpu.dma_semaphore, #tpu.memory_space<semaphore_mem>>
      %dma_start3A = arith.constant 20000 : i32
      %dma_start3A_111 = tpu.memref_slice %arg11[%dma_start3A] : memref<40000xf32, #tpu.memory_space<vmem>> -> memref<10000xf32, #tpu.memory_space<vmem>>
      %dma_start3A_112 = tpu.memref_slice %arg4[%mul3A_43] : memref<80000xf32, #tpu.memory_space<hbm>> -> memref<10000xf32, #tpu.memory_space<hbm>>
      %dma_start3A_113 = arith.constant 20000 : i32
      %dma_start3A_114 = tpu.memref_slice %arg11[%dma_start3A_113] : memref<40000xf32, #tpu.memory_space<vmem>> -> memref<10000xf32, #tpu.memory_space<vmem>>
      %dma_start3A_115 = tpu.memref_slice %arg4[%mul3A_43] : memref<80000xf32, #tpu.memory_space<hbm>> -> memref<10000xf32, #tpu.memory_space<hbm>>
      tpu.enqueue_dma source(%dma_start3A_115 : memref<10000xf32, #tpu.memory_space<hbm>>) target(%dma_start3A_114 : memref<10000xf32, #tpu.memory_space<vmem>>) target_semaphore(%run_scoped3A : memref<!tpu.dma_semaphore, #tpu.memory_space<semaphore_mem>>)
      %dma_wait3A = arith.constant 20000 : i32
      %dma_wait3A_116 = tpu.memref_slice %arg11[%dma_wait3A] : memref<40000xf32, #tpu.memory_space<vmem>> -> memref<10000xf32, #tpu.memory_space<vmem>>
      %dma_wait3A_117 = tpu.memref_slice %arg4[%mul3A_43] : memref<80000xf32, #tpu.memory_space<hbm>> -> memref<10000xf32, #tpu.memory_space<hbm>>
      %dma_wait3A_118 = arith.constant 20000 : i32
      %dma_wait3A_119 = tpu.memref_slice %arg11[%dma_wait3A_118] : memref<40000xf32, #tpu.memory_space<vmem>> -> memref<10000xf32, #tpu.memory_space<vmem>>
      %dma_wait3A_120 = tpu.memref_slice %arg4[%mul3A_43] : memref<80000xf32, #tpu.memory_space<hbm>> -> memref<10000xf32, #tpu.memory_space<hbm>>
      tpu.wait_dma2 semaphore(%run_scoped3A : memref<!tpu.dma_semaphore, #tpu.memory_space<semaphore_mem>>) src(%dma_wait3A_120 : memref<10000xf32, #tpu.memory_space<hbm>>) dst(%dma_wait3A_119 : memref<10000xf32, #tpu.memory_space<vmem>>)
      tpu.yield
    }) : () -> ()
    %add3A_44 = arith.constant 5 : i32
    %add3A_45 = arith.addi %mul3A_33, %add3A_44 : i32
    %mul3A_46 = arith.constant 10000 : i32
    %mul3A_47 = arith.muli %add3A_45, %mul3A_46 : i32
    "tpu.region"() ({
      %run_scoped3A = tpu.sem_alloc : memref<!tpu.dma_semaphore, #tpu.memory_space<semaphore_mem>>
      %dma_start3A = arith.constant 30000 : i32
      %dma_start3A_111 = tpu.memref_slice %arg11[%dma_start3A] : memref<40000xf32, #tpu.memory_space<vmem>> -> memref<10000xf32, #tpu.memory_space<vmem>>
      %dma_start3A_112 = tpu.memref_slice %arg4[%mul3A_47] : memref<80000xf32, #tpu.memory_space<hbm>> -> memref<10000xf32, #tpu.memory_space<hbm>>
      %dma_start3A_113 = arith.constant 30000 : i32
      %dma_start3A_114 = tpu.memref_slice %arg11[%dma_start3A_113] : memref<40000xf32, #tpu.memory_space<vmem>> -> memref<10000xf32, #tpu.memory_space<vmem>>
      %dma_start3A_115 = tpu.memref_slice %arg4[%mul3A_47] : memref<80000xf32, #tpu.memory_space<hbm>> -> memref<10000xf32, #tpu.memory_space<hbm>>
      tpu.enqueue_dma source(%dma_start3A_115 : memref<10000xf32, #tpu.memory_space<hbm>>) target(%dma_start3A_114 : memref<10000xf32, #tpu.memory_space<vmem>>) target_semaphore(%run_scoped3A : memref<!tpu.dma_semaphore, #tpu.memory_space<semaphore_mem>>)
      %dma_wait3A = arith.constant 30000 : i32
      %dma_wait3A_116 = tpu.memref_slice %arg11[%dma_wait3A] : memref<40000xf32, #tpu.memory_space<vmem>> -> memref<10000xf32, #tpu.memory_space<vmem>>
      %dma_wait3A_117 = tpu.memref_slice %arg4[%mul3A_47] : memref<80000xf32, #tpu.memory_space<hbm>> -> memref<10000xf32, #tpu.memory_space<hbm>>
      %dma_wait3A_118 = arith.constant 30000 : i32
      %dma_wait3A_119 = tpu.memref_slice %arg11[%dma_wait3A_118] : memref<40000xf32, #tpu.memory_space<vmem>> -> memref<10000xf32, #tpu.memory_space<vmem>>
      %dma_wait3A_120 = tpu.memref_slice %arg4[%mul3A_47] : memref<80000xf32, #tpu.memory_space<hbm>> -> memref<10000xf32, #tpu.memory_space<hbm>>
      tpu.wait_dma2 semaphore(%run_scoped3A : memref<!tpu.dma_semaphore, #tpu.memory_space<semaphore_mem>>) src(%dma_wait3A_120 : memref<10000xf32, #tpu.memory_space<hbm>>) dst(%dma_wait3A_119 : memref<10000xf32, #tpu.memory_space<vmem>>)
      tpu.yield
    }) : () -> ()
    %mul3A_48 = arith.constant 16 : i32
    %mul3A_49 = arith.muli %mul3A_33, %mul3A_48 : i32
    "tpu.region"() ({
      %run_scoped3A = tpu.sem_alloc : memref<!tpu.dma_semaphore, #tpu.memory_space<semaphore_mem>>
      %dma_start3A = tpu.memref_slice %arg6[%mul3A_49] : memref<64xf32, #tpu.memory_space<hbm>> -> memref<32xf32, #tpu.memory_space<hbm>>
      %dma_start3A_111 = tpu.memref_slice %arg6[%mul3A_49] : memref<64xf32, #tpu.memory_space<hbm>> -> memref<32xf32, #tpu.memory_space<hbm>>
      tpu.enqueue_dma source(%dma_start3A_111 : memref<32xf32, #tpu.memory_space<hbm>>) target(%arg19 : memref<32xf32, #tpu.memory_space<vmem>>) target_semaphore(%run_scoped3A : memref<!tpu.dma_semaphore, #tpu.memory_space<semaphore_mem>>)
      %dma_wait3A = tpu.memref_slice %arg6[%mul3A_49] : memref<64xf32, #tpu.memory_space<hbm>> -> memref<32xf32, #tpu.memory_space<hbm>>
      %dma_wait3A_112 = tpu.memref_slice %arg6[%mul3A_49] : memref<64xf32, #tpu.memory_space<hbm>> -> memref<32xf32, #tpu.memory_space<hbm>>
      tpu.wait_dma2 semaphore(%run_scoped3A : memref<!tpu.dma_semaphore, #tpu.memory_space<semaphore_mem>>) src(%dma_wait3A_112 : memref<32xf32, #tpu.memory_space<hbm>>) dst(%arg19 : memref<32xf32, #tpu.memory_space<vmem>>)
      tpu.yield
    }) : () -> ()
    %get3A = arith.constant 0 : index
    %get3A_50 = tpu.vector_load %arg19[%get3A] {strides = array<i32>} : memref<32xf32, #tpu.memory_space<vmem>>, vector<16xf32>,
    %get3A_51 = arith.constant 16 : index
    %get3A_52 = tpu.vector_load %arg19[%get3A_51] {strides = array<i32>} : memref<32xf32, #tpu.memory_space<vmem>>, vector<16xf32>,
    %mul3A_53 = arith.constant 20000 : i32
    %mul3A_54 = arith.muli %arg1, %mul3A_53 : i32
    %scan3A_55 = arith.constant 0 : i32
    %scan3A_56 = arith.constant 0 : i32
    %scan3A_57 = arith.constant 10 : i32
    %scan3A_58 = arith.addi %scan3A_56, %scan3A_57 : i32
    %scan3A_59 = arith.constant 1 : i32
    scf.for %scan3A_111 = %scan3A_56 to %scan3A_58 step %scan3A_59  : i32 {
      %mul3A_112 = arith.constant 2000 : i32
      %mul3A_113 = arith.muli %scan3A_111, %mul3A_112 : i32
      %add3A_114 = arith.addi %mul3A_54, %mul3A_113 : i32
      "tpu.region"() ({
        %run_scoped3A = tpu.sem_alloc : memref<!tpu.dma_semaphore, #tpu.memory_space<semaphore_mem>>
        %dma_start3A = tpu.memref_slice %arg2[%add3A_114] : memref<320000xi32, #tpu.memory_space<hbm>> -> memref<2000xi32, #tpu.memory_space<hbm>>
        %dma_start3A_121 = tpu.memref_slice %arg2[%add3A_114] : memref<320000xi32, #tpu.memory_space<hbm>> -> memref<2000xi32, #tpu.memory_space<hbm>>
        tpu.enqueue_dma source(%dma_start3A_121 : memref<2000xi32, #tpu.memory_space<hbm>>) target(%arg14 : memref<2000xi32, #tpu.memory_space<vmem>>) target_semaphore(%run_scoped3A : memref<!tpu.dma_semaphore, #tpu.memory_space<semaphore_mem>>)
        %dma_wait3A = tpu.memref_slice %arg2[%add3A_114] : memref<320000xi32, #tpu.memory_space<hbm>> -> memref<2000xi32, #tpu.memory_space<hbm>>
        %dma_wait3A_122 = tpu.memref_slice %arg2[%add3A_114] : memref<320000xi32, #tpu.memory_space<hbm>> -> memref<2000xi32, #tpu.memory_space<hbm>>
        tpu.wait_dma2 semaphore(%run_scoped3A : memref<!tpu.dma_semaphore, #tpu.memory_space<semaphore_mem>>) src(%dma_wait3A_122 : memref<2000xi32, #tpu.memory_space<hbm>>) dst(%arg14 : memref<2000xi32, #tpu.memory_space<vmem>>)
        tpu.yield
      }) : () -> ()
      "tpu.region"() ({
        %run_scoped3A = tpu.sem_alloc : memref<!tpu.dma_semaphore, #tpu.memory_space<semaphore_mem>>
        %dma_start3A = tpu.memref_slice %arg3[%add3A_114] : memref<320000xi32, #tpu.memory_space<hbm>> -> memref<2000xi32, #tpu.memory_space<hbm>>
        %dma_start3A_121 = tpu.memref_slice %arg3[%add3A_114] : memref<320000xi32, #tpu.memory_space<hbm>> -> memref<2000xi32, #tpu.memory_space<hbm>>
        tpu.enqueue_dma source(%dma_start3A_121 : memref<2000xi32, #tpu.memory_space<hbm>>) target(%arg15 : memref<2000xi32, #tpu.memory_space<vmem>>) target_semaphore(%run_scoped3A : memref<!tpu.dma_semaphore, #tpu.memory_space<semaphore_mem>>)
        %dma_wait3A = tpu.memref_slice %arg3[%add3A_114] : memref<320000xi32, #tpu.memory_space<hbm>> -> memref<2000xi32, #tpu.memory_space<hbm>>
        %dma_wait3A_122 = tpu.memref_slice %arg3[%add3A_114] : memref<320000xi32, #tpu.memory_space<hbm>> -> memref<2000xi32, #tpu.memory_space<hbm>>
        tpu.wait_dma2 semaphore(%run_scoped3A : memref<!tpu.dma_semaphore, #tpu.memory_space<semaphore_mem>>) src(%dma_wait3A_122 : memref<2000xi32, #tpu.memory_space<hbm>>) dst(%arg15 : memref<2000xi32, #tpu.memory_space<vmem>>)
        tpu.yield
      }) : () -> ()
      %scan3A_115 = arith.constant 0 : i32
      %scan3A_116 = arith.constant 0 : i32
      %scan3A_117 = arith.constant 125 : i32
      %scan3A_118 = arith.addi %scan3A_116, %scan3A_117 : i32
      %scan3A_119 = arith.constant 1 : i32
      scf.for %scan3A_121 = %scan3A_116 to %scan3A_118 step %scan3A_119  : i32 {
        %mul3A_122 = arith.constant 16 : i32
        %mul3A_123 = arith.muli %scan3A_121, %mul3A_122 : i32
        %get3A_124 = arith.index_cast %mul3A_123 : i32 to index
        %get3A_125 = tpu.vector_load %arg14[%get3A_124] {strides = array<i32>} : memref<2000xi32, #tpu.memory_space<vmem>>, vector<16xi32>,
        %get3A_126 = arith.index_cast %mul3A_123 : i32 to index
        %get3A_127 = tpu.vector_load %arg15[%get3A_126] {strides = array<i32>} : memref<2000xi32, #tpu.memory_space<vmem>>, vector<16xi32>,
        %add3A_128 = arith.constant 0 : i32
        %add3A_129 = vector.broadcast %add3A_128 : i32 to vector<16xi32>
        %add3A_130 = arith.addi %get3A_125, %add3A_129 : vector<16xi32>
        %gather3A = tpu.vector_load_idx %arg11[%add3A_130] : memref<40000xf32, #tpu.memory_space<vmem>>[vector<16xi32>], vector<16xf32>,
        %add3A_131 = arith.constant 10000 : i32
        %add3A_132 = vector.broadcast %add3A_131 : i32 to vector<16xi32>
        %add3A_133 = arith.addi %get3A_127, %add3A_132 : vector<16xi32>
        %gather3A_134 = tpu.vector_load_idx %arg11[%add3A_133] : memref<40000xf32, #tpu.memory_space<vmem>>[vector<16xi32>], vector<16xf32>,
        %add3A_135 = arith.addf %gather3A, %gather3A_134 : vector<16xf32>
        %mul3A_136 = arith.constant 2.000000e-01 : f32
        %mul3A_137 = vector.broadcast %mul3A_136 : f32 to vector<16xf32>
        %mul3A_138 = arith.mulf %mul3A_137, %add3A_135 : vector<16xf32>
        %max3A = arith.maximumf %add3A_135, %mul3A_138 : vector<16xf32>
        %sub3A = arith.subf %max3A, %get3A_50 : vector<16xf32>
        %exp3A = math.exp %sub3A : vector<16xf32>
        %add3A_139 = arith.constant 0 : i32
        %add3A_140 = vector.broadcast %add3A_139 : i32 to vector<16xi32>
        %add3A_141 = arith.addi %get3A_127, %add3A_140 : vector<16xi32>
        %shift_right_logical3A = arith.constant 4 : i32
        %shift_right_logical3A_142 = vector.broadcast %shift_right_logical3A : i32 to vector<16xi32>
        %shift_right_logical3A_143 = arith.shrui %add3A_141, %shift_right_logical3A_142 : vector<16xi32>
        %and3A = arith.constant 15 : i32
        %and3A_144 = vector.broadcast %and3A : i32 to vector<16xi32>
        %and3A_145 = arith.andi %add3A_141, %and3A_144 : vector<16xi32>
        tpu.vector_store_idx %arg12[%shift_right_logical3A_143, %and3A_145], %exp3A {add = true} : memref<1280x16xf32, #tpu.memory_space<vmem>>[vector<16xi32>, vector<16xi32>], vector<16xf32>,
        %add3A_146 = arith.constant 20000 : i32
        %add3A_147 = vector.broadcast %add3A_146 : i32 to vector<16xi32>
        %add3A_148 = arith.addi %get3A_125, %add3A_147 : vector<16xi32>
        %gather3A_149 = tpu.vector_load_idx %arg11[%add3A_148] : memref<40000xf32, #tpu.memory_space<vmem>>[vector<16xi32>], vector<16xf32>,
        %add3A_150 = arith.constant 30000 : i32
        %add3A_151 = vector.broadcast %add3A_150 : i32 to vector<16xi32>
        %add3A_152 = arith.addi %get3A_127, %add3A_151 : vector<16xi32>
        %gather3A_153 = tpu.vector_load_idx %arg11[%add3A_152] : memref<40000xf32, #tpu.memory_space<vmem>>[vector<16xi32>], vector<16xf32>,
        %add3A_154 = arith.addf %gather3A_149, %gather3A_153 : vector<16xf32>
        %mul3A_155 = arith.constant 2.000000e-01 : f32
        %mul3A_156 = vector.broadcast %mul3A_155 : f32 to vector<16xf32>
        %mul3A_157 = arith.mulf %mul3A_156, %add3A_154 : vector<16xf32>
        %max3A_158 = arith.maximumf %add3A_154, %mul3A_157 : vector<16xf32>
        %sub3A_159 = arith.subf %max3A_158, %get3A_52 : vector<16xf32>
        %exp3A_160 = math.exp %sub3A_159 : vector<16xf32>
        %add3A_161 = arith.constant 10000 : i32
        %add3A_162 = vector.broadcast %add3A_161 : i32 to vector<16xi32>
        %add3A_163 = arith.addi %get3A_127, %add3A_162 : vector<16xi32>
        %shift_right_logical3A_164 = arith.constant 4 : i32
        %shift_right_logical3A_165 = vector.broadcast %shift_right_logical3A_164 : i32 to vector<16xi32>
        %shift_right_logical3A_166 = arith.shrui %add3A_163, %shift_right_logical3A_165 : vector<16xi32>
        %and3A_167 = arith.constant 15 : i32
        %and3A_168 = vector.broadcast %and3A_167 : i32 to vector<16xi32>
        %and3A_169 = arith.andi %add3A_163, %and3A_168 : vector<16xi32>
        tpu.vector_store_idx %arg12[%shift_right_logical3A_166, %and3A_169], %exp3A_160 {add = true} : memref<1280x16xf32, #tpu.memory_space<vmem>>[vector<16xi32>, vector<16xi32>], vector<16xf32>,
      }
      %scan3A_120 = arith.constant 125 : i32
    }
    %scan3A_60 = arith.constant 10 : i32
    "tpu.region"() ({
      %run_scoped3A = tpu.sem_alloc : memref<!tpu.dma_semaphore, #tpu.memory_space<semaphore_mem>>
      %dma_start3A = arith.constant 0 : i32
      %dma_start3A_111 = arith.constant 0 : i32
      %dma_start3A_112 = tpu.memref_slice %arg12[%dma_start3A, %dma_start3A_111] : memref<1280x16xf32, #tpu.memory_space<vmem>> -> memref<640x16xf32, #tpu.memory_space<vmem>>
      %dma_start3A_113 = arith.constant 0 : i32
      %dma_start3A_114 = arith.constant 0 : i32
      %dma_start3A_115 = tpu.memref_slice %arg10[%dma_start3A_113, %dma_start3A_114] : memref<1280x16xf32, #tpu.memory_space<vmem_shared>> -> memref<1280x16xf32, #tpu.memory_space<vmem_shared>>
      tpu.enqueue_indirect_dma source(%dma_start3A_112 : memref<640x16xf32, #tpu.memory_space<vmem>>) target(%dma_start3A_115 : memref<1280x16xf32, #tpu.memory_space<vmem_shared>>) offsets(%arg20 : memref<640xi32, #tpu.memory_space<vmem>>) semaphore(%run_scoped3A : memref<!tpu.dma_semaphore, #tpu.memory_space<semaphore_mem>>) {add = true}
      %dma_wait3A = arith.constant 0 : i32
      %dma_wait3A_116 = arith.constant 0 : i32
      %dma_wait3A_117 = tpu.memref_slice %arg12[%dma_wait3A, %dma_wait3A_116] : memref<1280x16xf32, #tpu.memory_space<vmem>> -> memref<640x16xf32, #tpu.memory_space<vmem>>
      %dma_wait3A_118 = arith.constant 0 : i32
      %dma_wait3A_119 = arith.constant 0 : i32
      %dma_wait3A_120 = tpu.memref_slice %arg10[%dma_wait3A_118, %dma_wait3A_119] : memref<1280x16xf32, #tpu.memory_space<vmem_shared>> -> memref<1280x16xf32, #tpu.memory_space<vmem_shared>>
      tpu.wait_indirect_dma semaphore(%run_scoped3A : memref<!tpu.dma_semaphore, #tpu.memory_space<semaphore_mem>>) src(%dma_wait3A_117 : memref<640x16xf32, #tpu.memory_space<vmem>>) dst(%dma_wait3A_120 : memref<1280x16xf32, #tpu.memory_space<vmem_shared>>)
      tpu.yield
    }) : () -> ()
    "tpu.region"() ({
      %run_scoped3A = tpu.sem_alloc : memref<!tpu.dma_semaphore, #tpu.memory_space<semaphore_mem>>
      %dma_start3A = arith.constant 640 : i32
      %dma_start3A_111 = tpu.memref_slice %arg7[%dma_start3A] : memref<1280xi32, #tpu.memory_space<hbm>> -> memref<640xi32, #tpu.memory_space<hbm>>
      %dma_start3A_112 = arith.constant 640 : i32
      %dma_start3A_113 = tpu.memref_slice %arg7[%dma_start3A_112] : memref<1280xi32, #tpu.memory_space<hbm>> -> memref<640xi32, #tpu.memory_space<hbm>>
      tpu.enqueue_dma source(%dma_start3A_113 : memref<640xi32, #tpu.memory_space<hbm>>) target(%arg20 : memref<640xi32, #tpu.memory_space<vmem>>) target_semaphore(%run_scoped3A : memref<!tpu.dma_semaphore, #tpu.memory_space<semaphore_mem>>)
      %dma_wait3A = arith.constant 640 : i32
      %dma_wait3A_114 = tpu.memref_slice %arg7[%dma_wait3A] : memref<1280xi32, #tpu.memory_space<hbm>> -> memref<640xi32, #tpu.memory_space<hbm>>
      %dma_wait3A_115 = arith.constant 640 : i32
      %dma_wait3A_116 = tpu.memref_slice %arg7[%dma_wait3A_115] : memref<1280xi32, #tpu.memory_space<hbm>> -> memref<640xi32, #tpu.memory_space<hbm>>
      tpu.wait_dma2 semaphore(%run_scoped3A : memref<!tpu.dma_semaphore, #tpu.memory_space<semaphore_mem>>) src(%dma_wait3A_116 : memref<640xi32, #tpu.memory_space<hbm>>) dst(%arg20 : memref<640xi32, #tpu.memory_space<vmem>>)
      tpu.yield
    }) : () -> ()
    "tpu.region"() ({
      %run_scoped3A = tpu.sem_alloc : memref<!tpu.dma_semaphore, #tpu.memory_space<semaphore_mem>>
      %dma_start3A = arith.constant 640 : i32
      %dma_start3A_111 = arith.constant 0 : i32
      %dma_start3A_112 = tpu.memref_slice %arg12[%dma_start3A, %dma_start3A_111] : memref<1280x16xf32, #tpu.memory_space<vmem>> -> memref<640x16xf32, #tpu.memory_space<vmem>>
      %dma_start3A_113 = arith.constant 0 : i32
      %dma_start3A_114 = arith.constant 0 : i32
      %dma_start3A_115 = tpu.memref_slice %arg10[%dma_start3A_113, %dma_start3A_114] : memref<1280x16xf32, #tpu.memory_space<vmem_shared>> -> memref<1280x16xf32, #tpu.memory_space<vmem_shared>>
      tpu.enqueue_indirect_dma source(%dma_start3A_112 : memref<640x16xf32, #tpu.memory_space<vmem>>) target(%dma_start3A_115 : memref<1280x16xf32, #tpu.memory_space<vmem_shared>>) offsets(%arg20 : memref<640xi32, #tpu.memory_space<vmem>>) semaphore(%run_scoped3A : memref<!tpu.dma_semaphore, #tpu.memory_space<semaphore_mem>>) {add = true}
      %dma_wait3A = arith.constant 640 : i32
      %dma_wait3A_116 = arith.constant 0 : i32
      %dma_wait3A_117 = tpu.memref_slice %arg12[%dma_wait3A, %dma_wait3A_116] : memref<1280x16xf32, #tpu.memory_space<vmem>> -> memref<640x16xf32, #tpu.memory_space<vmem>>
      %dma_wait3A_118 = arith.constant 0 : i32
      %dma_wait3A_119 = arith.constant 0 : i32
      %dma_wait3A_120 = tpu.memref_slice %arg10[%dma_wait3A_118, %dma_wait3A_119] : memref<1280x16xf32, #tpu.memory_space<vmem_shared>> -> memref<1280x16xf32, #tpu.memory_space<vmem_shared>>
      tpu.wait_indirect_dma semaphore(%run_scoped3A : memref<!tpu.dma_semaphore, #tpu.memory_space<semaphore_mem>>) src(%dma_wait3A_117 : memref<640x16xf32, #tpu.memory_space<vmem>>) dst(%dma_wait3A_120 : memref<1280x16xf32, #tpu.memory_space<vmem_shared>>)
      tpu.yield
    }) : () -> ()
    %barrier3A_61 = arith.constant 0 : index
    tpu.barrier barrier_id(%barrier3A_61)
    "tpu.region"() ({
      %run_scoped3A = tpu.sem_alloc : memref<!tpu.dma_semaphore, #tpu.memory_space<semaphore_mem>>
      tpu.enqueue_dma source(%arg10 : memref<1280x16xf32, #tpu.memory_space<vmem_shared>>) target(%arg12 : memref<1280x16xf32, #tpu.memory_space<vmem>>) target_semaphore(%run_scoped3A : memref<!tpu.dma_semaphore, #tpu.memory_space<semaphore_mem>>)
      tpu.wait_dma2 semaphore(%run_scoped3A : memref<!tpu.dma_semaphore, #tpu.memory_space<semaphore_mem>>) src(%arg10 : memref<1280x16xf32, #tpu.memory_space<vmem_shared>>) dst(%arg12 : memref<1280x16xf32, #tpu.memory_space<vmem>>)
      tpu.yield
    }) : () -> ()
    %scan3A_62 = arith.constant 0 : i32
    %scan3A_63 = arith.constant 0 : i32
    %scan3A_64 = arith.constant 10 : i32
    %scan3A_65 = arith.addi %scan3A_63, %scan3A_64 : i32
    %scan3A_66 = arith.constant 1 : i32
    scf.for %scan3A_111 = %scan3A_63 to %scan3A_65 step %scan3A_66  : i32 {
      %mul3A_112 = arith.constant 2000 : i32
      %mul3A_113 = arith.muli %scan3A_111, %mul3A_112 : i32
      %add3A_114 = arith.addi %mul3A_54, %mul3A_113 : i32
      "tpu.region"() ({
        %run_scoped3A = tpu.sem_alloc : memref<!tpu.dma_semaphore, #tpu.memory_space<semaphore_mem>>
        %dma_start3A = tpu.memref_slice %arg2[%add3A_114] : memref<320000xi32, #tpu.memory_space<hbm>> -> memref<2000xi32, #tpu.memory_space<hbm>>
        %dma_start3A_121 = tpu.memref_slice %arg2[%add3A_114] : memref<320000xi32, #tpu.memory_space<hbm>> -> memref<2000xi32, #tpu.memory_space<hbm>>
        tpu.enqueue_dma source(%dma_start3A_121 : memref<2000xi32, #tpu.memory_space<hbm>>) target(%arg14 : memref<2000xi32, #tpu.memory_space<vmem>>) target_semaphore(%run_scoped3A : memref<!tpu.dma_semaphore, #tpu.memory_space<semaphore_mem>>)
        %dma_wait3A = tpu.memref_slice %arg2[%add3A_114] : memref<320000xi32, #tpu.memory_space<hbm>> -> memref<2000xi32, #tpu.memory_space<hbm>>
        %dma_wait3A_122 = tpu.memref_slice %arg2[%add3A_114] : memref<320000xi32, #tpu.memory_space<hbm>> -> memref<2000xi32, #tpu.memory_space<hbm>>
        tpu.wait_dma2 semaphore(%run_scoped3A : memref<!tpu.dma_semaphore, #tpu.memory_space<semaphore_mem>>) src(%dma_wait3A_122 : memref<2000xi32, #tpu.memory_space<hbm>>) dst(%arg14 : memref<2000xi32, #tpu.memory_space<vmem>>)
        tpu.yield
      }) : () -> ()
      "tpu.region"() ({
        %run_scoped3A = tpu.sem_alloc : memref<!tpu.dma_semaphore, #tpu.memory_space<semaphore_mem>>
        %dma_start3A = tpu.memref_slice %arg3[%add3A_114] : memref<320000xi32, #tpu.memory_space<hbm>> -> memref<2000xi32, #tpu.memory_space<hbm>>
        %dma_start3A_121 = tpu.memref_slice %arg3[%add3A_114] : memref<320000xi32, #tpu.memory_space<hbm>> -> memref<2000xi32, #tpu.memory_space<hbm>>
        tpu.enqueue_dma source(%dma_start3A_121 : memref<2000xi32, #tpu.memory_space<hbm>>) target(%arg15 : memref<2000xi32, #tpu.memory_space<vmem>>) target_semaphore(%run_scoped3A : memref<!tpu.dma_semaphore, #tpu.memory_space<semaphore_mem>>)
        %dma_wait3A = tpu.memref_slice %arg3[%add3A_114] : memref<320000xi32, #tpu.memory_space<hbm>> -> memref<2000xi32, #tpu.memory_space<hbm>>
        %dma_wait3A_122 = tpu.memref_slice %arg3[%add3A_114] : memref<320000xi32, #tpu.memory_space<hbm>> -> memref<2000xi32, #tpu.memory_space<hbm>>
        tpu.wait_dma2 semaphore(%run_scoped3A : memref<!tpu.dma_semaphore, #tpu.memory_space<semaphore_mem>>) src(%dma_wait3A_122 : memref<2000xi32, #tpu.memory_space<hbm>>) dst(%arg15 : memref<2000xi32, #tpu.memory_space<vmem>>)
        tpu.yield
      }) : () -> ()
      %scan3A_115 = arith.constant 0 : i32
      %scan3A_116 = arith.constant 0 : i32
      %scan3A_117 = arith.constant 5 : i32
      %scan3A_118 = arith.addi %scan3A_116, %scan3A_117 : i32
      %scan3A_119 = arith.constant 1 : i32
      scf.for %scan3A_121 = %scan3A_116 to %scan3A_118 step %scan3A_119  : i32 {
        %scan3A_122 = arith.constant 0 : i32
        %scan3A_123 = arith.constant 0 : i32
        %scan3A_124 = arith.constant 25 : i32
        %scan3A_125 = arith.addi %scan3A_123, %scan3A_124 : i32
        %scan3A_126 = arith.constant 1 : i32
        scf.for %scan3A_146 = %scan3A_123 to %scan3A_125 step %scan3A_126  : i32 {
          %mul3A_147 = arith.constant 400 : i32
          %mul3A_148 = arith.muli %scan3A_121, %mul3A_147 : i32
          %mul3A_149 = arith.constant 16 : i32
          %mul3A_150 = arith.muli %scan3A_146, %mul3A_149 : i32
          %add3A_151 = arith.addi %mul3A_148, %mul3A_150 : i32
          %get3A_152 = arith.index_cast %add3A_151 : i32 to index
          %get3A_153 = tpu.vector_load %arg14[%get3A_152] {strides = array<i32>} : memref<2000xi32, #tpu.memory_space<vmem>>, vector<16xi32>,
          %get3A_154 = arith.index_cast %add3A_151 : i32 to index
          %get3A_155 = tpu.vector_load %arg15[%get3A_154] {strides = array<i32>} : memref<2000xi32, #tpu.memory_space<vmem>>, vector<16xi32>,
          %add3A_156 = arith.constant 0 : i32
          %add3A_157 = vector.broadcast %add3A_156 : i32 to vector<16xi32>
          %add3A_158 = arith.addi %get3A_153, %add3A_157 : vector<16xi32>
          %gather3A = tpu.vector_load_idx %arg11[%add3A_158] : memref<40000xf32, #tpu.memory_space<vmem>>[vector<16xi32>], vector<16xf32>,
          %add3A_159 = arith.constant 10000 : i32
          %add3A_160 = vector.broadcast %add3A_159 : i32 to vector<16xi32>
          %add3A_161 = arith.addi %get3A_155, %add3A_160 : vector<16xi32>
          %gather3A_162 = tpu.vector_load_idx %arg11[%add3A_161] : memref<40000xf32, #tpu.memory_space<vmem>>[vector<16xi32>], vector<16xf32>,
          %add3A_163 = arith.addf %gather3A, %gather3A_162 : vector<16xf32>
          %mul3A_164 = arith.constant 2.000000e-01 : f32
          %mul3A_165 = vector.broadcast %mul3A_164 : f32 to vector<16xf32>
          %mul3A_166 = arith.mulf %mul3A_165, %add3A_163 : vector<16xf32>
          %max3A = arith.maximumf %add3A_163, %mul3A_166 : vector<16xf32>
          %sub3A = arith.subf %max3A, %get3A_50 : vector<16xf32>
          %exp3A = math.exp %sub3A : vector<16xf32>
          %add3A_167 = arith.constant 0 : i32
          %add3A_168 = vector.broadcast %add3A_167 : i32 to vector<16xi32>
          %add3A_169 = arith.addi %get3A_155, %add3A_168 : vector<16xi32>
          %shift_right_logical3A = arith.constant 4 : i32
          %shift_right_logical3A_170 = vector.broadcast %shift_right_logical3A : i32 to vector<16xi32>
          %shift_right_logical3A_171 = arith.shrui %add3A_169, %shift_right_logical3A_170 : vector<16xi32>
          %and3A = arith.constant 15 : i32
          %and3A_172 = vector.broadcast %and3A : i32 to vector<16xi32>
          %and3A_173 = arith.andi %add3A_169, %and3A_172 : vector<16xi32>
          %gather3A_174 = tpu.vector_load_idx %arg12[%shift_right_logical3A_171, %and3A_173] : memref<1280x16xf32, #tpu.memory_space<vmem>>[vector<16xi32>, vector<16xi32>], vector<16xf32>,
          %add3A_175 = arith.constant 1.000000e-16 : f32
          %add3A_176 = vector.broadcast %add3A_175 : f32 to vector<16xf32>
          %add3A_177 = arith.addf %gather3A_174, %add3A_176 : vector<16xf32>
          %div3A = arith.divf %exp3A, %add3A_177 : vector<16xf32>
          %mul3A_178 = arith.constant 16 : i32
          %mul3A_179 = arith.muli %scan3A_146, %mul3A_178 : i32
          %swap3A = arith.index_cast %mul3A_179 : i32 to index
          %swap3A_180 = tpu.vector_load %arg18[%swap3A] {strides = array<i32>} : memref<400xf32, #tpu.memory_space<vmem>>, vector<16xf32>,
          tpu.vector_store %arg18[%swap3A], %div3A {strides = array<i32>} : memref<400xf32, #tpu.memory_space<vmem>>, vector<16xf32>,
          %mul3A_181 = arith.constant 4 : i32
          %mul3A_182 = vector.broadcast %mul3A_181 : i32 to vector<16xi32>
          %mul3A_183 = arith.muli %get3A_153, %mul3A_182 : vector<16xi32>
          %add3A_184 = arith.constant 0 : i32
          %add3A_185 = arith.addi %mul3A_33, %add3A_184 : i32
          %add3A_186 = vector.broadcast %add3A_185 : i32 to vector<16xi32>
          %add3A_187 = arith.addi %mul3A_183, %add3A_186 : vector<16xi32>
          %mul3A_188 = arith.constant 16 : i32
          %mul3A_189 = arith.muli %scan3A_146, %mul3A_188 : i32
          %swap3A_190 = arith.index_cast %mul3A_189 : i32 to index
          %swap3A_191 = tpu.vector_load %arg16[%swap3A_190] {strides = array<i32>} : memref<400xi32, #tpu.memory_space<vmem>>, vector<16xi32>,
          tpu.vector_store %arg16[%swap3A_190], %add3A_187 {strides = array<i32>} : memref<400xi32, #tpu.memory_space<vmem>>, vector<16xi32>,
          %mul3A_192 = arith.constant 2 : i32
          %mul3A_193 = vector.broadcast %mul3A_192 : i32 to vector<16xi32>
          %mul3A_194 = arith.muli %get3A_155, %mul3A_193 : vector<16xi32>
          %add3A_195 = arith.constant 0 : i32
          %add3A_196 = vector.broadcast %add3A_195 : i32 to vector<16xi32>
          %add3A_197 = arith.addi %mul3A_194, %add3A_196 : vector<16xi32>
          %mul3A_198 = arith.constant 16 : i32
          %mul3A_199 = arith.muli %scan3A_146, %mul3A_198 : i32
          %swap3A_200 = arith.index_cast %mul3A_199 : i32 to index
          %swap3A_201 = tpu.vector_load %arg17[%swap3A_200] {strides = array<i32>} : memref<400xi32, #tpu.memory_space<vmem>>, vector<16xi32>,
          tpu.vector_store %arg17[%swap3A_200], %add3A_197 {strides = array<i32>} : memref<400xi32, #tpu.memory_space<vmem>>, vector<16xi32>,
        }
        %scan3A_127 = arith.constant 25 : i32
        "tpu.region"() ({
          %run_scoped3A = tpu.sem_alloc : memref<!tpu.dma_semaphore, #tpu.memory_space<semaphore_mem>>
          %dma_start3A = arith.constant 0 : i32
          %dma_start3A_146 = arith.constant 0 : i32
          %dma_start3A_147 = tpu.memref_slice %arg5[%dma_start3A, %dma_start3A_146] : memref<40000x32xf32, #tpu.memory_space<hbm>> -> memref<40000x32xf32, #tpu.memory_space<hbm>>
          tpu.enqueue_indirect_dma source(%dma_start3A_147 : memref<40000x32xf32, #tpu.memory_space<hbm>>) target(%arg13 : memref<400x32xf32, #tpu.memory_space<vmem>>) offsets(%arg16 : memref<400xi32, #tpu.memory_space<vmem>>) semaphore(%run_scoped3A : memref<!tpu.dma_semaphore, #tpu.memory_space<semaphore_mem>>)
          %dma_wait3A = arith.constant 0 : i32
          %dma_wait3A_148 = arith.constant 0 : i32
          %dma_wait3A_149 = tpu.memref_slice %arg5[%dma_wait3A, %dma_wait3A_148] : memref<40000x32xf32, #tpu.memory_space<hbm>> -> memref<40000x32xf32, #tpu.memory_space<hbm>>
          tpu.wait_indirect_dma semaphore(%run_scoped3A : memref<!tpu.dma_semaphore, #tpu.memory_space<semaphore_mem>>) src(%dma_wait3A_149 : memref<40000x32xf32, #tpu.memory_space<hbm>>) dst(%arg13 : memref<400x32xf32, #tpu.memory_space<vmem>>)
          tpu.yield
        }) : () -> ()
        %scan3A_128 = arith.constant 0 : i32
        %scan3A_129 = arith.constant 0 : i32
        %scan3A_130 = arith.constant 25 : i32
        %scan3A_131 = arith.addi %scan3A_129, %scan3A_130 : i32
        %scan3A_132 = arith.constant 1 : i32
        scf.for %scan3A_146 = %scan3A_129 to %scan3A_131 step %scan3A_132  : i32 {
          %mul3A_147 = arith.constant 16 : i32
          %mul3A_148 = arith.muli %scan3A_146, %mul3A_147 : i32
          %get3A_149 = arith.index_cast %mul3A_148 : i32 to index
          %get3A_150 = tpu.vector_load %arg18[%get3A_149] {strides = array<i32>} : memref<400xf32, #tpu.memory_space<vmem>>, vector<16xf32>,
          %mul3A_151 = arith.constant 16 : i32
          %mul3A_152 = arith.muli %scan3A_146, %mul3A_151 : i32
          %broadcast_in_dim3A_153 = arith.constant 0 : i32
          %broadcast_in_dim3A_154 = vector.broadcast %broadcast_in_dim3A_153 : i32 to vector<16x1xi32>
          %gather3A = vector.shape_cast %broadcast_in_dim3A_154 : vector<16x1xi32> to vector<16xi32>
          %gather3A_155 = tpu.dynamic_gather %get3A_150[%gather3A] in [0] : vector<16xf32>, vector<16xi32> -> vector<16xf32>
          %add3A_156 = arith.constant 0 : i32
          %add3A_157 = arith.addi %mul3A_152, %add3A_156 : i32
          %get3A_158 = arith.index_cast %add3A_157 : i32 to index
          %get3A_159 = arith.constant 0 : index
          %get3A_160 = tpu.vector_load %arg13[%get3A_158, %get3A_159] {strides = array<i32>} : memref<400x32xf32, #tpu.memory_space<vmem>>, vector<16xf32>,
          %add3A_161 = arith.constant 0 : i32
          %add3A_162 = arith.addi %mul3A_152, %add3A_161 : i32
          %get3A_163 = arith.index_cast %add3A_162 : i32 to index
          %get3A_164 = arith.constant 16 : index
          %get3A_165 = tpu.vector_load %arg13[%get3A_163, %get3A_164] {strides = array<i32>} : memref<400x32xf32, #tpu.memory_space<vmem>>, vector<16xf32>,
          %mul3A_166 = arith.mulf %get3A_160, %gather3A_155 : vector<16xf32>
          %add3A_167 = arith.constant 0 : i32
          %add3A_168 = arith.addi %mul3A_152, %add3A_167 : i32
          %swap3A = arith.index_cast %add3A_168 : i32 to index
          %swap3A_169 = arith.constant 0 : index
          %swap3A_170 = tpu.vector_load %arg13[%swap3A, %swap3A_169] {strides = array<i32>} : memref<400x32xf32, #tpu.memory_space<vmem>>, vector<16xf32>,
          tpu.vector_store %arg13[%swap3A, %swap3A_169], %mul3A_166 {strides = array<i32>} : memref<400x32xf32, #tpu.memory_space<vmem>>, vector<16xf32>,
          %mul3A_171 = arith.mulf %get3A_165, %gather3A_155 : vector<16xf32>
          %add3A_172 = arith.constant 0 : i32
          %add3A_173 = arith.addi %mul3A_152, %add3A_172 : i32
          %swap3A_174 = arith.index_cast %add3A_173 : i32 to index
          %swap3A_175 = arith.constant 16 : index
          %swap3A_176 = tpu.vector_load %arg13[%swap3A_174, %swap3A_175] {strides = array<i32>} : memref<400x32xf32, #tpu.memory_space<vmem>>, vector<16xf32>,
          tpu.vector_store %arg13[%swap3A_174, %swap3A_175], %mul3A_171 {strides = array<i32>} : memref<400x32xf32, #tpu.memory_space<vmem>>, vector<16xf32>,
          %broadcast_in_dim3A_177 = arith.constant 1 : i32
          %broadcast_in_dim3A_178 = vector.broadcast %broadcast_in_dim3A_177 : i32 to vector<16x1xi32>
          %gather3A_179 = vector.shape_cast %broadcast_in_dim3A_178 : vector<16x1xi32> to vector<16xi32>
          %gather3A_180 = tpu.dynamic_gather %get3A_150[%gather3A_179] in [0] : vector<16xf32>, vector<16xi32> -> vector<16xf32>
          %add3A_181 = arith.constant 1 : i32
          %add3A_182 = arith.addi %mul3A_152, %add3A_181 : i32
          %get3A_183 = arith.index_cast %add3A_182 : i32 to index
          %get3A_184 = arith.constant 0 : index
          %get3A_185 = tpu.vector_load %arg13[%get3A_183, %get3A_184] {strides = array<i32>} : memref<400x32xf32, #tpu.memory_space<vmem>>, vector<16xf32>,
          %add3A_186 = arith.constant 1 : i32
          %add3A_187 = arith.addi %mul3A_152, %add3A_186 : i32
          %get3A_188 = arith.index_cast %add3A_187 : i32 to index
          %get3A_189 = arith.constant 16 : index
          %get3A_190 = tpu.vector_load %arg13[%get3A_188, %get3A_189] {strides = array<i32>} : memref<400x32xf32, #tpu.memory_space<vmem>>, vector<16xf32>,
          %mul3A_191 = arith.mulf %get3A_185, %gather3A_180 : vector<16xf32>
          %add3A_192 = arith.constant 1 : i32
          %add3A_193 = arith.addi %mul3A_152, %add3A_192 : i32
          %swap3A_194 = arith.index_cast %add3A_193 : i32 to index
          %swap3A_195 = arith.constant 0 : index
          %swap3A_196 = tpu.vector_load %arg13[%swap3A_194, %swap3A_195] {strides = array<i32>} : memref<400x32xf32, #tpu.memory_space<vmem>>, vector<16xf32>,
          tpu.vector_store %arg13[%swap3A_194, %swap3A_195], %mul3A_191 {strides = array<i32>} : memref<400x32xf32, #tpu.memory_space<vmem>>, vector<16xf32>,
          %mul3A_197 = arith.mulf %get3A_190, %gather3A_180 : vector<16xf32>
          %add3A_198 = arith.constant 1 : i32
          %add3A_199 = arith.addi %mul3A_152, %add3A_198 : i32
          %swap3A_200 = arith.index_cast %add3A_199 : i32 to index
          %swap3A_201 = arith.constant 16 : index
          %swap3A_202 = tpu.vector_load %arg13[%swap3A_200, %swap3A_201] {strides = array<i32>} : memref<400x32xf32, #tpu.memory_space<vmem>>, vector<16xf32>,
          tpu.vector_store %arg13[%swap3A_200, %swap3A_201], %mul3A_197 {strides = array<i32>} : memref<400x32xf32, #tpu.memory_space<vmem>>, vector<16xf32>,
          %broadcast_in_dim3A_203 = arith.constant 2 : i32
          %broadcast_in_dim3A_204 = vector.broadcast %broadcast_in_dim3A_203 : i32 to vector<16x1xi32>
          %gather3A_205 = vector.shape_cast %broadcast_in_dim3A_204 : vector<16x1xi32> to vector<16xi32>
          %gather3A_206 = tpu.dynamic_gather %get3A_150[%gather3A_205] in [0] : vector<16xf32>, vector<16xi32> -> vector<16xf32>
          %add3A_207 = arith.constant 2 : i32
          %add3A_208 = arith.addi %mul3A_152, %add3A_207 : i32
          %get3A_209 = arith.index_cast %add3A_208 : i32 to index
          %get3A_210 = arith.constant 0 : index
          %get3A_211 = tpu.vector_load %arg13[%get3A_209, %get3A_210] {strides = array<i32>} : memref<400x32xf32, #tpu.memory_space<vmem>>, vector<16xf32>,
          %add3A_212 = arith.constant 2 : i32
          %add3A_213 = arith.addi %mul3A_152, %add3A_212 : i32
          %get3A_214 = arith.index_cast %add3A_213 : i32 to index
          %get3A_215 = arith.constant 16 : index
          %get3A_216 = tpu.vector_load %arg13[%get3A_214, %get3A_215] {strides = array<i32>} : memref<400x32xf32, #tpu.memory_space<vmem>>, vector<16xf32>,
          %mul3A_217 = arith.mulf %get3A_211, %gather3A_206 : vector<16xf32>
          %add3A_218 = arith.constant 2 : i32
          %add3A_219 = arith.addi %mul3A_152, %add3A_218 : i32
          %swap3A_220 = arith.index_cast %add3A_219 : i32 to index
          %swap3A_221 = arith.constant 0 : index
          %swap3A_222 = tpu.vector_load %arg13[%swap3A_220, %swap3A_221] {strides = array<i32>} : memref<400x32xf32, #tpu.memory_space<vmem>>, vector<16xf32>,
          tpu.vector_store %arg13[%swap3A_220, %swap3A_221], %mul3A_217 {strides = array<i32>} : memref<400x32xf32, #tpu.memory_space<vmem>>, vector<16xf32>,
          %mul3A_223 = arith.mulf %get3A_216, %gather3A_206 : vector<16xf32>
          %add3A_224 = arith.constant 2 : i32
          %add3A_225 = arith.addi %mul3A_152, %add3A_224 : i32
          %swap3A_226 = arith.index_cast %add3A_225 : i32 to index
          %swap3A_227 = arith.constant 16 : index
          %swap3A_228 = tpu.vector_load %arg13[%swap3A_226, %swap3A_227] {strides = array<i32>} : memref<400x32xf32, #tpu.memory_space<vmem>>, vector<16xf32>,
          tpu.vector_store %arg13[%swap3A_226, %swap3A_227], %mul3A_223 {strides = array<i32>} : memref<400x32xf32, #tpu.memory_space<vmem>>, vector<16xf32>,
          %broadcast_in_dim3A_229 = arith.constant 3 : i32
          %broadcast_in_dim3A_230 = vector.broadcast %broadcast_in_dim3A_229 : i32 to vector<16x1xi32>
          %gather3A_231 = vector.shape_cast %broadcast_in_dim3A_230 : vector<16x1xi32> to vector<16xi32>
          %gather3A_232 = tpu.dynamic_gather %get3A_150[%gather3A_231] in [0] : vector<16xf32>, vector<16xi32> -> vector<16xf32>
          %add3A_233 = arith.constant 3 : i32
          %add3A_234 = arith.addi %mul3A_152, %add3A_233 : i32
          %get3A_235 = arith.index_cast %add3A_234 : i32 to index
          %get3A_236 = arith.constant 0 : index
          %get3A_237 = tpu.vector_load %arg13[%get3A_235, %get3A_236] {strides = array<i32>} : memref<400x32xf32, #tpu.memory_space<vmem>>, vector<16xf32>,
          %add3A_238 = arith.constant 3 : i32
          %add3A_239 = arith.addi %mul3A_152, %add3A_238 : i32
          %get3A_240 = arith.index_cast %add3A_239 : i32 to index
          %get3A_241 = arith.constant 16 : index
          %get3A_242 = tpu.vector_load %arg13[%get3A_240, %get3A_241] {strides = array<i32>} : memref<400x32xf32, #tpu.memory_space<vmem>>, vector<16xf32>,
          %mul3A_243 = arith.mulf %get3A_237, %gather3A_232 : vector<16xf32>
          %add3A_244 = arith.constant 3 : i32
          %add3A_245 = arith.addi %mul3A_152, %add3A_244 : i32
          %swap3A_246 = arith.index_cast %add3A_245 : i32 to index
          %swap3A_247 = arith.constant 0 : index
          %swap3A_248 = tpu.vector_load %arg13[%swap3A_246, %swap3A_247] {strides = array<i32>} : memref<400x32xf32, #tpu.memory_space<vmem>>, vector<16xf32>,
          tpu.vector_store %arg13[%swap3A_246, %swap3A_247], %mul3A_243 {strides = array<i32>} : memref<400x32xf32, #tpu.memory_space<vmem>>, vector<16xf32>,
          %mul3A_249 = arith.mulf %get3A_242, %gather3A_232 : vector<16xf32>
          %add3A_250 = arith.constant 3 : i32
          %add3A_251 = arith.addi %mul3A_152, %add3A_250 : i32
          %swap3A_252 = arith.index_cast %add3A_251 : i32 to index
          %swap3A_253 = arith.constant 16 : index
          %swap3A_254 = tpu.vector_load %arg13[%swap3A_252, %swap3A_253] {strides = array<i32>} : memref<400x32xf32, #tpu.memory_space<vmem>>, vector<16xf32>,
          tpu.vector_store %arg13[%swap3A_252, %swap3A_253], %mul3A_249 {strides = array<i32>} : memref<400x32xf32, #tpu.memory_space<vmem>>, vector<16xf32>,
          %broadcast_in_dim3A_255 = arith.constant 4 : i32
          %broadcast_in_dim3A_256 = vector.broadcast %broadcast_in_dim3A_255 : i32 to vector<16x1xi32>
          %gather3A_257 = vector.shape_cast %broadcast_in_dim3A_256 : vector<16x1xi32> to vector<16xi32>
          %gather3A_258 = tpu.dynamic_gather %get3A_150[%gather3A_257] in [0] : vector<16xf32>, vector<16xi32> -> vector<16xf32>
          %add3A_259 = arith.constant 4 : i32
          %add3A_260 = arith.addi %mul3A_152, %add3A_259 : i32
          %get3A_261 = arith.index_cast %add3A_260 : i32 to index
          %get3A_262 = arith.constant 0 : index
          %get3A_263 = tpu.vector_load %arg13[%get3A_261, %get3A_262] {strides = array<i32>} : memref<400x32xf32, #tpu.memory_space<vmem>>, vector<16xf32>,
          %add3A_264 = arith.constant 4 : i32
          %add3A_265 = arith.addi %mul3A_152, %add3A_264 : i32
          %get3A_266 = arith.index_cast %add3A_265 : i32 to index
          %get3A_267 = arith.constant 16 : index
          %get3A_268 = tpu.vector_load %arg13[%get3A_266, %get3A_267] {strides = array<i32>} : memref<400x32xf32, #tpu.memory_space<vmem>>, vector<16xf32>,
          %mul3A_269 = arith.mulf %get3A_263, %gather3A_258 : vector<16xf32>
          %add3A_270 = arith.constant 4 : i32
          %add3A_271 = arith.addi %mul3A_152, %add3A_270 : i32
          %swap3A_272 = arith.index_cast %add3A_271 : i32 to index
          %swap3A_273 = arith.constant 0 : index
          %swap3A_274 = tpu.vector_load %arg13[%swap3A_272, %swap3A_273] {strides = array<i32>} : memref<400x32xf32, #tpu.memory_space<vmem>>, vector<16xf32>,
          tpu.vector_store %arg13[%swap3A_272, %swap3A_273], %mul3A_269 {strides = array<i32>} : memref<400x32xf32, #tpu.memory_space<vmem>>, vector<16xf32>,
          %mul3A_275 = arith.mulf %get3A_268, %gather3A_258 : vector<16xf32>
          %add3A_276 = arith.constant 4 : i32
          %add3A_277 = arith.addi %mul3A_152, %add3A_276 : i32
          %swap3A_278 = arith.index_cast %add3A_277 : i32 to index
          %swap3A_279 = arith.constant 16 : index
          %swap3A_280 = tpu.vector_load %arg13[%swap3A_278, %swap3A_279] {strides = array<i32>} : memref<400x32xf32, #tpu.memory_space<vmem>>, vector<16xf32>,
          tpu.vector_store %arg13[%swap3A_278, %swap3A_279], %mul3A_275 {strides = array<i32>} : memref<400x32xf32, #tpu.memory_space<vmem>>, vector<16xf32>,
          %broadcast_in_dim3A_281 = arith.constant 5 : i32
          %broadcast_in_dim3A_282 = vector.broadcast %broadcast_in_dim3A_281 : i32 to vector<16x1xi32>
          %gather3A_283 = vector.shape_cast %broadcast_in_dim3A_282 : vector<16x1xi32> to vector<16xi32>
          %gather3A_284 = tpu.dynamic_gather %get3A_150[%gather3A_283] in [0] : vector<16xf32>, vector<16xi32> -> vector<16xf32>
          %add3A_285 = arith.constant 5 : i32
          %add3A_286 = arith.addi %mul3A_152, %add3A_285 : i32
          %get3A_287 = arith.index_cast %add3A_286 : i32 to index
          %get3A_288 = arith.constant 0 : index
          %get3A_289 = tpu.vector_load %arg13[%get3A_287, %get3A_288] {strides = array<i32>} : memref<400x32xf32, #tpu.memory_space<vmem>>, vector<16xf32>,
          %add3A_290 = arith.constant 5 : i32
          %add3A_291 = arith.addi %mul3A_152, %add3A_290 : i32
          %get3A_292 = arith.index_cast %add3A_291 : i32 to index
          %get3A_293 = arith.constant 16 : index
          %get3A_294 = tpu.vector_load %arg13[%get3A_292, %get3A_293] {strides = array<i32>} : memref<400x32xf32, #tpu.memory_space<vmem>>, vector<16xf32>,
          %mul3A_295 = arith.mulf %get3A_289, %gather3A_284 : vector<16xf32>
          %add3A_296 = arith.constant 5 : i32
          %add3A_297 = arith.addi %mul3A_152, %add3A_296 : i32
          %swap3A_298 = arith.index_cast %add3A_297 : i32 to index
          %swap3A_299 = arith.constant 0 : index
          %swap3A_300 = tpu.vector_load %arg13[%swap3A_298, %swap3A_299] {strides = array<i32>} : memref<400x32xf32, #tpu.memory_space<vmem>>, vector<16xf32>,
          tpu.vector_store %arg13[%swap3A_298, %swap3A_299], %mul3A_295 {strides = array<i32>} : memref<400x32xf32, #tpu.memory_space<vmem>>, vector<16xf32>,
          %mul3A_301 = arith.mulf %get3A_294, %gather3A_284 : vector<16xf32>
          %add3A_302 = arith.constant 5 : i32
          %add3A_303 = arith.addi %mul3A_152, %add3A_302 : i32
          %swap3A_304 = arith.index_cast %add3A_303 : i32 to index
          %swap3A_305 = arith.constant 16 : index
          %swap3A_306 = tpu.vector_load %arg13[%swap3A_304, %swap3A_305] {strides = array<i32>} : memref<400x32xf32, #tpu.memory_space<vmem>>, vector<16xf32>,
          tpu.vector_store %arg13[%swap3A_304, %swap3A_305], %mul3A_301 {strides = array<i32>} : memref<400x32xf32, #tpu.memory_space<vmem>>, vector<16xf32>,
          %broadcast_in_dim3A_307 = arith.constant 6 : i32
          %broadcast_in_dim3A_308 = vector.broadcast %broadcast_in_dim3A_307 : i32 to vector<16x1xi32>
          %gather3A_309 = vector.shape_cast %broadcast_in_dim3A_308 : vector<16x1xi32> to vector<16xi32>
          %gather3A_310 = tpu.dynamic_gather %get3A_150[%gather3A_309] in [0] : vector<16xf32>, vector<16xi32> -> vector<16xf32>
          %add3A_311 = arith.constant 6 : i32
          %add3A_312 = arith.addi %mul3A_152, %add3A_311 : i32
          %get3A_313 = arith.index_cast %add3A_312 : i32 to index
          %get3A_314 = arith.constant 0 : index
          %get3A_315 = tpu.vector_load %arg13[%get3A_313, %get3A_314] {strides = array<i32>} : memref<400x32xf32, #tpu.memory_space<vmem>>, vector<16xf32>,
          %add3A_316 = arith.constant 6 : i32
          %add3A_317 = arith.addi %mul3A_152, %add3A_316 : i32
          %get3A_318 = arith.index_cast %add3A_317 : i32 to index
          %get3A_319 = arith.constant 16 : index
          %get3A_320 = tpu.vector_load %arg13[%get3A_318, %get3A_319] {strides = array<i32>} : memref<400x32xf32, #tpu.memory_space<vmem>>, vector<16xf32>,
          %mul3A_321 = arith.mulf %get3A_315, %gather3A_310 : vector<16xf32>
          %add3A_322 = arith.constant 6 : i32
          %add3A_323 = arith.addi %mul3A_152, %add3A_322 : i32
          %swap3A_324 = arith.index_cast %add3A_323 : i32 to index
          %swap3A_325 = arith.constant 0 : index
          %swap3A_326 = tpu.vector_load %arg13[%swap3A_324, %swap3A_325] {strides = array<i32>} : memref<400x32xf32, #tpu.memory_space<vmem>>, vector<16xf32>,
          tpu.vector_store %arg13[%swap3A_324, %swap3A_325], %mul3A_321 {strides = array<i32>} : memref<400x32xf32, #tpu.memory_space<vmem>>, vector<16xf32>,
          %mul3A_327 = arith.mulf %get3A_320, %gather3A_310 : vector<16xf32>
          %add3A_328 = arith.constant 6 : i32
          %add3A_329 = arith.addi %mul3A_152, %add3A_328 : i32
          %swap3A_330 = arith.index_cast %add3A_329 : i32 to index
          %swap3A_331 = arith.constant 16 : index
          %swap3A_332 = tpu.vector_load %arg13[%swap3A_330, %swap3A_331] {strides = array<i32>} : memref<400x32xf32, #tpu.memory_space<vmem>>, vector<16xf32>,
          tpu.vector_store %arg13[%swap3A_330, %swap3A_331], %mul3A_327 {strides = array<i32>} : memref<400x32xf32, #tpu.memory_space<vmem>>, vector<16xf32>,
          %broadcast_in_dim3A_333 = arith.constant 7 : i32
          %broadcast_in_dim3A_334 = vector.broadcast %broadcast_in_dim3A_333 : i32 to vector<16x1xi32>
          %gather3A_335 = vector.shape_cast %broadcast_in_dim3A_334 : vector<16x1xi32> to vector<16xi32>
          %gather3A_336 = tpu.dynamic_gather %get3A_150[%gather3A_335] in [0] : vector<16xf32>, vector<16xi32> -> vector<16xf32>
          %add3A_337 = arith.constant 7 : i32
          %add3A_338 = arith.addi %mul3A_152, %add3A_337 : i32
          %get3A_339 = arith.index_cast %add3A_338 : i32 to index
          %get3A_340 = arith.constant 0 : index
          %get3A_341 = tpu.vector_load %arg13[%get3A_339, %get3A_340] {strides = array<i32>} : memref<400x32xf32, #tpu.memory_space<vmem>>, vector<16xf32>,
          %add3A_342 = arith.constant 7 : i32
          %add3A_343 = arith.addi %mul3A_152, %add3A_342 : i32
          %get3A_344 = arith.index_cast %add3A_343 : i32 to index
          %get3A_345 = arith.constant 16 : index
          %get3A_346 = tpu.vector_load %arg13[%get3A_344, %get3A_345] {strides = array<i32>} : memref<400x32xf32, #tpu.memory_space<vmem>>, vector<16xf32>,
          %mul3A_347 = arith.mulf %get3A_341, %gather3A_336 : vector<16xf32>
          %add3A_348 = arith.constant 7 : i32
          %add3A_349 = arith.addi %mul3A_152, %add3A_348 : i32
          %swap3A_350 = arith.index_cast %add3A_349 : i32 to index
          %swap3A_351 = arith.constant 0 : index
          %swap3A_352 = tpu.vector_load %arg13[%swap3A_350, %swap3A_351] {strides = array<i32>} : memref<400x32xf32, #tpu.memory_space<vmem>>, vector<16xf32>,
          tpu.vector_store %arg13[%swap3A_350, %swap3A_351], %mul3A_347 {strides = array<i32>} : memref<400x32xf32, #tpu.memory_space<vmem>>, vector<16xf32>,
          %mul3A_353 = arith.mulf %get3A_346, %gather3A_336 : vector<16xf32>
          %add3A_354 = arith.constant 7 : i32
          %add3A_355 = arith.addi %mul3A_152, %add3A_354 : i32
          %swap3A_356 = arith.index_cast %add3A_355 : i32 to index
          %swap3A_357 = arith.constant 16 : index
          %swap3A_358 = tpu.vector_load %arg13[%swap3A_356, %swap3A_357] {strides = array<i32>} : memref<400x32xf32, #tpu.memory_space<vmem>>, vector<16xf32>,
          tpu.vector_store %arg13[%swap3A_356, %swap3A_357], %mul3A_353 {strides = array<i32>} : memref<400x32xf32, #tpu.memory_space<vmem>>, vector<16xf32>,
          %broadcast_in_dim3A_359 = arith.constant 8 : i32
          %broadcast_in_dim3A_360 = vector.broadcast %broadcast_in_dim3A_359 : i32 to vector<16x1xi32>
          %gather3A_361 = vector.shape_cast %broadcast_in_dim3A_360 : vector<16x1xi32> to vector<16xi32>
          %gather3A_362 = tpu.dynamic_gather %get3A_150[%gather3A_361] in [0] : vector<16xf32>, vector<16xi32> -> vector<16xf32>
          %add3A_363 = arith.constant 8 : i32
          %add3A_364 = arith.addi %mul3A_152, %add3A_363 : i32
          %get3A_365 = arith.index_cast %add3A_364 : i32 to index
          %get3A_366 = arith.constant 0 : index
          %get3A_367 = tpu.vector_load %arg13[%get3A_365, %get3A_366] {strides = array<i32>} : memref<400x32xf32, #tpu.memory_space<vmem>>, vector<16xf32>,
          %add3A_368 = arith.constant 8 : i32
          %add3A_369 = arith.addi %mul3A_152, %add3A_368 : i32
          %get3A_370 = arith.index_cast %add3A_369 : i32 to index
          %get3A_371 = arith.constant 16 : index
          %get3A_372 = tpu.vector_load %arg13[%get3A_370, %get3A_371] {strides = array<i32>} : memref<400x32xf32, #tpu.memory_space<vmem>>, vector<16xf32>,
          %mul3A_373 = arith.mulf %get3A_367, %gather3A_362 : vector<16xf32>
          %add3A_374 = arith.constant 8 : i32
          %add3A_375 = arith.addi %mul3A_152, %add3A_374 : i32
          %swap3A_376 = arith.index_cast %add3A_375 : i32 to index
          %swap3A_377 = arith.constant 0 : index
          %swap3A_378 = tpu.vector_load %arg13[%swap3A_376, %swap3A_377] {strides = array<i32>} : memref<400x32xf32, #tpu.memory_space<vmem>>, vector<16xf32>,
          tpu.vector_store %arg13[%swap3A_376, %swap3A_377], %mul3A_373 {strides = array<i32>} : memref<400x32xf32, #tpu.memory_space<vmem>>, vector<16xf32>,
          %mul3A_379 = arith.mulf %get3A_372, %gather3A_362 : vector<16xf32>
          %add3A_380 = arith.constant 8 : i32
          %add3A_381 = arith.addi %mul3A_152, %add3A_380 : i32
          %swap3A_382 = arith.index_cast %add3A_381 : i32 to index
          %swap3A_383 = arith.constant 16 : index
          %swap3A_384 = tpu.vector_load %arg13[%swap3A_382, %swap3A_383] {strides = array<i32>} : memref<400x32xf32, #tpu.memory_space<vmem>>, vector<16xf32>,
          tpu.vector_store %arg13[%swap3A_382, %swap3A_383], %mul3A_379 {strides = array<i32>} : memref<400x32xf32, #tpu.memory_space<vmem>>, vector<16xf32>,
          %broadcast_in_dim3A_385 = arith.constant 9 : i32
          %broadcast_in_dim3A_386 = vector.broadcast %broadcast_in_dim3A_385 : i32 to vector<16x1xi32>
          %gather3A_387 = vector.shape_cast %broadcast_in_dim3A_386 : vector<16x1xi32> to vector<16xi32>
          %gather3A_388 = tpu.dynamic_gather %get3A_150[%gather3A_387] in [0] : vector<16xf32>, vector<16xi32> -> vector<16xf32>
          %add3A_389 = arith.constant 9 : i32
          %add3A_390 = arith.addi %mul3A_152, %add3A_389 : i32
          %get3A_391 = arith.index_cast %add3A_390 : i32 to index
          %get3A_392 = arith.constant 0 : index
          %get3A_393 = tpu.vector_load %arg13[%get3A_391, %get3A_392] {strides = array<i32>} : memref<400x32xf32, #tpu.memory_space<vmem>>, vector<16xf32>,
          %add3A_394 = arith.constant 9 : i32
          %add3A_395 = arith.addi %mul3A_152, %add3A_394 : i32
          %get3A_396 = arith.index_cast %add3A_395 : i32 to index
          %get3A_397 = arith.constant 16 : index
          %get3A_398 = tpu.vector_load %arg13[%get3A_396, %get3A_397] {strides = array<i32>} : memref<400x32xf32, #tpu.memory_space<vmem>>, vector<16xf32>,
          %mul3A_399 = arith.mulf %get3A_393, %gather3A_388 : vector<16xf32>
          %add3A_400 = arith.constant 9 : i32
          %add3A_401 = arith.addi %mul3A_152, %add3A_400 : i32
          %swap3A_402 = arith.index_cast %add3A_401 : i32 to index
          %swap3A_403 = arith.constant 0 : index
          %swap3A_404 = tpu.vector_load %arg13[%swap3A_402, %swap3A_403] {strides = array<i32>} : memref<400x32xf32, #tpu.memory_space<vmem>>, vector<16xf32>,
          tpu.vector_store %arg13[%swap3A_402, %swap3A_403], %mul3A_399 {strides = array<i32>} : memref<400x32xf32, #tpu.memory_space<vmem>>, vector<16xf32>,
          %mul3A_405 = arith.mulf %get3A_398, %gather3A_388 : vector<16xf32>
          %add3A_406 = arith.constant 9 : i32
          %add3A_407 = arith.addi %mul3A_152, %add3A_406 : i32
          %swap3A_408 = arith.index_cast %add3A_407 : i32 to index
          %swap3A_409 = arith.constant 16 : index
          %swap3A_410 = tpu.vector_load %arg13[%swap3A_408, %swap3A_409] {strides = array<i32>} : memref<400x32xf32, #tpu.memory_space<vmem>>, vector<16xf32>,
          tpu.vector_store %arg13[%swap3A_408, %swap3A_409], %mul3A_405 {strides = array<i32>} : memref<400x32xf32, #tpu.memory_space<vmem>>, vector<16xf32>,
          %broadcast_in_dim3A_411 = arith.constant 10 : i32
          %broadcast_in_dim3A_412 = vector.broadcast %broadcast_in_dim3A_411 : i32 to vector<16x1xi32>
          %gather3A_413 = vector.shape_cast %broadcast_in_dim3A_412 : vector<16x1xi32> to vector<16xi32>
          %gather3A_414 = tpu.dynamic_gather %get3A_150[%gather3A_413] in [0] : vector<16xf32>, vector<16xi32> -> vector<16xf32>
          %add3A_415 = arith.constant 10 : i32
          %add3A_416 = arith.addi %mul3A_152, %add3A_415 : i32
          %get3A_417 = arith.index_cast %add3A_416 : i32 to index
          %get3A_418 = arith.constant 0 : index
          %get3A_419 = tpu.vector_load %arg13[%get3A_417, %get3A_418] {strides = array<i32>} : memref<400x32xf32, #tpu.memory_space<vmem>>, vector<16xf32>,
          %add3A_420 = arith.constant 10 : i32
          %add3A_421 = arith.addi %mul3A_152, %add3A_420 : i32
          %get3A_422 = arith.index_cast %add3A_421 : i32 to index
          %get3A_423 = arith.constant 16 : index
          %get3A_424 = tpu.vector_load %arg13[%get3A_422, %get3A_423] {strides = array<i32>} : memref<400x32xf32, #tpu.memory_space<vmem>>, vector<16xf32>,
          %mul3A_425 = arith.mulf %get3A_419, %gather3A_414 : vector<16xf32>
          %add3A_426 = arith.constant 10 : i32
          %add3A_427 = arith.addi %mul3A_152, %add3A_426 : i32
          %swap3A_428 = arith.index_cast %add3A_427 : i32 to index
          %swap3A_429 = arith.constant 0 : index
          %swap3A_430 = tpu.vector_load %arg13[%swap3A_428, %swap3A_429] {strides = array<i32>} : memref<400x32xf32, #tpu.memory_space<vmem>>, vector<16xf32>,
          tpu.vector_store %arg13[%swap3A_428, %swap3A_429], %mul3A_425 {strides = array<i32>} : memref<400x32xf32, #tpu.memory_space<vmem>>, vector<16xf32>,
          %mul3A_431 = arith.mulf %get3A_424, %gather3A_414 : vector<16xf32>
          %add3A_432 = arith.constant 10 : i32
          %add3A_433 = arith.addi %mul3A_152, %add3A_432 : i32
          %swap3A_434 = arith.index_cast %add3A_433 : i32 to index
          %swap3A_435 = arith.constant 16 : index
          %swap3A_436 = tpu.vector_load %arg13[%swap3A_434, %swap3A_435] {strides = array<i32>} : memref<400x32xf32, #tpu.memory_space<vmem>>, vector<16xf32>,
          tpu.vector_store %arg13[%swap3A_434, %swap3A_435], %mul3A_431 {strides = array<i32>} : memref<400x32xf32, #tpu.memory_space<vmem>>, vector<16xf32>,
          %broadcast_in_dim3A_437 = arith.constant 11 : i32
          %broadcast_in_dim3A_438 = vector.broadcast %broadcast_in_dim3A_437 : i32 to vector<16x1xi32>
          %gather3A_439 = vector.shape_cast %broadcast_in_dim3A_438 : vector<16x1xi32> to vector<16xi32>
          %gather3A_440 = tpu.dynamic_gather %get3A_150[%gather3A_439] in [0] : vector<16xf32>, vector<16xi32> -> vector<16xf32>
          %add3A_441 = arith.constant 11 : i32
          %add3A_442 = arith.addi %mul3A_152, %add3A_441 : i32
          %get3A_443 = arith.index_cast %add3A_442 : i32 to index
          %get3A_444 = arith.constant 0 : index
          %get3A_445 = tpu.vector_load %arg13[%get3A_443, %get3A_444] {strides = array<i32>} : memref<400x32xf32, #tpu.memory_space<vmem>>, vector<16xf32>,
          %add3A_446 = arith.constant 11 : i32
          %add3A_447 = arith.addi %mul3A_152, %add3A_446 : i32
          %get3A_448 = arith.index_cast %add3A_447 : i32 to index
          %get3A_449 = arith.constant 16 : index
          %get3A_450 = tpu.vector_load %arg13[%get3A_448, %get3A_449] {strides = array<i32>} : memref<400x32xf32, #tpu.memory_space<vmem>>, vector<16xf32>,
          %mul3A_451 = arith.mulf %get3A_445, %gather3A_440 : vector<16xf32>
          %add3A_452 = arith.constant 11 : i32
          %add3A_453 = arith.addi %mul3A_152, %add3A_452 : i32
          %swap3A_454 = arith.index_cast %add3A_453 : i32 to index
          %swap3A_455 = arith.constant 0 : index
          %swap3A_456 = tpu.vector_load %arg13[%swap3A_454, %swap3A_455] {strides = array<i32>} : memref<400x32xf32, #tpu.memory_space<vmem>>, vector<16xf32>,
          tpu.vector_store %arg13[%swap3A_454, %swap3A_455], %mul3A_451 {strides = array<i32>} : memref<400x32xf32, #tpu.memory_space<vmem>>, vector<16xf32>,
          %mul3A_457 = arith.mulf %get3A_450, %gather3A_440 : vector<16xf32>
          %add3A_458 = arith.constant 11 : i32
          %add3A_459 = arith.addi %mul3A_152, %add3A_458 : i32
          %swap3A_460 = arith.index_cast %add3A_459 : i32 to index
          %swap3A_461 = arith.constant 16 : index
          %swap3A_462 = tpu.vector_load %arg13[%swap3A_460, %swap3A_461] {strides = array<i32>} : memref<400x32xf32, #tpu.memory_space<vmem>>, vector<16xf32>,
          tpu.vector_store %arg13[%swap3A_460, %swap3A_461], %mul3A_457 {strides = array<i32>} : memref<400x32xf32, #tpu.memory_space<vmem>>, vector<16xf32>,
          %broadcast_in_dim3A_463 = arith.constant 12 : i32
          %broadcast_in_dim3A_464 = vector.broadcast %broadcast_in_dim3A_463 : i32 to vector<16x1xi32>
          %gather3A_465 = vector.shape_cast %broadcast_in_dim3A_464 : vector<16x1xi32> to vector<16xi32>
          %gather3A_466 = tpu.dynamic_gather %get3A_150[%gather3A_465] in [0] : vector<16xf32>, vector<16xi32> -> vector<16xf32>
          %add3A_467 = arith.constant 12 : i32
          %add3A_468 = arith.addi %mul3A_152, %add3A_467 : i32
          %get3A_469 = arith.index_cast %add3A_468 : i32 to index
          %get3A_470 = arith.constant 0 : index
          %get3A_471 = tpu.vector_load %arg13[%get3A_469, %get3A_470] {strides = array<i32>} : memref<400x32xf32, #tpu.memory_space<vmem>>, vector<16xf32>,
          %add3A_472 = arith.constant 12 : i32
          %add3A_473 = arith.addi %mul3A_152, %add3A_472 : i32
          %get3A_474 = arith.index_cast %add3A_473 : i32 to index
          %get3A_475 = arith.constant 16 : index
          %get3A_476 = tpu.vector_load %arg13[%get3A_474, %get3A_475] {strides = array<i32>} : memref<400x32xf32, #tpu.memory_space<vmem>>, vector<16xf32>,
          %mul3A_477 = arith.mulf %get3A_471, %gather3A_466 : vector<16xf32>
          %add3A_478 = arith.constant 12 : i32
          %add3A_479 = arith.addi %mul3A_152, %add3A_478 : i32
          %swap3A_480 = arith.index_cast %add3A_479 : i32 to index
          %swap3A_481 = arith.constant 0 : index
          %swap3A_482 = tpu.vector_load %arg13[%swap3A_480, %swap3A_481] {strides = array<i32>} : memref<400x32xf32, #tpu.memory_space<vmem>>, vector<16xf32>,
          tpu.vector_store %arg13[%swap3A_480, %swap3A_481], %mul3A_477 {strides = array<i32>} : memref<400x32xf32, #tpu.memory_space<vmem>>, vector<16xf32>,
          %mul3A_483 = arith.mulf %get3A_476, %gather3A_466 : vector<16xf32>
          %add3A_484 = arith.constant 12 : i32
          %add3A_485 = arith.addi %mul3A_152, %add3A_484 : i32
          %swap3A_486 = arith.index_cast %add3A_485 : i32 to index
          %swap3A_487 = arith.constant 16 : index
          %swap3A_488 = tpu.vector_load %arg13[%swap3A_486, %swap3A_487] {strides = array<i32>} : memref<400x32xf32, #tpu.memory_space<vmem>>, vector<16xf32>,
          tpu.vector_store %arg13[%swap3A_486, %swap3A_487], %mul3A_483 {strides = array<i32>} : memref<400x32xf32, #tpu.memory_space<vmem>>, vector<16xf32>,
          %broadcast_in_dim3A_489 = arith.constant 13 : i32
          %broadcast_in_dim3A_490 = vector.broadcast %broadcast_in_dim3A_489 : i32 to vector<16x1xi32>
          %gather3A_491 = vector.shape_cast %broadcast_in_dim3A_490 : vector<16x1xi32> to vector<16xi32>
          %gather3A_492 = tpu.dynamic_gather %get3A_150[%gather3A_491] in [0] : vector<16xf32>, vector<16xi32> -> vector<16xf32>
          %add3A_493 = arith.constant 13 : i32
          %add3A_494 = arith.addi %mul3A_152, %add3A_493 : i32
          %get3A_495 = arith.index_cast %add3A_494 : i32 to index
          %get3A_496 = arith.constant 0 : index
          %get3A_497 = tpu.vector_load %arg13[%get3A_495, %get3A_496] {strides = array<i32>} : memref<400x32xf32, #tpu.memory_space<vmem>>, vector<16xf32>,
          %add3A_498 = arith.constant 13 : i32
          %add3A_499 = arith.addi %mul3A_152, %add3A_498 : i32
          %get3A_500 = arith.index_cast %add3A_499 : i32 to index
          %get3A_501 = arith.constant 16 : index
          %get3A_502 = tpu.vector_load %arg13[%get3A_500, %get3A_501] {strides = array<i32>} : memref<400x32xf32, #tpu.memory_space<vmem>>, vector<16xf32>,
          %mul3A_503 = arith.mulf %get3A_497, %gather3A_492 : vector<16xf32>
          %add3A_504 = arith.constant 13 : i32
          %add3A_505 = arith.addi %mul3A_152, %add3A_504 : i32
          %swap3A_506 = arith.index_cast %add3A_505 : i32 to index
          %swap3A_507 = arith.constant 0 : index
          %swap3A_508 = tpu.vector_load %arg13[%swap3A_506, %swap3A_507] {strides = array<i32>} : memref<400x32xf32, #tpu.memory_space<vmem>>, vector<16xf32>,
          tpu.vector_store %arg13[%swap3A_506, %swap3A_507], %mul3A_503 {strides = array<i32>} : memref<400x32xf32, #tpu.memory_space<vmem>>, vector<16xf32>,
          %mul3A_509 = arith.mulf %get3A_502, %gather3A_492 : vector<16xf32>
          %add3A_510 = arith.constant 13 : i32
          %add3A_511 = arith.addi %mul3A_152, %add3A_510 : i32
          %swap3A_512 = arith.index_cast %add3A_511 : i32 to index
          %swap3A_513 = arith.constant 16 : index
          %swap3A_514 = tpu.vector_load %arg13[%swap3A_512, %swap3A_513] {strides = array<i32>} : memref<400x32xf32, #tpu.memory_space<vmem>>, vector<16xf32>,
          tpu.vector_store %arg13[%swap3A_512, %swap3A_513], %mul3A_509 {strides = array<i32>} : memref<400x32xf32, #tpu.memory_space<vmem>>, vector<16xf32>,
          %broadcast_in_dim3A_515 = arith.constant 14 : i32
          %broadcast_in_dim3A_516 = vector.broadcast %broadcast_in_dim3A_515 : i32 to vector<16x1xi32>
          %gather3A_517 = vector.shape_cast %broadcast_in_dim3A_516 : vector<16x1xi32> to vector<16xi32>
          %gather3A_518 = tpu.dynamic_gather %get3A_150[%gather3A_517] in [0] : vector<16xf32>, vector<16xi32> -> vector<16xf32>
          %add3A_519 = arith.constant 14 : i32
          %add3A_520 = arith.addi %mul3A_152, %add3A_519 : i32
          %get3A_521 = arith.index_cast %add3A_520 : i32 to index
          %get3A_522 = arith.constant 0 : index
          %get3A_523 = tpu.vector_load %arg13[%get3A_521, %get3A_522] {strides = array<i32>} : memref<400x32xf32, #tpu.memory_space<vmem>>, vector<16xf32>,
          %add3A_524 = arith.constant 14 : i32
          %add3A_525 = arith.addi %mul3A_152, %add3A_524 : i32
          %get3A_526 = arith.index_cast %add3A_525 : i32 to index
          %get3A_527 = arith.constant 16 : index
          %get3A_528 = tpu.vector_load %arg13[%get3A_526, %get3A_527] {strides = array<i32>} : memref<400x32xf32, #tpu.memory_space<vmem>>, vector<16xf32>,
          %mul3A_529 = arith.mulf %get3A_523, %gather3A_518 : vector<16xf32>
          %add3A_530 = arith.constant 14 : i32
          %add3A_531 = arith.addi %mul3A_152, %add3A_530 : i32
          %swap3A_532 = arith.index_cast %add3A_531 : i32 to index
          %swap3A_533 = arith.constant 0 : index
          %swap3A_534 = tpu.vector_load %arg13[%swap3A_532, %swap3A_533] {strides = array<i32>} : memref<400x32xf32, #tpu.memory_space<vmem>>, vector<16xf32>,
          tpu.vector_store %arg13[%swap3A_532, %swap3A_533], %mul3A_529 {strides = array<i32>} : memref<400x32xf32, #tpu.memory_space<vmem>>, vector<16xf32>,
          %mul3A_535 = arith.mulf %get3A_528, %gather3A_518 : vector<16xf32>
          %add3A_536 = arith.constant 14 : i32
          %add3A_537 = arith.addi %mul3A_152, %add3A_536 : i32
          %swap3A_538 = arith.index_cast %add3A_537 : i32 to index
          %swap3A_539 = arith.constant 16 : index
          %swap3A_540 = tpu.vector_load %arg13[%swap3A_538, %swap3A_539] {strides = array<i32>} : memref<400x32xf32, #tpu.memory_space<vmem>>, vector<16xf32>,
          tpu.vector_store %arg13[%swap3A_538, %swap3A_539], %mul3A_535 {strides = array<i32>} : memref<400x32xf32, #tpu.memory_space<vmem>>, vector<16xf32>,
          %broadcast_in_dim3A_541 = arith.constant 15 : i32
          %broadcast_in_dim3A_542 = vector.broadcast %broadcast_in_dim3A_541 : i32 to vector<16x1xi32>
          %gather3A_543 = vector.shape_cast %broadcast_in_dim3A_542 : vector<16x1xi32> to vector<16xi32>
          %gather3A_544 = tpu.dynamic_gather %get3A_150[%gather3A_543] in [0] : vector<16xf32>, vector<16xi32> -> vector<16xf32>
          %add3A_545 = arith.constant 15 : i32
          %add3A_546 = arith.addi %mul3A_152, %add3A_545 : i32
          %get3A_547 = arith.index_cast %add3A_546 : i32 to index
          %get3A_548 = arith.constant 0 : index
          %get3A_549 = tpu.vector_load %arg13[%get3A_547, %get3A_548] {strides = array<i32>} : memref<400x32xf32, #tpu.memory_space<vmem>>, vector<16xf32>,
          %add3A_550 = arith.constant 15 : i32
          %add3A_551 = arith.addi %mul3A_152, %add3A_550 : i32
          %get3A_552 = arith.index_cast %add3A_551 : i32 to index
          %get3A_553 = arith.constant 16 : index
          %get3A_554 = tpu.vector_load %arg13[%get3A_552, %get3A_553] {strides = array<i32>} : memref<400x32xf32, #tpu.memory_space<vmem>>, vector<16xf32>,
          %mul3A_555 = arith.mulf %get3A_549, %gather3A_544 : vector<16xf32>
          %add3A_556 = arith.constant 15 : i32
          %add3A_557 = arith.addi %mul3A_152, %add3A_556 : i32
          %swap3A_558 = arith.index_cast %add3A_557 : i32 to index
          %swap3A_559 = arith.constant 0 : index
          %swap3A_560 = tpu.vector_load %arg13[%swap3A_558, %swap3A_559] {strides = array<i32>} : memref<400x32xf32, #tpu.memory_space<vmem>>, vector<16xf32>,
          tpu.vector_store %arg13[%swap3A_558, %swap3A_559], %mul3A_555 {strides = array<i32>} : memref<400x32xf32, #tpu.memory_space<vmem>>, vector<16xf32>,
          %mul3A_561 = arith.mulf %get3A_554, %gather3A_544 : vector<16xf32>
          %add3A_562 = arith.constant 15 : i32
          %add3A_563 = arith.addi %mul3A_152, %add3A_562 : i32
          %swap3A_564 = arith.index_cast %add3A_563 : i32 to index
          %swap3A_565 = arith.constant 16 : index
          %swap3A_566 = tpu.vector_load %arg13[%swap3A_564, %swap3A_565] {strides = array<i32>} : memref<400x32xf32, #tpu.memory_space<vmem>>, vector<16xf32>,
          tpu.vector_store %arg13[%swap3A_564, %swap3A_565], %mul3A_561 {strides = array<i32>} : memref<400x32xf32, #tpu.memory_space<vmem>>, vector<16xf32>,
        }
        %scan3A_133 = arith.constant 25 : i32
        "tpu.region"() ({
          %run_scoped3A = tpu.sem_alloc : memref<!tpu.dma_semaphore, #tpu.memory_space<semaphore_mem>>
          %dma_start3A = arith.constant 0 : i32
          %dma_start3A_146 = arith.constant 0 : i32
          %dma_start3A_147 = tpu.memref_slice %arg9[%dma_start3A, %dma_start3A_146] : memref<20480x32xf32, #tpu.memory_space<vmem_shared>> -> memref<20480x32xf32, #tpu.memory_space<vmem_shared>>
          tpu.enqueue_indirect_dma source(%arg13 : memref<400x32xf32, #tpu.memory_space<vmem>>) target(%dma_start3A_147 : memref<20480x32xf32, #tpu.memory_space<vmem_shared>>) offsets(%arg17 : memref<400xi32, #tpu.memory_space<vmem>>) semaphore(%run_scoped3A : memref<!tpu.dma_semaphore, #tpu.memory_space<semaphore_mem>>) {add = true}
          %dma_wait3A = arith.constant 0 : i32
          %dma_wait3A_148 = arith.constant 0 : i32
          %dma_wait3A_149 = tpu.memref_slice %arg9[%dma_wait3A, %dma_wait3A_148] : memref<20480x32xf32, #tpu.memory_space<vmem_shared>> -> memref<20480x32xf32, #tpu.memory_space<vmem_shared>>
          tpu.wait_indirect_dma semaphore(%run_scoped3A : memref<!tpu.dma_semaphore, #tpu.memory_space<semaphore_mem>>) src(%arg13 : memref<400x32xf32, #tpu.memory_space<vmem>>) dst(%dma_wait3A_149 : memref<20480x32xf32, #tpu.memory_space<vmem_shared>>)
          tpu.yield
        }) : () -> ()
        %scan3A_134 = arith.constant 0 : i32
        %scan3A_135 = arith.constant 0 : i32
        %scan3A_136 = arith.constant 25 : i32
        %scan3A_137 = arith.addi %scan3A_135, %scan3A_136 : i32
        %scan3A_138 = arith.constant 1 : i32
        scf.for %scan3A_146 = %scan3A_135 to %scan3A_137 step %scan3A_138  : i32 {
          %mul3A_147 = arith.constant 400 : i32
          %mul3A_148 = arith.muli %scan3A_121, %mul3A_147 : i32
          %mul3A_149 = arith.constant 16 : i32
          %mul3A_150 = arith.muli %scan3A_146, %mul3A_149 : i32
          %add3A_151 = arith.addi %mul3A_148, %mul3A_150 : i32
          %get3A_152 = arith.index_cast %add3A_151 : i32 to index
          %get3A_153 = tpu.vector_load %arg14[%get3A_152] {strides = array<i32>} : memref<2000xi32, #tpu.memory_space<vmem>>, vector<16xi32>,
          %get3A_154 = arith.index_cast %add3A_151 : i32 to index
          %get3A_155 = tpu.vector_load %arg15[%get3A_154] {strides = array<i32>} : memref<2000xi32, #tpu.memory_space<vmem>>, vector<16xi32>,
          %add3A_156 = arith.constant 20000 : i32
          %add3A_157 = vector.broadcast %add3A_156 : i32 to vector<16xi32>
          %add3A_158 = arith.addi %get3A_153, %add3A_157 : vector<16xi32>
          %gather3A = tpu.vector_load_idx %arg11[%add3A_158] : memref<40000xf32, #tpu.memory_space<vmem>>[vector<16xi32>], vector<16xf32>,
          %add3A_159 = arith.constant 30000 : i32
          %add3A_160 = vector.broadcast %add3A_159 : i32 to vector<16xi32>
          %add3A_161 = arith.addi %get3A_155, %add3A_160 : vector<16xi32>
          %gather3A_162 = tpu.vector_load_idx %arg11[%add3A_161] : memref<40000xf32, #tpu.memory_space<vmem>>[vector<16xi32>], vector<16xf32>,
          %add3A_163 = arith.addf %gather3A, %gather3A_162 : vector<16xf32>
          %mul3A_164 = arith.constant 2.000000e-01 : f32
          %mul3A_165 = vector.broadcast %mul3A_164 : f32 to vector<16xf32>
          %mul3A_166 = arith.mulf %mul3A_165, %add3A_163 : vector<16xf32>
          %max3A = arith.maximumf %add3A_163, %mul3A_166 : vector<16xf32>
          %sub3A = arith.subf %max3A, %get3A_52 : vector<16xf32>
          %exp3A = math.exp %sub3A : vector<16xf32>
          %add3A_167 = arith.constant 10000 : i32
          %add3A_168 = vector.broadcast %add3A_167 : i32 to vector<16xi32>
          %add3A_169 = arith.addi %get3A_155, %add3A_168 : vector<16xi32>
          %shift_right_logical3A = arith.constant 4 : i32
          %shift_right_logical3A_170 = vector.broadcast %shift_right_logical3A : i32 to vector<16xi32>
          %shift_right_logical3A_171 = arith.shrui %add3A_169, %shift_right_logical3A_170 : vector<16xi32>
          %and3A = arith.constant 15 : i32
          %and3A_172 = vector.broadcast %and3A : i32 to vector<16xi32>
          %and3A_173 = arith.andi %add3A_169, %and3A_172 : vector<16xi32>
          %gather3A_174 = tpu.vector_load_idx %arg12[%shift_right_logical3A_171, %and3A_173] : memref<1280x16xf32, #tpu.memory_space<vmem>>[vector<16xi32>, vector<16xi32>], vector<16xf32>,
          %add3A_175 = arith.constant 1.000000e-16 : f32
          %add3A_176 = vector.broadcast %add3A_175 : f32 to vector<16xf32>
          %add3A_177 = arith.addf %gather3A_174, %add3A_176 : vector<16xf32>
          %div3A = arith.divf %exp3A, %add3A_177 : vector<16xf32>
          %mul3A_178 = arith.constant 16 : i32
          %mul3A_179 = arith.muli %scan3A_146, %mul3A_178 : i32
          %swap3A = arith.index_cast %mul3A_179 : i32 to index
          %swap3A_180 = tpu.vector_load %arg18[%swap3A] {strides = array<i32>} : memref<400xf32, #tpu.memory_space<vmem>>, vector<16xf32>,
          tpu.vector_store %arg18[%swap3A], %div3A {strides = array<i32>} : memref<400xf32, #tpu.memory_space<vmem>>, vector<16xf32>,
          %mul3A_181 = arith.constant 4 : i32
          %mul3A_182 = vector.broadcast %mul3A_181 : i32 to vector<16xi32>
          %mul3A_183 = arith.muli %get3A_153, %mul3A_182 : vector<16xi32>
          %add3A_184 = arith.constant 1 : i32
          %add3A_185 = arith.addi %mul3A_33, %add3A_184 : i32
          %add3A_186 = vector.broadcast %add3A_185 : i32 to vector<16xi32>
          %add3A_187 = arith.addi %mul3A_183, %add3A_186 : vector<16xi32>
          %mul3A_188 = arith.constant 16 : i32
          %mul3A_189 = arith.muli %scan3A_146, %mul3A_188 : i32
          %swap3A_190 = arith.index_cast %mul3A_189 : i32 to index
          %swap3A_191 = tpu.vector_load %arg16[%swap3A_190] {strides = array<i32>} : memref<400xi32, #tpu.memory_space<vmem>>, vector<16xi32>,
          tpu.vector_store %arg16[%swap3A_190], %add3A_187 {strides = array<i32>} : memref<400xi32, #tpu.memory_space<vmem>>, vector<16xi32>,
          %mul3A_192 = arith.constant 2 : i32
          %mul3A_193 = vector.broadcast %mul3A_192 : i32 to vector<16xi32>
          %mul3A_194 = arith.muli %get3A_155, %mul3A_193 : vector<16xi32>
          %add3A_195 = arith.constant 1 : i32
          %add3A_196 = vector.broadcast %add3A_195 : i32 to vector<16xi32>
          %add3A_197 = arith.addi %mul3A_194, %add3A_196 : vector<16xi32>
          %mul3A_198 = arith.constant 16 : i32
          %mul3A_199 = arith.muli %scan3A_146, %mul3A_198 : i32
          %swap3A_200 = arith.index_cast %mul3A_199 : i32 to index
          %swap3A_201 = tpu.vector_load %arg17[%swap3A_200] {strides = array<i32>} : memref<400xi32, #tpu.memory_space<vmem>>, vector<16xi32>,
          tpu.vector_store %arg17[%swap3A_200], %add3A_197 {strides = array<i32>} : memref<400xi32, #tpu.memory_space<vmem>>, vector<16xi32>,
        }
        %scan3A_139 = arith.constant 25 : i32
        "tpu.region"() ({
          %run_scoped3A = tpu.sem_alloc : memref<!tpu.dma_semaphore, #tpu.memory_space<semaphore_mem>>
          %dma_start3A = arith.constant 0 : i32
          %dma_start3A_146 = arith.constant 0 : i32
          %dma_start3A_147 = tpu.memref_slice %arg5[%dma_start3A, %dma_start3A_146] : memref<40000x32xf32, #tpu.memory_space<hbm>> -> memref<40000x32xf32, #tpu.memory_space<hbm>>
          tpu.enqueue_indirect_dma source(%dma_start3A_147 : memref<40000x32xf32, #tpu.memory_space<hbm>>) target(%arg13 : memref<400x32xf32, #tpu.memory_space<vmem>>) offsets(%arg16 : memref<400xi32, #tpu.memory_space<vmem>>) semaphore(%run_scoped3A : memref<!tpu.dma_semaphore, #tpu.memory_space<semaphore_mem>>)
          %dma_wait3A = arith.constant 0 : i32
          %dma_wait3A_148 = arith.constant 0 : i32
          %dma_wait3A_149 = tpu.memref_slice %arg5[%dma_wait3A, %dma_wait3A_148] : memref<40000x32xf32, #tpu.memory_space<hbm>> -> memref<40000x32xf32, #tpu.memory_space<hbm>>
          tpu.wait_indirect_dma semaphore(%run_scoped3A : memref<!tpu.dma_semaphore, #tpu.memory_space<semaphore_mem>>) src(%dma_wait3A_149 : memref<40000x32xf32, #tpu.memory_space<hbm>>) dst(%arg13 : memref<400x32xf32, #tpu.memory_space<vmem>>)
          tpu.yield
        }) : () -> ()
        %scan3A_140 = arith.constant 0 : i32
        %scan3A_141 = arith.constant 0 : i32
        %scan3A_142 = arith.constant 25 : i32
        %scan3A_143 = arith.addi %scan3A_141, %scan3A_142 : i32
        %scan3A_144 = arith.constant 1 : i32
        scf.for %scan3A_146 = %scan3A_141 to %scan3A_143 step %scan3A_144  : i32 {
          %mul3A_147 = arith.constant 16 : i32
          %mul3A_148 = arith.muli %scan3A_146, %mul3A_147 : i32
          %get3A_149 = arith.index_cast %mul3A_148 : i32 to index
          %get3A_150 = tpu.vector_load %arg18[%get3A_149] {strides = array<i32>} : memref<400xf32, #tpu.memory_space<vmem>>, vector<16xf32>,
          %mul3A_151 = arith.constant 16 : i32
          %mul3A_152 = arith.muli %scan3A_146, %mul3A_151 : i32
          %broadcast_in_dim3A_153 = arith.constant 0 : i32
          %broadcast_in_dim3A_154 = vector.broadcast %broadcast_in_dim3A_153 : i32 to vector<16x1xi32>
          %gather3A = vector.shape_cast %broadcast_in_dim3A_154 : vector<16x1xi32> to vector<16xi32>
          %gather3A_155 = tpu.dynamic_gather %get3A_150[%gather3A] in [0] : vector<16xf32>, vector<16xi32> -> vector<16xf32>
          %add3A_156 = arith.constant 0 : i32
          %add3A_157 = arith.addi %mul3A_152, %add3A_156 : i32
          %get3A_158 = arith.index_cast %add3A_157 : i32 to index
          %get3A_159 = arith.constant 0 : index
          %get3A_160 = tpu.vector_load %arg13[%get3A_158, %get3A_159] {strides = array<i32>} : memref<400x32xf32, #tpu.memory_space<vmem>>, vector<16xf32>,
          %add3A_161 = arith.constant 0 : i32
          %add3A_162 = arith.addi %mul3A_152, %add3A_161 : i32
          %get3A_163 = arith.index_cast %add3A_162 : i32 to index
          %get3A_164 = arith.constant 16 : index
          %get3A_165 = tpu.vector_load %arg13[%get3A_163, %get3A_164] {strides = array<i32>} : memref<400x32xf32, #tpu.memory_space<vmem>>, vector<16xf32>,
          %mul3A_166 = arith.mulf %get3A_160, %gather3A_155 : vector<16xf32>
          %add3A_167 = arith.constant 0 : i32
          %add3A_168 = arith.addi %mul3A_152, %add3A_167 : i32
          %swap3A = arith.index_cast %add3A_168 : i32 to index
          %swap3A_169 = arith.constant 0 : index
          %swap3A_170 = tpu.vector_load %arg13[%swap3A, %swap3A_169] {strides = array<i32>} : memref<400x32xf32, #tpu.memory_space<vmem>>, vector<16xf32>,
          tpu.vector_store %arg13[%swap3A, %swap3A_169], %mul3A_166 {strides = array<i32>} : memref<400x32xf32, #tpu.memory_space<vmem>>, vector<16xf32>,
          %mul3A_171 = arith.mulf %get3A_165, %gather3A_155 : vector<16xf32>
          %add3A_172 = arith.constant 0 : i32
          %add3A_173 = arith.addi %mul3A_152, %add3A_172 : i32
          %swap3A_174 = arith.index_cast %add3A_173 : i32 to index
          %swap3A_175 = arith.constant 16 : index
          %swap3A_176 = tpu.vector_load %arg13[%swap3A_174, %swap3A_175] {strides = array<i32>} : memref<400x32xf32, #tpu.memory_space<vmem>>, vector<16xf32>,
          tpu.vector_store %arg13[%swap3A_174, %swap3A_175], %mul3A_171 {strides = array<i32>} : memref<400x32xf32, #tpu.memory_space<vmem>>, vector<16xf32>,
          %broadcast_in_dim3A_177 = arith.constant 1 : i32
          %broadcast_in_dim3A_178 = vector.broadcast %broadcast_in_dim3A_177 : i32 to vector<16x1xi32>
          %gather3A_179 = vector.shape_cast %broadcast_in_dim3A_178 : vector<16x1xi32> to vector<16xi32>
          %gather3A_180 = tpu.dynamic_gather %get3A_150[%gather3A_179] in [0] : vector<16xf32>, vector<16xi32> -> vector<16xf32>
          %add3A_181 = arith.constant 1 : i32
          %add3A_182 = arith.addi %mul3A_152, %add3A_181 : i32
          %get3A_183 = arith.index_cast %add3A_182 : i32 to index
          %get3A_184 = arith.constant 0 : index
          %get3A_185 = tpu.vector_load %arg13[%get3A_183, %get3A_184] {strides = array<i32>} : memref<400x32xf32, #tpu.memory_space<vmem>>, vector<16xf32>,
          %add3A_186 = arith.constant 1 : i32
          %add3A_187 = arith.addi %mul3A_152, %add3A_186 : i32
          %get3A_188 = arith.index_cast %add3A_187 : i32 to index
          %get3A_189 = arith.constant 16 : index
          %get3A_190 = tpu.vector_load %arg13[%get3A_188, %get3A_189] {strides = array<i32>} : memref<400x32xf32, #tpu.memory_space<vmem>>, vector<16xf32>,
          %mul3A_191 = arith.mulf %get3A_185, %gather3A_180 : vector<16xf32>
          %add3A_192 = arith.constant 1 : i32
          %add3A_193 = arith.addi %mul3A_152, %add3A_192 : i32
          %swap3A_194 = arith.index_cast %add3A_193 : i32 to index
          %swap3A_195 = arith.constant 0 : index
          %swap3A_196 = tpu.vector_load %arg13[%swap3A_194, %swap3A_195] {strides = array<i32>} : memref<400x32xf32, #tpu.memory_space<vmem>>, vector<16xf32>,
          tpu.vector_store %arg13[%swap3A_194, %swap3A_195], %mul3A_191 {strides = array<i32>} : memref<400x32xf32, #tpu.memory_space<vmem>>, vector<16xf32>,
          %mul3A_197 = arith.mulf %get3A_190, %gather3A_180 : vector<16xf32>
          %add3A_198 = arith.constant 1 : i32
          %add3A_199 = arith.addi %mul3A_152, %add3A_198 : i32
          %swap3A_200 = arith.index_cast %add3A_199 : i32 to index
          %swap3A_201 = arith.constant 16 : index
          %swap3A_202 = tpu.vector_load %arg13[%swap3A_200, %swap3A_201] {strides = array<i32>} : memref<400x32xf32, #tpu.memory_space<vmem>>, vector<16xf32>,
          tpu.vector_store %arg13[%swap3A_200, %swap3A_201], %mul3A_197 {strides = array<i32>} : memref<400x32xf32, #tpu.memory_space<vmem>>, vector<16xf32>,
          %broadcast_in_dim3A_203 = arith.constant 2 : i32
          %broadcast_in_dim3A_204 = vector.broadcast %broadcast_in_dim3A_203 : i32 to vector<16x1xi32>
          %gather3A_205 = vector.shape_cast %broadcast_in_dim3A_204 : vector<16x1xi32> to vector<16xi32>
          %gather3A_206 = tpu.dynamic_gather %get3A_150[%gather3A_205] in [0] : vector<16xf32>, vector<16xi32> -> vector<16xf32>
          %add3A_207 = arith.constant 2 : i32
          %add3A_208 = arith.addi %mul3A_152, %add3A_207 : i32
          %get3A_209 = arith.index_cast %add3A_208 : i32 to index
          %get3A_210 = arith.constant 0 : index
          %get3A_211 = tpu.vector_load %arg13[%get3A_209, %get3A_210] {strides = array<i32>} : memref<400x32xf32, #tpu.memory_space<vmem>>, vector<16xf32>,
          %add3A_212 = arith.constant 2 : i32
          %add3A_213 = arith.addi %mul3A_152, %add3A_212 : i32
          %get3A_214 = arith.index_cast %add3A_213 : i32 to index
          %get3A_215 = arith.constant 16 : index
          %get3A_216 = tpu.vector_load %arg13[%get3A_214, %get3A_215] {strides = array<i32>} : memref<400x32xf32, #tpu.memory_space<vmem>>, vector<16xf32>,
          %mul3A_217 = arith.mulf %get3A_211, %gather3A_206 : vector<16xf32>
          %add3A_218 = arith.constant 2 : i32
          %add3A_219 = arith.addi %mul3A_152, %add3A_218 : i32
          %swap3A_220 = arith.index_cast %add3A_219 : i32 to index
          %swap3A_221 = arith.constant 0 : index
          %swap3A_222 = tpu.vector_load %arg13[%swap3A_220, %swap3A_221] {strides = array<i32>} : memref<400x32xf32, #tpu.memory_space<vmem>>, vector<16xf32>,
          tpu.vector_store %arg13[%swap3A_220, %swap3A_221], %mul3A_217 {strides = array<i32>} : memref<400x32xf32, #tpu.memory_space<vmem>>, vector<16xf32>,
          %mul3A_223 = arith.mulf %get3A_216, %gather3A_206 : vector<16xf32>
          %add3A_224 = arith.constant 2 : i32
          %add3A_225 = arith.addi %mul3A_152, %add3A_224 : i32
          %swap3A_226 = arith.index_cast %add3A_225 : i32 to index
          %swap3A_227 = arith.constant 16 : index
          %swap3A_228 = tpu.vector_load %arg13[%swap3A_226, %swap3A_227] {strides = array<i32>} : memref<400x32xf32, #tpu.memory_space<vmem>>, vector<16xf32>,
          tpu.vector_store %arg13[%swap3A_226, %swap3A_227], %mul3A_223 {strides = array<i32>} : memref<400x32xf32, #tpu.memory_space<vmem>>, vector<16xf32>,
          %broadcast_in_dim3A_229 = arith.constant 3 : i32
          %broadcast_in_dim3A_230 = vector.broadcast %broadcast_in_dim3A_229 : i32 to vector<16x1xi32>
          %gather3A_231 = vector.shape_cast %broadcast_in_dim3A_230 : vector<16x1xi32> to vector<16xi32>
          %gather3A_232 = tpu.dynamic_gather %get3A_150[%gather3A_231] in [0] : vector<16xf32>, vector<16xi32> -> vector<16xf32>
          %add3A_233 = arith.constant 3 : i32
          %add3A_234 = arith.addi %mul3A_152, %add3A_233 : i32
          %get3A_235 = arith.index_cast %add3A_234 : i32 to index
          %get3A_236 = arith.constant 0 : index
          %get3A_237 = tpu.vector_load %arg13[%get3A_235, %get3A_236] {strides = array<i32>} : memref<400x32xf32, #tpu.memory_space<vmem>>, vector<16xf32>,
          %add3A_238 = arith.constant 3 : i32
          %add3A_239 = arith.addi %mul3A_152, %add3A_238 : i32
          %get3A_240 = arith.index_cast %add3A_239 : i32 to index
          %get3A_241 = arith.constant 16 : index
          %get3A_242 = tpu.vector_load %arg13[%get3A_240, %get3A_241] {strides = array<i32>} : memref<400x32xf32, #tpu.memory_space<vmem>>, vector<16xf32>,
          %mul3A_243 = arith.mulf %get3A_237, %gather3A_232 : vector<16xf32>
          %add3A_244 = arith.constant 3 : i32
          %add3A_245 = arith.addi %mul3A_152, %add3A_244 : i32
          %swap3A_246 = arith.index_cast %add3A_245 : i32 to index
          %swap3A_247 = arith.constant 0 : index
          %swap3A_248 = tpu.vector_load %arg13[%swap3A_246, %swap3A_247] {strides = array<i32>} : memref<400x32xf32, #tpu.memory_space<vmem>>, vector<16xf32>,
          tpu.vector_store %arg13[%swap3A_246, %swap3A_247], %mul3A_243 {strides = array<i32>} : memref<400x32xf32, #tpu.memory_space<vmem>>, vector<16xf32>,
          %mul3A_249 = arith.mulf %get3A_242, %gather3A_232 : vector<16xf32>
          %add3A_250 = arith.constant 3 : i32
          %add3A_251 = arith.addi %mul3A_152, %add3A_250 : i32
          %swap3A_252 = arith.index_cast %add3A_251 : i32 to index
          %swap3A_253 = arith.constant 16 : index
          %swap3A_254 = tpu.vector_load %arg13[%swap3A_252, %swap3A_253] {strides = array<i32>} : memref<400x32xf32, #tpu.memory_space<vmem>>, vector<16xf32>,
          tpu.vector_store %arg13[%swap3A_252, %swap3A_253], %mul3A_249 {strides = array<i32>} : memref<400x32xf32, #tpu.memory_space<vmem>>, vector<16xf32>,
          %broadcast_in_dim3A_255 = arith.constant 4 : i32
          %broadcast_in_dim3A_256 = vector.broadcast %broadcast_in_dim3A_255 : i32 to vector<16x1xi32>
          %gather3A_257 = vector.shape_cast %broadcast_in_dim3A_256 : vector<16x1xi32> to vector<16xi32>
          %gather3A_258 = tpu.dynamic_gather %get3A_150[%gather3A_257] in [0] : vector<16xf32>, vector<16xi32> -> vector<16xf32>
          %add3A_259 = arith.constant 4 : i32
          %add3A_260 = arith.addi %mul3A_152, %add3A_259 : i32
          %get3A_261 = arith.index_cast %add3A_260 : i32 to index
          %get3A_262 = arith.constant 0 : index
          %get3A_263 = tpu.vector_load %arg13[%get3A_261, %get3A_262] {strides = array<i32>} : memref<400x32xf32, #tpu.memory_space<vmem>>, vector<16xf32>,
          %add3A_264 = arith.constant 4 : i32
          %add3A_265 = arith.addi %mul3A_152, %add3A_264 : i32
          %get3A_266 = arith.index_cast %add3A_265 : i32 to index
          %get3A_267 = arith.constant 16 : index
          %get3A_268 = tpu.vector_load %arg13[%get3A_266, %get3A_267] {strides = array<i32>} : memref<400x32xf32, #tpu.memory_space<vmem>>, vector<16xf32>,
          %mul3A_269 = arith.mulf %get3A_263, %gather3A_258 : vector<16xf32>
          %add3A_270 = arith.constant 4 : i32
          %add3A_271 = arith.addi %mul3A_152, %add3A_270 : i32
          %swap3A_272 = arith.index_cast %add3A_271 : i32 to index
          %swap3A_273 = arith.constant 0 : index
          %swap3A_274 = tpu.vector_load %arg13[%swap3A_272, %swap3A_273] {strides = array<i32>} : memref<400x32xf32, #tpu.memory_space<vmem>>, vector<16xf32>,
          tpu.vector_store %arg13[%swap3A_272, %swap3A_273], %mul3A_269 {strides = array<i32>} : memref<400x32xf32, #tpu.memory_space<vmem>>, vector<16xf32>,
          %mul3A_275 = arith.mulf %get3A_268, %gather3A_258 : vector<16xf32>
          %add3A_276 = arith.constant 4 : i32
          %add3A_277 = arith.addi %mul3A_152, %add3A_276 : i32
          %swap3A_278 = arith.index_cast %add3A_277 : i32 to index
          %swap3A_279 = arith.constant 16 : index
          %swap3A_280 = tpu.vector_load %arg13[%swap3A_278, %swap3A_279] {strides = array<i32>} : memref<400x32xf32, #tpu.memory_space<vmem>>, vector<16xf32>,
          tpu.vector_store %arg13[%swap3A_278, %swap3A_279], %mul3A_275 {strides = array<i32>} : memref<400x32xf32, #tpu.memory_space<vmem>>, vector<16xf32>,
          %broadcast_in_dim3A_281 = arith.constant 5 : i32
          %broadcast_in_dim3A_282 = vector.broadcast %broadcast_in_dim3A_281 : i32 to vector<16x1xi32>
          %gather3A_283 = vector.shape_cast %broadcast_in_dim3A_282 : vector<16x1xi32> to vector<16xi32>
          %gather3A_284 = tpu.dynamic_gather %get3A_150[%gather3A_283] in [0] : vector<16xf32>, vector<16xi32> -> vector<16xf32>
          %add3A_285 = arith.constant 5 : i32
          %add3A_286 = arith.addi %mul3A_152, %add3A_285 : i32
          %get3A_287 = arith.index_cast %add3A_286 : i32 to index
          %get3A_288 = arith.constant 0 : index
          %get3A_289 = tpu.vector_load %arg13[%get3A_287, %get3A_288] {strides = array<i32>} : memref<400x32xf32, #tpu.memory_space<vmem>>, vector<16xf32>,
          %add3A_290 = arith.constant 5 : i32
          %add3A_291 = arith.addi %mul3A_152, %add3A_290 : i32
          %get3A_292 = arith.index_cast %add3A_291 : i32 to index
          %get3A_293 = arith.constant 16 : index
          %get3A_294 = tpu.vector_load %arg13[%get3A_292, %get3A_293] {strides = array<i32>} : memref<400x32xf32, #tpu.memory_space<vmem>>, vector<16xf32>,
          %mul3A_295 = arith.mulf %get3A_289, %gather3A_284 : vector<16xf32>
          %add3A_296 = arith.constant 5 : i32
          %add3A_297 = arith.addi %mul3A_152, %add3A_296 : i32
          %swap3A_298 = arith.index_cast %add3A_297 : i32 to index
          %swap3A_299 = arith.constant 0 : index
          %swap3A_300 = tpu.vector_load %arg13[%swap3A_298, %swap3A_299] {strides = array<i32>} : memref<400x32xf32, #tpu.memory_space<vmem>>, vector<16xf32>,
          tpu.vector_store %arg13[%swap3A_298, %swap3A_299], %mul3A_295 {strides = array<i32>} : memref<400x32xf32, #tpu.memory_space<vmem>>, vector<16xf32>,
          %mul3A_301 = arith.mulf %get3A_294, %gather3A_284 : vector<16xf32>
          %add3A_302 = arith.constant 5 : i32
          %add3A_303 = arith.addi %mul3A_152, %add3A_302 : i32
          %swap3A_304 = arith.index_cast %add3A_303 : i32 to index
          %swap3A_305 = arith.constant 16 : index
          %swap3A_306 = tpu.vector_load %arg13[%swap3A_304, %swap3A_305] {strides = array<i32>} : memref<400x32xf32, #tpu.memory_space<vmem>>, vector<16xf32>,
          tpu.vector_store %arg13[%swap3A_304, %swap3A_305], %mul3A_301 {strides = array<i32>} : memref<400x32xf32, #tpu.memory_space<vmem>>, vector<16xf32>,
          %broadcast_in_dim3A_307 = arith.constant 6 : i32
          %broadcast_in_dim3A_308 = vector.broadcast %broadcast_in_dim3A_307 : i32 to vector<16x1xi32>
          %gather3A_309 = vector.shape_cast %broadcast_in_dim3A_308 : vector<16x1xi32> to vector<16xi32>
          %gather3A_310 = tpu.dynamic_gather %get3A_150[%gather3A_309] in [0] : vector<16xf32>, vector<16xi32> -> vector<16xf32>
          %add3A_311 = arith.constant 6 : i32
          %add3A_312 = arith.addi %mul3A_152, %add3A_311 : i32
          %get3A_313 = arith.index_cast %add3A_312 : i32 to index
          %get3A_314 = arith.constant 0 : index
          %get3A_315 = tpu.vector_load %arg13[%get3A_313, %get3A_314] {strides = array<i32>} : memref<400x32xf32, #tpu.memory_space<vmem>>, vector<16xf32>,
          %add3A_316 = arith.constant 6 : i32
          %add3A_317 = arith.addi %mul3A_152, %add3A_316 : i32
          %get3A_318 = arith.index_cast %add3A_317 : i32 to index
          %get3A_319 = arith.constant 16 : index
          %get3A_320 = tpu.vector_load %arg13[%get3A_318, %get3A_319] {strides = array<i32>} : memref<400x32xf32, #tpu.memory_space<vmem>>, vector<16xf32>,
          %mul3A_321 = arith.mulf %get3A_315, %gather3A_310 : vector<16xf32>
          %add3A_322 = arith.constant 6 : i32
          %add3A_323 = arith.addi %mul3A_152, %add3A_322 : i32
          %swap3A_324 = arith.index_cast %add3A_323 : i32 to index
          %swap3A_325 = arith.constant 0 : index
          %swap3A_326 = tpu.vector_load %arg13[%swap3A_324, %swap3A_325] {strides = array<i32>} : memref<400x32xf32, #tpu.memory_space<vmem>>, vector<16xf32>,
          tpu.vector_store %arg13[%swap3A_324, %swap3A_325], %mul3A_321 {strides = array<i32>} : memref<400x32xf32, #tpu.memory_space<vmem>>, vector<16xf32>,
          %mul3A_327 = arith.mulf %get3A_320, %gather3A_310 : vector<16xf32>
          %add3A_328 = arith.constant 6 : i32
          %add3A_329 = arith.addi %mul3A_152, %add3A_328 : i32
          %swap3A_330 = arith.index_cast %add3A_329 : i32 to index
          %swap3A_331 = arith.constant 16 : index
          %swap3A_332 = tpu.vector_load %arg13[%swap3A_330, %swap3A_331] {strides = array<i32>} : memref<400x32xf32, #tpu.memory_space<vmem>>, vector<16xf32>,
          tpu.vector_store %arg13[%swap3A_330, %swap3A_331], %mul3A_327 {strides = array<i32>} : memref<400x32xf32, #tpu.memory_space<vmem>>, vector<16xf32>,
          %broadcast_in_dim3A_333 = arith.constant 7 : i32
          %broadcast_in_dim3A_334 = vector.broadcast %broadcast_in_dim3A_333 : i32 to vector<16x1xi32>
          %gather3A_335 = vector.shape_cast %broadcast_in_dim3A_334 : vector<16x1xi32> to vector<16xi32>
          %gather3A_336 = tpu.dynamic_gather %get3A_150[%gather3A_335] in [0] : vector<16xf32>, vector<16xi32> -> vector<16xf32>
          %add3A_337 = arith.constant 7 : i32
          %add3A_338 = arith.addi %mul3A_152, %add3A_337 : i32
          %get3A_339 = arith.index_cast %add3A_338 : i32 to index
          %get3A_340 = arith.constant 0 : index
          %get3A_341 = tpu.vector_load %arg13[%get3A_339, %get3A_340] {strides = array<i32>} : memref<400x32xf32, #tpu.memory_space<vmem>>, vector<16xf32>,
          %add3A_342 = arith.constant 7 : i32
          %add3A_343 = arith.addi %mul3A_152, %add3A_342 : i32
          %get3A_344 = arith.index_cast %add3A_343 : i32 to index
          %get3A_345 = arith.constant 16 : index
          %get3A_346 = tpu.vector_load %arg13[%get3A_344, %get3A_345] {strides = array<i32>} : memref<400x32xf32, #tpu.memory_space<vmem>>, vector<16xf32>,
          %mul3A_347 = arith.mulf %get3A_341, %gather3A_336 : vector<16xf32>
          %add3A_348 = arith.constant 7 : i32
          %add3A_349 = arith.addi %mul3A_152, %add3A_348 : i32
          %swap3A_350 = arith.index_cast %add3A_349 : i32 to index
          %swap3A_351 = arith.constant 0 : index
          %swap3A_352 = tpu.vector_load %arg13[%swap3A_350, %swap3A_351] {strides = array<i32>} : memref<400x32xf32, #tpu.memory_space<vmem>>, vector<16xf32>,
          tpu.vector_store %arg13[%swap3A_350, %swap3A_351], %mul3A_347 {strides = array<i32>} : memref<400x32xf32, #tpu.memory_space<vmem>>, vector<16xf32>,
          %mul3A_353 = arith.mulf %get3A_346, %gather3A_336 : vector<16xf32>
          %add3A_354 = arith.constant 7 : i32
          %add3A_355 = arith.addi %mul3A_152, %add3A_354 : i32
          %swap3A_356 = arith.index_cast %add3A_355 : i32 to index
          %swap3A_357 = arith.constant 16 : index
          %swap3A_358 = tpu.vector_load %arg13[%swap3A_356, %swap3A_357] {strides = array<i32>} : memref<400x32xf32, #tpu.memory_space<vmem>>, vector<16xf32>,
          tpu.vector_store %arg13[%swap3A_356, %swap3A_357], %mul3A_353 {strides = array<i32>} : memref<400x32xf32, #tpu.memory_space<vmem>>, vector<16xf32>,
          %broadcast_in_dim3A_359 = arith.constant 8 : i32
          %broadcast_in_dim3A_360 = vector.broadcast %broadcast_in_dim3A_359 : i32 to vector<16x1xi32>
          %gather3A_361 = vector.shape_cast %broadcast_in_dim3A_360 : vector<16x1xi32> to vector<16xi32>
          %gather3A_362 = tpu.dynamic_gather %get3A_150[%gather3A_361] in [0] : vector<16xf32>, vector<16xi32> -> vector<16xf32>
          %add3A_363 = arith.constant 8 : i32
          %add3A_364 = arith.addi %mul3A_152, %add3A_363 : i32
          %get3A_365 = arith.index_cast %add3A_364 : i32 to index
          %get3A_366 = arith.constant 0 : index
          %get3A_367 = tpu.vector_load %arg13[%get3A_365, %get3A_366] {strides = array<i32>} : memref<400x32xf32, #tpu.memory_space<vmem>>, vector<16xf32>,
          %add3A_368 = arith.constant 8 : i32
          %add3A_369 = arith.addi %mul3A_152, %add3A_368 : i32
          %get3A_370 = arith.index_cast %add3A_369 : i32 to index
          %get3A_371 = arith.constant 16 : index
          %get3A_372 = tpu.vector_load %arg13[%get3A_370, %get3A_371] {strides = array<i32>} : memref<400x32xf32, #tpu.memory_space<vmem>>, vector<16xf32>,
          %mul3A_373 = arith.mulf %get3A_367, %gather3A_362 : vector<16xf32>
          %add3A_374 = arith.constant 8 : i32
          %add3A_375 = arith.addi %mul3A_152, %add3A_374 : i32
          %swap3A_376 = arith.index_cast %add3A_375 : i32 to index
          %swap3A_377 = arith.constant 0 : index
          %swap3A_378 = tpu.vector_load %arg13[%swap3A_376, %swap3A_377] {strides = array<i32>} : memref<400x32xf32, #tpu.memory_space<vmem>>, vector<16xf32>,
          tpu.vector_store %arg13[%swap3A_376, %swap3A_377], %mul3A_373 {strides = array<i32>} : memref<400x32xf32, #tpu.memory_space<vmem>>, vector<16xf32>,
          %mul3A_379 = arith.mulf %get3A_372, %gather3A_362 : vector<16xf32>
          %add3A_380 = arith.constant 8 : i32
          %add3A_381 = arith.addi %mul3A_152, %add3A_380 : i32
          %swap3A_382 = arith.index_cast %add3A_381 : i32 to index
          %swap3A_383 = arith.constant 16 : index
          %swap3A_384 = tpu.vector_load %arg13[%swap3A_382, %swap3A_383] {strides = array<i32>} : memref<400x32xf32, #tpu.memory_space<vmem>>, vector<16xf32>,
          tpu.vector_store %arg13[%swap3A_382, %swap3A_383], %mul3A_379 {strides = array<i32>} : memref<400x32xf32, #tpu.memory_space<vmem>>, vector<16xf32>,
          %broadcast_in_dim3A_385 = arith.constant 9 : i32
          %broadcast_in_dim3A_386 = vector.broadcast %broadcast_in_dim3A_385 : i32 to vector<16x1xi32>
          %gather3A_387 = vector.shape_cast %broadcast_in_dim3A_386 : vector<16x1xi32> to vector<16xi32>
          %gather3A_388 = tpu.dynamic_gather %get3A_150[%gather3A_387] in [0] : vector<16xf32>, vector<16xi32> -> vector<16xf32>
          %add3A_389 = arith.constant 9 : i32
          %add3A_390 = arith.addi %mul3A_152, %add3A_389 : i32
          %get3A_391 = arith.index_cast %add3A_390 : i32 to index
          %get3A_392 = arith.constant 0 : index
          %get3A_393 = tpu.vector_load %arg13[%get3A_391, %get3A_392] {strides = array<i32>} : memref<400x32xf32, #tpu.memory_space<vmem>>, vector<16xf32>,
          %add3A_394 = arith.constant 9 : i32
          %add3A_395 = arith.addi %mul3A_152, %add3A_394 : i32
          %get3A_396 = arith.index_cast %add3A_395 : i32 to index
          %get3A_397 = arith.constant 16 : index
          %get3A_398 = tpu.vector_load %arg13[%get3A_396, %get3A_397] {strides = array<i32>} : memref<400x32xf32, #tpu.memory_space<vmem>>, vector<16xf32>,
          %mul3A_399 = arith.mulf %get3A_393, %gather3A_388 : vector<16xf32>
          %add3A_400 = arith.constant 9 : i32
          %add3A_401 = arith.addi %mul3A_152, %add3A_400 : i32
          %swap3A_402 = arith.index_cast %add3A_401 : i32 to index
          %swap3A_403 = arith.constant 0 : index
          %swap3A_404 = tpu.vector_load %arg13[%swap3A_402, %swap3A_403] {strides = array<i32>} : memref<400x32xf32, #tpu.memory_space<vmem>>, vector<16xf32>,
          tpu.vector_store %arg13[%swap3A_402, %swap3A_403], %mul3A_399 {strides = array<i32>} : memref<400x32xf32, #tpu.memory_space<vmem>>, vector<16xf32>,
          %mul3A_405 = arith.mulf %get3A_398, %gather3A_388 : vector<16xf32>
          %add3A_406 = arith.constant 9 : i32
          %add3A_407 = arith.addi %mul3A_152, %add3A_406 : i32
          %swap3A_408 = arith.index_cast %add3A_407 : i32 to index
          %swap3A_409 = arith.constant 16 : index
          %swap3A_410 = tpu.vector_load %arg13[%swap3A_408, %swap3A_409] {strides = array<i32>} : memref<400x32xf32, #tpu.memory_space<vmem>>, vector<16xf32>,
          tpu.vector_store %arg13[%swap3A_408, %swap3A_409], %mul3A_405 {strides = array<i32>} : memref<400x32xf32, #tpu.memory_space<vmem>>, vector<16xf32>,
          %broadcast_in_dim3A_411 = arith.constant 10 : i32
          %broadcast_in_dim3A_412 = vector.broadcast %broadcast_in_dim3A_411 : i32 to vector<16x1xi32>
          %gather3A_413 = vector.shape_cast %broadcast_in_dim3A_412 : vector<16x1xi32> to vector<16xi32>
          %gather3A_414 = tpu.dynamic_gather %get3A_150[%gather3A_413] in [0] : vector<16xf32>, vector<16xi32> -> vector<16xf32>
          %add3A_415 = arith.constant 10 : i32
          %add3A_416 = arith.addi %mul3A_152, %add3A_415 : i32
          %get3A_417 = arith.index_cast %add3A_416 : i32 to index
          %get3A_418 = arith.constant 0 : index
          %get3A_419 = tpu.vector_load %arg13[%get3A_417, %get3A_418] {strides = array<i32>} : memref<400x32xf32, #tpu.memory_space<vmem>>, vector<16xf32>,
          %add3A_420 = arith.constant 10 : i32
          %add3A_421 = arith.addi %mul3A_152, %add3A_420 : i32
          %get3A_422 = arith.index_cast %add3A_421 : i32 to index
          %get3A_423 = arith.constant 16 : index
          %get3A_424 = tpu.vector_load %arg13[%get3A_422, %get3A_423] {strides = array<i32>} : memref<400x32xf32, #tpu.memory_space<vmem>>, vector<16xf32>,
          %mul3A_425 = arith.mulf %get3A_419, %gather3A_414 : vector<16xf32>
          %add3A_426 = arith.constant 10 : i32
          %add3A_427 = arith.addi %mul3A_152, %add3A_426 : i32
          %swap3A_428 = arith.index_cast %add3A_427 : i32 to index
          %swap3A_429 = arith.constant 0 : index
          %swap3A_430 = tpu.vector_load %arg13[%swap3A_428, %swap3A_429] {strides = array<i32>} : memref<400x32xf32, #tpu.memory_space<vmem>>, vector<16xf32>,
          tpu.vector_store %arg13[%swap3A_428, %swap3A_429], %mul3A_425 {strides = array<i32>} : memref<400x32xf32, #tpu.memory_space<vmem>>, vector<16xf32>,
          %mul3A_431 = arith.mulf %get3A_424, %gather3A_414 : vector<16xf32>
          %add3A_432 = arith.constant 10 : i32
          %add3A_433 = arith.addi %mul3A_152, %add3A_432 : i32
          %swap3A_434 = arith.index_cast %add3A_433 : i32 to index
          %swap3A_435 = arith.constant 16 : index
          %swap3A_436 = tpu.vector_load %arg13[%swap3A_434, %swap3A_435] {strides = array<i32>} : memref<400x32xf32, #tpu.memory_space<vmem>>, vector<16xf32>,
          tpu.vector_store %arg13[%swap3A_434, %swap3A_435], %mul3A_431 {strides = array<i32>} : memref<400x32xf32, #tpu.memory_space<vmem>>, vector<16xf32>,
          %broadcast_in_dim3A_437 = arith.constant 11 : i32
          %broadcast_in_dim3A_438 = vector.broadcast %broadcast_in_dim3A_437 : i32 to vector<16x1xi32>
          %gather3A_439 = vector.shape_cast %broadcast_in_dim3A_438 : vector<16x1xi32> to vector<16xi32>
          %gather3A_440 = tpu.dynamic_gather %get3A_150[%gather3A_439] in [0] : vector<16xf32>, vector<16xi32> -> vector<16xf32>
          %add3A_441 = arith.constant 11 : i32
          %add3A_442 = arith.addi %mul3A_152, %add3A_441 : i32
          %get3A_443 = arith.index_cast %add3A_442 : i32 to index
          %get3A_444 = arith.constant 0 : index
          %get3A_445 = tpu.vector_load %arg13[%get3A_443, %get3A_444] {strides = array<i32>} : memref<400x32xf32, #tpu.memory_space<vmem>>, vector<16xf32>,
          %add3A_446 = arith.constant 11 : i32
          %add3A_447 = arith.addi %mul3A_152, %add3A_446 : i32
          %get3A_448 = arith.index_cast %add3A_447 : i32 to index
          %get3A_449 = arith.constant 16 : index
          %get3A_450 = tpu.vector_load %arg13[%get3A_448, %get3A_449] {strides = array<i32>} : memref<400x32xf32, #tpu.memory_space<vmem>>, vector<16xf32>,
          %mul3A_451 = arith.mulf %get3A_445, %gather3A_440 : vector<16xf32>
          %add3A_452 = arith.constant 11 : i32
          %add3A_453 = arith.addi %mul3A_152, %add3A_452 : i32
          %swap3A_454 = arith.index_cast %add3A_453 : i32 to index
          %swap3A_455 = arith.constant 0 : index
          %swap3A_456 = tpu.vector_load %arg13[%swap3A_454, %swap3A_455] {strides = array<i32>} : memref<400x32xf32, #tpu.memory_space<vmem>>, vector<16xf32>,
          tpu.vector_store %arg13[%swap3A_454, %swap3A_455], %mul3A_451 {strides = array<i32>} : memref<400x32xf32, #tpu.memory_space<vmem>>, vector<16xf32>,
          %mul3A_457 = arith.mulf %get3A_450, %gather3A_440 : vector<16xf32>
          %add3A_458 = arith.constant 11 : i32
          %add3A_459 = arith.addi %mul3A_152, %add3A_458 : i32
          %swap3A_460 = arith.index_cast %add3A_459 : i32 to index
          %swap3A_461 = arith.constant 16 : index
          %swap3A_462 = tpu.vector_load %arg13[%swap3A_460, %swap3A_461] {strides = array<i32>} : memref<400x32xf32, #tpu.memory_space<vmem>>, vector<16xf32>,
          tpu.vector_store %arg13[%swap3A_460, %swap3A_461], %mul3A_457 {strides = array<i32>} : memref<400x32xf32, #tpu.memory_space<vmem>>, vector<16xf32>,
          %broadcast_in_dim3A_463 = arith.constant 12 : i32
          %broadcast_in_dim3A_464 = vector.broadcast %broadcast_in_dim3A_463 : i32 to vector<16x1xi32>
          %gather3A_465 = vector.shape_cast %broadcast_in_dim3A_464 : vector<16x1xi32> to vector<16xi32>
          %gather3A_466 = tpu.dynamic_gather %get3A_150[%gather3A_465] in [0] : vector<16xf32>, vector<16xi32> -> vector<16xf32>
          %add3A_467 = arith.constant 12 : i32
          %add3A_468 = arith.addi %mul3A_152, %add3A_467 : i32
          %get3A_469 = arith.index_cast %add3A_468 : i32 to index
          %get3A_470 = arith.constant 0 : index
          %get3A_471 = tpu.vector_load %arg13[%get3A_469, %get3A_470] {strides = array<i32>} : memref<400x32xf32, #tpu.memory_space<vmem>>, vector<16xf32>,
          %add3A_472 = arith.constant 12 : i32
          %add3A_473 = arith.addi %mul3A_152, %add3A_472 : i32
          %get3A_474 = arith.index_cast %add3A_473 : i32 to index
          %get3A_475 = arith.constant 16 : index
          %get3A_476 = tpu.vector_load %arg13[%get3A_474, %get3A_475] {strides = array<i32>} : memref<400x32xf32, #tpu.memory_space<vmem>>, vector<16xf32>,
          %mul3A_477 = arith.mulf %get3A_471, %gather3A_466 : vector<16xf32>
          %add3A_478 = arith.constant 12 : i32
          %add3A_479 = arith.addi %mul3A_152, %add3A_478 : i32
          %swap3A_480 = arith.index_cast %add3A_479 : i32 to index
          %swap3A_481 = arith.constant 0 : index
          %swap3A_482 = tpu.vector_load %arg13[%swap3A_480, %swap3A_481] {strides = array<i32>} : memref<400x32xf32, #tpu.memory_space<vmem>>, vector<16xf32>,
          tpu.vector_store %arg13[%swap3A_480, %swap3A_481], %mul3A_477 {strides = array<i32>} : memref<400x32xf32, #tpu.memory_space<vmem>>, vector<16xf32>,
          %mul3A_483 = arith.mulf %get3A_476, %gather3A_466 : vector<16xf32>
          %add3A_484 = arith.constant 12 : i32
          %add3A_485 = arith.addi %mul3A_152, %add3A_484 : i32
          %swap3A_486 = arith.index_cast %add3A_485 : i32 to index
          %swap3A_487 = arith.constant 16 : index
          %swap3A_488 = tpu.vector_load %arg13[%swap3A_486, %swap3A_487] {strides = array<i32>} : memref<400x32xf32, #tpu.memory_space<vmem>>, vector<16xf32>,
          tpu.vector_store %arg13[%swap3A_486, %swap3A_487], %mul3A_483 {strides = array<i32>} : memref<400x32xf32, #tpu.memory_space<vmem>>, vector<16xf32>,
          %broadcast_in_dim3A_489 = arith.constant 13 : i32
          %broadcast_in_dim3A_490 = vector.broadcast %broadcast_in_dim3A_489 : i32 to vector<16x1xi32>
          %gather3A_491 = vector.shape_cast %broadcast_in_dim3A_490 : vector<16x1xi32> to vector<16xi32>
          %gather3A_492 = tpu.dynamic_gather %get3A_150[%gather3A_491] in [0] : vector<16xf32>, vector<16xi32> -> vector<16xf32>
          %add3A_493 = arith.constant 13 : i32
          %add3A_494 = arith.addi %mul3A_152, %add3A_493 : i32
          %get3A_495 = arith.index_cast %add3A_494 : i32 to index
          %get3A_496 = arith.constant 0 : index
          %get3A_497 = tpu.vector_load %arg13[%get3A_495, %get3A_496] {strides = array<i32>} : memref<400x32xf32, #tpu.memory_space<vmem>>, vector<16xf32>,
          %add3A_498 = arith.constant 13 : i32
          %add3A_499 = arith.addi %mul3A_152, %add3A_498 : i32
          %get3A_500 = arith.index_cast %add3A_499 : i32 to index
          %get3A_501 = arith.constant 16 : index
          %get3A_502 = tpu.vector_load %arg13[%get3A_500, %get3A_501] {strides = array<i32>} : memref<400x32xf32, #tpu.memory_space<vmem>>, vector<16xf32>,
          %mul3A_503 = arith.mulf %get3A_497, %gather3A_492 : vector<16xf32>
          %add3A_504 = arith.constant 13 : i32
          %add3A_505 = arith.addi %mul3A_152, %add3A_504 : i32
          %swap3A_506 = arith.index_cast %add3A_505 : i32 to index
          %swap3A_507 = arith.constant 0 : index
          %swap3A_508 = tpu.vector_load %arg13[%swap3A_506, %swap3A_507] {strides = array<i32>} : memref<400x32xf32, #tpu.memory_space<vmem>>, vector<16xf32>,
          tpu.vector_store %arg13[%swap3A_506, %swap3A_507], %mul3A_503 {strides = array<i32>} : memref<400x32xf32, #tpu.memory_space<vmem>>, vector<16xf32>,
          %mul3A_509 = arith.mulf %get3A_502, %gather3A_492 : vector<16xf32>
          %add3A_510 = arith.constant 13 : i32
          %add3A_511 = arith.addi %mul3A_152, %add3A_510 : i32
          %swap3A_512 = arith.index_cast %add3A_511 : i32 to index
          %swap3A_513 = arith.constant 16 : index
          %swap3A_514 = tpu.vector_load %arg13[%swap3A_512, %swap3A_513] {strides = array<i32>} : memref<400x32xf32, #tpu.memory_space<vmem>>, vector<16xf32>,
          tpu.vector_store %arg13[%swap3A_512, %swap3A_513], %mul3A_509 {strides = array<i32>} : memref<400x32xf32, #tpu.memory_space<vmem>>, vector<16xf32>,
          %broadcast_in_dim3A_515 = arith.constant 14 : i32
          %broadcast_in_dim3A_516 = vector.broadcast %broadcast_in_dim3A_515 : i32 to vector<16x1xi32>
          %gather3A_517 = vector.shape_cast %broadcast_in_dim3A_516 : vector<16x1xi32> to vector<16xi32>
          %gather3A_518 = tpu.dynamic_gather %get3A_150[%gather3A_517] in [0] : vector<16xf32>, vector<16xi32> -> vector<16xf32>
          %add3A_519 = arith.constant 14 : i32
          %add3A_520 = arith.addi %mul3A_152, %add3A_519 : i32
          %get3A_521 = arith.index_cast %add3A_520 : i32 to index
          %get3A_522 = arith.constant 0 : index
          %get3A_523 = tpu.vector_load %arg13[%get3A_521, %get3A_522] {strides = array<i32>} : memref<400x32xf32, #tpu.memory_space<vmem>>, vector<16xf32>,
          %add3A_524 = arith.constant 14 : i32
          %add3A_525 = arith.addi %mul3A_152, %add3A_524 : i32
          %get3A_526 = arith.index_cast %add3A_525 : i32 to index
          %get3A_527 = arith.constant 16 : index
          %get3A_528 = tpu.vector_load %arg13[%get3A_526, %get3A_527] {strides = array<i32>} : memref<400x32xf32, #tpu.memory_space<vmem>>, vector<16xf32>,
          %mul3A_529 = arith.mulf %get3A_523, %gather3A_518 : vector<16xf32>
          %add3A_530 = arith.constant 14 : i32
          %add3A_531 = arith.addi %mul3A_152, %add3A_530 : i32
          %swap3A_532 = arith.index_cast %add3A_531 : i32 to index
          %swap3A_533 = arith.constant 0 : index
          %swap3A_534 = tpu.vector_load %arg13[%swap3A_532, %swap3A_533] {strides = array<i32>} : memref<400x32xf32, #tpu.memory_space<vmem>>, vector<16xf32>,
          tpu.vector_store %arg13[%swap3A_532, %swap3A_533], %mul3A_529 {strides = array<i32>} : memref<400x32xf32, #tpu.memory_space<vmem>>, vector<16xf32>,
          %mul3A_535 = arith.mulf %get3A_528, %gather3A_518 : vector<16xf32>
          %add3A_536 = arith.constant 14 : i32
          %add3A_537 = arith.addi %mul3A_152, %add3A_536 : i32
          %swap3A_538 = arith.index_cast %add3A_537 : i32 to index
          %swap3A_539 = arith.constant 16 : index
          %swap3A_540 = tpu.vector_load %arg13[%swap3A_538, %swap3A_539] {strides = array<i32>} : memref<400x32xf32, #tpu.memory_space<vmem>>, vector<16xf32>,
          tpu.vector_store %arg13[%swap3A_538, %swap3A_539], %mul3A_535 {strides = array<i32>} : memref<400x32xf32, #tpu.memory_space<vmem>>, vector<16xf32>,
          %broadcast_in_dim3A_541 = arith.constant 15 : i32
          %broadcast_in_dim3A_542 = vector.broadcast %broadcast_in_dim3A_541 : i32 to vector<16x1xi32>
          %gather3A_543 = vector.shape_cast %broadcast_in_dim3A_542 : vector<16x1xi32> to vector<16xi32>
          %gather3A_544 = tpu.dynamic_gather %get3A_150[%gather3A_543] in [0] : vector<16xf32>, vector<16xi32> -> vector<16xf32>
          %add3A_545 = arith.constant 15 : i32
          %add3A_546 = arith.addi %mul3A_152, %add3A_545 : i32
          %get3A_547 = arith.index_cast %add3A_546 : i32 to index
          %get3A_548 = arith.constant 0 : index
          %get3A_549 = tpu.vector_load %arg13[%get3A_547, %get3A_548] {strides = array<i32>} : memref<400x32xf32, #tpu.memory_space<vmem>>, vector<16xf32>,
          %add3A_550 = arith.constant 15 : i32
          %add3A_551 = arith.addi %mul3A_152, %add3A_550 : i32
          %get3A_552 = arith.index_cast %add3A_551 : i32 to index
          %get3A_553 = arith.constant 16 : index
          %get3A_554 = tpu.vector_load %arg13[%get3A_552, %get3A_553] {strides = array<i32>} : memref<400x32xf32, #tpu.memory_space<vmem>>, vector<16xf32>,
          %mul3A_555 = arith.mulf %get3A_549, %gather3A_544 : vector<16xf32>
          %add3A_556 = arith.constant 15 : i32
          %add3A_557 = arith.addi %mul3A_152, %add3A_556 : i32
          %swap3A_558 = arith.index_cast %add3A_557 : i32 to index
          %swap3A_559 = arith.constant 0 : index
          %swap3A_560 = tpu.vector_load %arg13[%swap3A_558, %swap3A_559] {strides = array<i32>} : memref<400x32xf32, #tpu.memory_space<vmem>>, vector<16xf32>,
          tpu.vector_store %arg13[%swap3A_558, %swap3A_559], %mul3A_555 {strides = array<i32>} : memref<400x32xf32, #tpu.memory_space<vmem>>, vector<16xf32>,
          %mul3A_561 = arith.mulf %get3A_554, %gather3A_544 : vector<16xf32>
          %add3A_562 = arith.constant 15 : i32
          %add3A_563 = arith.addi %mul3A_152, %add3A_562 : i32
          %swap3A_564 = arith.index_cast %add3A_563 : i32 to index
          %swap3A_565 = arith.constant 16 : index
          %swap3A_566 = tpu.vector_load %arg13[%swap3A_564, %swap3A_565] {strides = array<i32>} : memref<400x32xf32, #tpu.memory_space<vmem>>, vector<16xf32>,
          tpu.vector_store %arg13[%swap3A_564, %swap3A_565], %mul3A_561 {strides = array<i32>} : memref<400x32xf32, #tpu.memory_space<vmem>>, vector<16xf32>,
        }
        %scan3A_145 = arith.constant 25 : i32
        "tpu.region"() ({
          %run_scoped3A = tpu.sem_alloc : memref<!tpu.dma_semaphore, #tpu.memory_space<semaphore_mem>>
          %dma_start3A = arith.constant 0 : i32
          %dma_start3A_146 = arith.constant 0 : i32
          %dma_start3A_147 = tpu.memref_slice %arg9[%dma_start3A, %dma_start3A_146] : memref<20480x32xf32, #tpu.memory_space<vmem_shared>> -> memref<20480x32xf32, #tpu.memory_space<vmem_shared>>
          tpu.enqueue_indirect_dma source(%arg13 : memref<400x32xf32, #tpu.memory_space<vmem>>) target(%dma_start3A_147 : memref<20480x32xf32, #tpu.memory_space<vmem_shared>>) offsets(%arg17 : memref<400xi32, #tpu.memory_space<vmem>>) semaphore(%run_scoped3A : memref<!tpu.dma_semaphore, #tpu.memory_space<semaphore_mem>>) {add = true}
          %dma_wait3A = arith.constant 0 : i32
          %dma_wait3A_148 = arith.constant 0 : i32
          %dma_wait3A_149 = tpu.memref_slice %arg9[%dma_wait3A, %dma_wait3A_148] : memref<20480x32xf32, #tpu.memory_space<vmem_shared>> -> memref<20480x32xf32, #tpu.memory_space<vmem_shared>>
          tpu.wait_indirect_dma semaphore(%run_scoped3A : memref<!tpu.dma_semaphore, #tpu.memory_space<semaphore_mem>>) src(%arg13 : memref<400x32xf32, #tpu.memory_space<vmem>>) dst(%dma_wait3A_149 : memref<20480x32xf32, #tpu.memory_space<vmem_shared>>)
          tpu.yield
        }) : () -> ()
      }
      %scan3A_120 = arith.constant 5 : i32
    }
    %scan3A_67 = arith.constant 10 : i32
    %barrier3A_68 = arith.constant 0 : index
    tpu.barrier barrier_id(%barrier3A_68)
    %mul3A_69 = arith.constant 1280 : i32
    %mul3A_70 = arith.muli %arg1, %mul3A_69 : i32
    %add3A_71 = arith.constant 0 : i32
    %add3A_72 = arith.addi %mul3A_70, %add3A_71 : i32
    "tpu.region"() ({
      %run_scoped3A = tpu.sem_alloc : memref<!tpu.dma_semaphore, #tpu.memory_space<semaphore_mem>>
      %dma_start3A = arith.constant 0 : i32
      %dma_start3A_111 = arith.constant 0 : i32
      %dma_start3A_112 = tpu.memref_slice %arg13[%dma_start3A, %dma_start3A_111] : memref<400x32xf32, #tpu.memory_space<vmem>> -> memref<256x32xf32, #tpu.memory_space<vmem>>
      %dma_start3A_113 = arith.constant 0 : i32
      %dma_start3A_114 = tpu.memref_slice %arg9[%add3A_72, %dma_start3A_113] : memref<20480x32xf32, #tpu.memory_space<vmem_shared>> -> memref<256x32xf32, #tpu.memory_space<vmem_shared>>
      %dma_start3A_115 = arith.constant 0 : i32
      %dma_start3A_116 = arith.constant 0 : i32
      %dma_start3A_117 = tpu.memref_slice %arg13[%dma_start3A_115, %dma_start3A_116] : memref<400x32xf32, #tpu.memory_space<vmem>> -> memref<256x32xf32, #tpu.memory_space<vmem>>
      %dma_start3A_118 = arith.constant 0 : i32
      %dma_start3A_119 = tpu.memref_slice %arg9[%add3A_72, %dma_start3A_118] : memref<20480x32xf32, #tpu.memory_space<vmem_shared>> -> memref<256x32xf32, #tpu.memory_space<vmem_shared>>
      tpu.enqueue_dma source(%dma_start3A_119 : memref<256x32xf32, #tpu.memory_space<vmem_shared>>) target(%dma_start3A_117 : memref<256x32xf32, #tpu.memory_space<vmem>>) target_semaphore(%run_scoped3A : memref<!tpu.dma_semaphore, #tpu.memory_space<semaphore_mem>>)
      %dma_wait3A = arith.constant 0 : i32
      %dma_wait3A_120 = arith.constant 0 : i32
      %dma_wait3A_121 = tpu.memref_slice %arg13[%dma_wait3A, %dma_wait3A_120] : memref<400x32xf32, #tpu.memory_space<vmem>> -> memref<256x32xf32, #tpu.memory_space<vmem>>
      %dma_wait3A_122 = arith.constant 0 : i32
      %dma_wait3A_123 = tpu.memref_slice %arg9[%add3A_72, %dma_wait3A_122] : memref<20480x32xf32, #tpu.memory_space<vmem_shared>> -> memref<256x32xf32, #tpu.memory_space<vmem_shared>>
      %dma_wait3A_124 = arith.constant 0 : i32
      %dma_wait3A_125 = arith.constant 0 : i32
      %dma_wait3A_126 = tpu.memref_slice %arg13[%dma_wait3A_124, %dma_wait3A_125] : memref<400x32xf32, #tpu.memory_space<vmem>> -> memref<256x32xf32, #tpu.memory_space<vmem>>
      %dma_wait3A_127 = arith.constant 0 : i32
      %dma_wait3A_128 = tpu.memref_slice %arg9[%add3A_72, %dma_wait3A_127] : memref<20480x32xf32, #tpu.memory_space<vmem_shared>> -> memref<256x32xf32, #tpu.memory_space<vmem_shared>>
      tpu.wait_dma2 semaphore(%run_scoped3A : memref<!tpu.dma_semaphore, #tpu.memory_space<semaphore_mem>>) src(%dma_wait3A_128 : memref<256x32xf32, #tpu.memory_space<vmem_shared>>) dst(%dma_wait3A_126 : memref<256x32xf32, #tpu.memory_space<vmem>>)
      tpu.yield
    }) : () -> ()
    %scan3A_73 = arith.constant 0 : i32
    %scan3A_74 = arith.constant 0 : i32
    %scan3A_75 = arith.constant 256 : i32
    %scan3A_76 = arith.addi %scan3A_74, %scan3A_75 : i32
    %scan3A_77 = arith.constant 1 : i32
    scf.for %scan3A_111 = %scan3A_74 to %scan3A_76 step %scan3A_77  : i32 {
      %get3A_112 = arith.index_cast %scan3A_111 : i32 to index
      %get3A_113 = arith.constant 0 : index
      %get3A_114 = tpu.vector_load %arg13[%get3A_112, %get3A_113] {strides = array<i32>} : memref<400x32xf32, #tpu.memory_space<vmem>>, vector<16xf32>,
      %exp3A = math.exp %get3A_114 : vector<16xf32>
      %sub3A = arith.constant 1.000000e+00 : f32
      %sub3A_115 = vector.broadcast %sub3A : f32 to vector<16xf32>
      %sub3A_116 = arith.subf %exp3A, %sub3A_115 : vector<16xf32>
      %gt3A = arith.constant 0.000000e+00 : f32
      %gt3A_117 = vector.broadcast %gt3A : f32 to vector<16xf32>
      %gt3A_118 = arith.cmpf ogt, %get3A_114, %gt3A_117 : vector<16xf32>
      %select_n3A = arith.select %gt3A_118, %get3A_114, %sub3A_116 : vector<16xi1>, vector<16xf32>
      %swap3A = arith.index_cast %scan3A_111 : i32 to index
      %swap3A_119 = arith.constant 0 : index
      %swap3A_120 = tpu.vector_load %arg13[%swap3A, %swap3A_119] {strides = array<i32>} : memref<400x32xf32, #tpu.memory_space<vmem>>, vector<16xf32>,
      tpu.vector_store %arg13[%swap3A, %swap3A_119], %select_n3A {strides = array<i32>} : memref<400x32xf32, #tpu.memory_space<vmem>>, vector<16xf32>,
      %get3A_121 = arith.index_cast %scan3A_111 : i32 to index
      %get3A_122 = arith.constant 16 : index
      %get3A_123 = tpu.vector_load %arg13[%get3A_121, %get3A_122] {strides = array<i32>} : memref<400x32xf32, #tpu.memory_space<vmem>>, vector<16xf32>,
      %exp3A_124 = math.exp %get3A_123 : vector<16xf32>
      %sub3A_125 = arith.constant 1.000000e+00 : f32
      %sub3A_126 = vector.broadcast %sub3A_125 : f32 to vector<16xf32>
      %sub3A_127 = arith.subf %exp3A_124, %sub3A_126 : vector<16xf32>
      %gt3A_128 = arith.constant 0.000000e+00 : f32
      %gt3A_129 = vector.broadcast %gt3A_128 : f32 to vector<16xf32>
      %gt3A_130 = arith.cmpf ogt, %get3A_123, %gt3A_129 : vector<16xf32>
      %select_n3A_131 = arith.select %gt3A_130, %get3A_123, %sub3A_127 : vector<16xi1>, vector<16xf32>
      %swap3A_132 = arith.index_cast %scan3A_111 : i32 to index
      %swap3A_133 = arith.constant 16 : index
      %swap3A_134 = tpu.vector_load %arg13[%swap3A_132, %swap3A_133] {strides = array<i32>} : memref<400x32xf32, #tpu.memory_space<vmem>>, vector<16xf32>,
      tpu.vector_store %arg13[%swap3A_132, %swap3A_133], %select_n3A_131 {strides = array<i32>} : memref<400x32xf32, #tpu.memory_space<vmem>>, vector<16xf32>,
    }
    %scan3A_78 = arith.constant 256 : i32
    "tpu.region"() ({
      %run_scoped3A = tpu.sem_alloc : memref<!tpu.dma_semaphore, #tpu.memory_space<semaphore_mem>>
      %dma_start3A = arith.constant 0 : i32
      %dma_start3A_111 = arith.constant 0 : i32
      %dma_start3A_112 = tpu.memref_slice %arg13[%dma_start3A, %dma_start3A_111] : memref<400x32xf32, #tpu.memory_space<vmem>> -> memref<256x32xf32, #tpu.memory_space<vmem>>
      %dma_start3A_113 = arith.constant 0 : i32
      %dma_start3A_114 = tpu.memref_slice %arg8[%arg0, %add3A_72, %dma_start3A_113] : memref<2x20480x32xf32, #tpu.memory_space<hbm>> -> memref<1x256x32xf32, #tpu.memory_space<hbm>>
      %dma_start3A_115 = tpu.memref_squeeze %dma_start3A_114 : memref<1x256x32xf32, #tpu.memory_space<hbm>> -> memref<256x32xf32, #tpu.memory_space<hbm>>
      %dma_start3A_116 = arith.constant 0 : i32
      %dma_start3A_117 = tpu.memref_slice %arg8[%arg0, %add3A_72, %dma_start3A_116] : memref<2x20480x32xf32, #tpu.memory_space<hbm>> -> memref<1x256x32xf32, #tpu.memory_space<hbm>>
      %dma_start3A_118 = tpu.memref_squeeze %dma_start3A_117 : memref<1x256x32xf32, #tpu.memory_space<hbm>> -> memref<256x32xf32, #tpu.memory_space<hbm>>
      %dma_start3A_119 = arith.constant 0 : i32
      %dma_start3A_120 = arith.constant 0 : i32
      %dma_start3A_121 = tpu.memref_slice %arg13[%dma_start3A_119, %dma_start3A_120] : memref<400x32xf32, #tpu.memory_space<vmem>> -> memref<256x32xf32, #tpu.memory_space<vmem>>
      tpu.enqueue_dma source(%dma_start3A_121 : memref<256x32xf32, #tpu.memory_space<vmem>>) target(%dma_start3A_118 : memref<256x32xf32, #tpu.memory_space<hbm>>) target_semaphore(%run_scoped3A : memref<!tpu.dma_semaphore, #tpu.memory_space<semaphore_mem>>)
      %dma_wait3A = arith.constant 0 : i32
      %dma_wait3A_122 = arith.constant 0 : i32
      %dma_wait3A_123 = tpu.memref_slice %arg13[%dma_wait3A, %dma_wait3A_122] : memref<400x32xf32, #tpu.memory_space<vmem>> -> memref<256x32xf32, #tpu.memory_space<vmem>>
      %dma_wait3A_124 = arith.constant 0 : i32
      %dma_wait3A_125 = tpu.memref_slice %arg8[%arg0, %add3A_72, %dma_wait3A_124] : memref<2x20480x32xf32, #tpu.memory_space<hbm>> -> memref<1x256x32xf32, #tpu.memory_space<hbm>>
      %dma_wait3A_126 = tpu.memref_squeeze %dma_wait3A_125 : memref<1x256x32xf32, #tpu.memory_space<hbm>> -> memref<256x32xf32, #tpu.memory_space<hbm>>
      %dma_wait3A_127 = arith.constant 0 : i32
      %dma_wait3A_128 = tpu.memref_slice %arg8[%arg0, %add3A_72, %dma_wait3A_127] : memref<2x20480x32xf32, #tpu.memory_space<hbm>> -> memref<1x256x32xf32, #tpu.memory_space<hbm>>
      %dma_wait3A_129 = tpu.memref_squeeze %dma_wait3A_128 : memref<1x256x32xf32, #tpu.memory_space<hbm>> -> memref<256x32xf32, #tpu.memory_space<hbm>>
      %dma_wait3A_130 = arith.constant 0 : i32
      %dma_wait3A_131 = arith.constant 0 : i32
      %dma_wait3A_132 = tpu.memref_slice %arg13[%dma_wait3A_130, %dma_wait3A_131] : memref<400x32xf32, #tpu.memory_space<vmem>> -> memref<256x32xf32, #tpu.memory_space<vmem>>
      tpu.wait_dma2 semaphore(%run_scoped3A : memref<!tpu.dma_semaphore, #tpu.memory_space<semaphore_mem>>) src(%dma_wait3A_132 : memref<256x32xf32, #tpu.memory_space<vmem>>) dst(%dma_wait3A_129 : memref<256x32xf32, #tpu.memory_space<hbm>>)
      tpu.yield
    }) : () -> ()
    %add3A_79 = arith.constant 256 : i32
    %add3A_80 = arith.addi %mul3A_70, %add3A_79 : i32
    "tpu.region"() ({
      %run_scoped3A = tpu.sem_alloc : memref<!tpu.dma_semaphore, #tpu.memory_space<semaphore_mem>>
      %dma_start3A = arith.constant 0 : i32
      %dma_start3A_111 = arith.constant 0 : i32
      %dma_start3A_112 = tpu.memref_slice %arg13[%dma_start3A, %dma_start3A_111] : memref<400x32xf32, #tpu.memory_space<vmem>> -> memref<256x32xf32, #tpu.memory_space<vmem>>
      %dma_start3A_113 = arith.constant 0 : i32
      %dma_start3A_114 = tpu.memref_slice %arg9[%add3A_80, %dma_start3A_113] : memref<20480x32xf32, #tpu.memory_space<vmem_shared>> -> memref<256x32xf32, #tpu.memory_space<vmem_shared>>
      %dma_start3A_115 = arith.constant 0 : i32
      %dma_start3A_116 = arith.constant 0 : i32
      %dma_start3A_117 = tpu.memref_slice %arg13[%dma_start3A_115, %dma_start3A_116] : memref<400x32xf32, #tpu.memory_space<vmem>> -> memref<256x32xf32, #tpu.memory_space<vmem>>
      %dma_start3A_118 = arith.constant 0 : i32
      %dma_start3A_119 = tpu.memref_slice %arg9[%add3A_80, %dma_start3A_118] : memref<20480x32xf32, #tpu.memory_space<vmem_shared>> -> memref<256x32xf32, #tpu.memory_space<vmem_shared>>
      tpu.enqueue_dma source(%dma_start3A_119 : memref<256x32xf32, #tpu.memory_space<vmem_shared>>) target(%dma_start3A_117 : memref<256x32xf32, #tpu.memory_space<vmem>>) target_semaphore(%run_scoped3A : memref<!tpu.dma_semaphore, #tpu.memory_space<semaphore_mem>>)
      %dma_wait3A = arith.constant 0 : i32
      %dma_wait3A_120 = arith.constant 0 : i32
      %dma_wait3A_121 = tpu.memref_slice %arg13[%dma_wait3A, %dma_wait3A_120] : memref<400x32xf32, #tpu.memory_space<vmem>> -> memref<256x32xf32, #tpu.memory_space<vmem>>
      %dma_wait3A_122 = arith.constant 0 : i32
      %dma_wait3A_123 = tpu.memref_slice %arg9[%add3A_80, %dma_wait3A_122] : memref<20480x32xf32, #tpu.memory_space<vmem_shared>> -> memref<256x32xf32, #tpu.memory_space<vmem_shared>>
      %dma_wait3A_124 = arith.constant 0 : i32
      %dma_wait3A_125 = arith.constant 0 : i32
      %dma_wait3A_126 = tpu.memref_slice %arg13[%dma_wait3A_124, %dma_wait3A_125] : memref<400x32xf32, #tpu.memory_space<vmem>> -> memref<256x32xf32, #tpu.memory_space<vmem>>
      %dma_wait3A_127 = arith.constant 0 : i32
      %dma_wait3A_128 = tpu.memref_slice %arg9[%add3A_80, %dma_wait3A_127] : memref<20480x32xf32, #tpu.memory_space<vmem_shared>> -> memref<256x32xf32, #tpu.memory_space<vmem_shared>>
      tpu.wait_dma2 semaphore(%run_scoped3A : memref<!tpu.dma_semaphore, #tpu.memory_space<semaphore_mem>>) src(%dma_wait3A_128 : memref<256x32xf32, #tpu.memory_space<vmem_shared>>) dst(%dma_wait3A_126 : memref<256x32xf32, #tpu.memory_space<vmem>>)
      tpu.yield
    }) : () -> ()
    %scan3A_81 = arith.constant 0 : i32
    %scan3A_82 = arith.constant 0 : i32
    %scan3A_83 = arith.constant 256 : i32
    %scan3A_84 = arith.addi %scan3A_82, %scan3A_83 : i32
    %scan3A_85 = arith.constant 1 : i32
    scf.for %scan3A_111 = %scan3A_82 to %scan3A_84 step %scan3A_85  : i32 {
      %get3A_112 = arith.index_cast %scan3A_111 : i32 to index
      %get3A_113 = arith.constant 0 : index
      %get3A_114 = tpu.vector_load %arg13[%get3A_112, %get3A_113] {strides = array<i32>} : memref<400x32xf32, #tpu.memory_space<vmem>>, vector<16xf32>,
      %exp3A = math.exp %get3A_114 : vector<16xf32>
      %sub3A = arith.constant 1.000000e+00 : f32
      %sub3A_115 = vector.broadcast %sub3A : f32 to vector<16xf32>
      %sub3A_116 = arith.subf %exp3A, %sub3A_115 : vector<16xf32>
      %gt3A = arith.constant 0.000000e+00 : f32
      %gt3A_117 = vector.broadcast %gt3A : f32 to vector<16xf32>
      %gt3A_118 = arith.cmpf ogt, %get3A_114, %gt3A_117 : vector<16xf32>
      %select_n3A = arith.select %gt3A_118, %get3A_114, %sub3A_116 : vector<16xi1>, vector<16xf32>
      %swap3A = arith.index_cast %scan3A_111 : i32 to index
      %swap3A_119 = arith.constant 0 : index
      %swap3A_120 = tpu.vector_load %arg13[%swap3A, %swap3A_119] {strides = array<i32>} : memref<400x32xf32, #tpu.memory_space<vmem>>, vector<16xf32>,
      tpu.vector_store %arg13[%swap3A, %swap3A_119], %select_n3A {strides = array<i32>} : memref<400x32xf32, #tpu.memory_space<vmem>>, vector<16xf32>,
      %get3A_121 = arith.index_cast %scan3A_111 : i32 to index
      %get3A_122 = arith.constant 16 : index
      %get3A_123 = tpu.vector_load %arg13[%get3A_121, %get3A_122] {strides = array<i32>} : memref<400x32xf32, #tpu.memory_space<vmem>>, vector<16xf32>,
      %exp3A_124 = math.exp %get3A_123 : vector<16xf32>
      %sub3A_125 = arith.constant 1.000000e+00 : f32
      %sub3A_126 = vector.broadcast %sub3A_125 : f32 to vector<16xf32>
      %sub3A_127 = arith.subf %exp3A_124, %sub3A_126 : vector<16xf32>
      %gt3A_128 = arith.constant 0.000000e+00 : f32
      %gt3A_129 = vector.broadcast %gt3A_128 : f32 to vector<16xf32>
      %gt3A_130 = arith.cmpf ogt, %get3A_123, %gt3A_129 : vector<16xf32>
      %select_n3A_131 = arith.select %gt3A_130, %get3A_123, %sub3A_127 : vector<16xi1>, vector<16xf32>
      %swap3A_132 = arith.index_cast %scan3A_111 : i32 to index
      %swap3A_133 = arith.constant 16 : index
      %swap3A_134 = tpu.vector_load %arg13[%swap3A_132, %swap3A_133] {strides = array<i32>} : memref<400x32xf32, #tpu.memory_space<vmem>>, vector<16xf32>,
      tpu.vector_store %arg13[%swap3A_132, %swap3A_133], %select_n3A_131 {strides = array<i32>} : memref<400x32xf32, #tpu.memory_space<vmem>>, vector<16xf32>,
    }
    %scan3A_86 = arith.constant 256 : i32
    "tpu.region"() ({
      %run_scoped3A = tpu.sem_alloc : memref<!tpu.dma_semaphore, #tpu.memory_space<semaphore_mem>>
      %dma_start3A = arith.constant 0 : i32
      %dma_start3A_111 = arith.constant 0 : i32
      %dma_start3A_112 = tpu.memref_slice %arg13[%dma_start3A, %dma_start3A_111] : memref<400x32xf32, #tpu.memory_space<vmem>> -> memref<256x32xf32, #tpu.memory_space<vmem>>
      %dma_start3A_113 = arith.constant 0 : i32
      %dma_start3A_114 = tpu.memref_slice %arg8[%arg0, %add3A_80, %dma_start3A_113] : memref<2x20480x32xf32, #tpu.memory_space<hbm>> -> memref<1x256x32xf32, #tpu.memory_space<hbm>>
      %dma_start3A_115 = tpu.memref_squeeze %dma_start3A_114 : memref<1x256x32xf32, #tpu.memory_space<hbm>> -> memref<256x32xf32, #tpu.memory_space<hbm>>
      %dma_start3A_116 = arith.constant 0 : i32
      %dma_start3A_117 = tpu.memref_slice %arg8[%arg0, %add3A_80, %dma_start3A_116] : memref<2x20480x32xf32, #tpu.memory_space<hbm>> -> memref<1x256x32xf32, #tpu.memory_space<hbm>>
      %dma_start3A_118 = tpu.memref_squeeze %dma_start3A_117 : memref<1x256x32xf32, #tpu.memory_space<hbm>> -> memref<256x32xf32, #tpu.memory_space<hbm>>
      %dma_start3A_119 = arith.constant 0 : i32
      %dma_start3A_120 = arith.constant 0 : i32
      %dma_start3A_121 = tpu.memref_slice %arg13[%dma_start3A_119, %dma_start3A_120] : memref<400x32xf32, #tpu.memory_space<vmem>> -> memref<256x32xf32, #tpu.memory_space<vmem>>
      tpu.enqueue_dma source(%dma_start3A_121 : memref<256x32xf32, #tpu.memory_space<vmem>>) target(%dma_start3A_118 : memref<256x32xf32, #tpu.memory_space<hbm>>) target_semaphore(%run_scoped3A : memref<!tpu.dma_semaphore, #tpu.memory_space<semaphore_mem>>)
      %dma_wait3A = arith.constant 0 : i32
      %dma_wait3A_122 = arith.constant 0 : i32
      %dma_wait3A_123 = tpu.memref_slice %arg13[%dma_wait3A, %dma_wait3A_122] : memref<400x32xf32, #tpu.memory_space<vmem>> -> memref<256x32xf32, #tpu.memory_space<vmem>>
      %dma_wait3A_124 = arith.constant 0 : i32
      %dma_wait3A_125 = tpu.memref_slice %arg8[%arg0, %add3A_80, %dma_wait3A_124] : memref<2x20480x32xf32, #tpu.memory_space<hbm>> -> memref<1x256x32xf32, #tpu.memory_space<hbm>>
      %dma_wait3A_126 = tpu.memref_squeeze %dma_wait3A_125 : memref<1x256x32xf32, #tpu.memory_space<hbm>> -> memref<256x32xf32, #tpu.memory_space<hbm>>
      %dma_wait3A_127 = arith.constant 0 : i32
      %dma_wait3A_128 = tpu.memref_slice %arg8[%arg0, %add3A_80, %dma_wait3A_127] : memref<2x20480x32xf32, #tpu.memory_space<hbm>> -> memref<1x256x32xf32, #tpu.memory_space<hbm>>
      %dma_wait3A_129 = tpu.memref_squeeze %dma_wait3A_128 : memref<1x256x32xf32, #tpu.memory_space<hbm>> -> memref<256x32xf32, #tpu.memory_space<hbm>>
      %dma_wait3A_130 = arith.constant 0 : i32
      %dma_wait3A_131 = arith.constant 0 : i32
      %dma_wait3A_132 = tpu.memref_slice %arg13[%dma_wait3A_130, %dma_wait3A_131] : memref<400x32xf32, #tpu.memory_space<vmem>> -> memref<256x32xf32, #tpu.memory_space<vmem>>
      tpu.wait_dma2 semaphore(%run_scoped3A : memref<!tpu.dma_semaphore, #tpu.memory_space<semaphore_mem>>) src(%dma_wait3A_132 : memref<256x32xf32, #tpu.memory_space<vmem>>) dst(%dma_wait3A_129 : memref<256x32xf32, #tpu.memory_space<hbm>>)
      tpu.yield
    }) : () -> ()
    %add3A_87 = arith.constant 512 : i32
    %add3A_88 = arith.addi %mul3A_70, %add3A_87 : i32
    "tpu.region"() ({
      %run_scoped3A = tpu.sem_alloc : memref<!tpu.dma_semaphore, #tpu.memory_space<semaphore_mem>>
      %dma_start3A = arith.constant 0 : i32
      %dma_start3A_111 = arith.constant 0 : i32
      %dma_start3A_112 = tpu.memref_slice %arg13[%dma_start3A, %dma_start3A_111] : memref<400x32xf32, #tpu.memory_space<vmem>> -> memref<256x32xf32, #tpu.memory_space<vmem>>
      %dma_start3A_113 = arith.constant 0 : i32
      %dma_start3A_114 = tpu.memref_slice %arg9[%add3A_88, %dma_start3A_113] : memref<20480x32xf32, #tpu.memory_space<vmem_shared>> -> memref<256x32xf32, #tpu.memory_space<vmem_shared>>
      %dma_start3A_115 = arith.constant 0 : i32
      %dma_start3A_116 = arith.constant 0 : i32
      %dma_start3A_117 = tpu.memref_slice %arg13[%dma_start3A_115, %dma_start3A_116] : memref<400x32xf32, #tpu.memory_space<vmem>> -> memref<256x32xf32, #tpu.memory_space<vmem>>
      %dma_start3A_118 = arith.constant 0 : i32
      %dma_start3A_119 = tpu.memref_slice %arg9[%add3A_88, %dma_start3A_118] : memref<20480x32xf32, #tpu.memory_space<vmem_shared>> -> memref<256x32xf32, #tpu.memory_space<vmem_shared>>
      tpu.enqueue_dma source(%dma_start3A_119 : memref<256x32xf32, #tpu.memory_space<vmem_shared>>) target(%dma_start3A_117 : memref<256x32xf32, #tpu.memory_space<vmem>>) target_semaphore(%run_scoped3A : memref<!tpu.dma_semaphore, #tpu.memory_space<semaphore_mem>>)
      %dma_wait3A = arith.constant 0 : i32
      %dma_wait3A_120 = arith.constant 0 : i32
      %dma_wait3A_121 = tpu.memref_slice %arg13[%dma_wait3A, %dma_wait3A_120] : memref<400x32xf32, #tpu.memory_space<vmem>> -> memref<256x32xf32, #tpu.memory_space<vmem>>
      %dma_wait3A_122 = arith.constant 0 : i32
      %dma_wait3A_123 = tpu.memref_slice %arg9[%add3A_88, %dma_wait3A_122] : memref<20480x32xf32, #tpu.memory_space<vmem_shared>> -> memref<256x32xf32, #tpu.memory_space<vmem_shared>>
      %dma_wait3A_124 = arith.constant 0 : i32
      %dma_wait3A_125 = arith.constant 0 : i32
      %dma_wait3A_126 = tpu.memref_slice %arg13[%dma_wait3A_124, %dma_wait3A_125] : memref<400x32xf32, #tpu.memory_space<vmem>> -> memref<256x32xf32, #tpu.memory_space<vmem>>
      %dma_wait3A_127 = arith.constant 0 : i32
      %dma_wait3A_128 = tpu.memref_slice %arg9[%add3A_88, %dma_wait3A_127] : memref<20480x32xf32, #tpu.memory_space<vmem_shared>> -> memref<256x32xf32, #tpu.memory_space<vmem_shared>>
      tpu.wait_dma2 semaphore(%run_scoped3A : memref<!tpu.dma_semaphore, #tpu.memory_space<semaphore_mem>>) src(%dma_wait3A_128 : memref<256x32xf32, #tpu.memory_space<vmem_shared>>) dst(%dma_wait3A_126 : memref<256x32xf32, #tpu.memory_space<vmem>>)
      tpu.yield
    }) : () -> ()
    %scan3A_89 = arith.constant 0 : i32
    %scan3A_90 = arith.constant 0 : i32
    %scan3A_91 = arith.constant 256 : i32
    %scan3A_92 = arith.addi %scan3A_90, %scan3A_91 : i32
    %scan3A_93 = arith.constant 1 : i32
    scf.for %scan3A_111 = %scan3A_90 to %scan3A_92 step %scan3A_93  : i32 {
      %get3A_112 = arith.index_cast %scan3A_111 : i32 to index
      %get3A_113 = arith.constant 0 : index
      %get3A_114 = tpu.vector_load %arg13[%get3A_112, %get3A_113] {strides = array<i32>} : memref<400x32xf32, #tpu.memory_space<vmem>>, vector<16xf32>,
      %exp3A = math.exp %get3A_114 : vector<16xf32>
      %sub3A = arith.constant 1.000000e+00 : f32
      %sub3A_115 = vector.broadcast %sub3A : f32 to vector<16xf32>
      %sub3A_116 = arith.subf %exp3A, %sub3A_115 : vector<16xf32>
      %gt3A = arith.constant 0.000000e+00 : f32
      %gt3A_117 = vector.broadcast %gt3A : f32 to vector<16xf32>
      %gt3A_118 = arith.cmpf ogt, %get3A_114, %gt3A_117 : vector<16xf32>
      %select_n3A = arith.select %gt3A_118, %get3A_114, %sub3A_116 : vector<16xi1>, vector<16xf32>
      %swap3A = arith.index_cast %scan3A_111 : i32 to index
      %swap3A_119 = arith.constant 0 : index
      %swap3A_120 = tpu.vector_load %arg13[%swap3A, %swap3A_119] {strides = array<i32>} : memref<400x32xf32, #tpu.memory_space<vmem>>, vector<16xf32>,
      tpu.vector_store %arg13[%swap3A, %swap3A_119], %select_n3A {strides = array<i32>} : memref<400x32xf32, #tpu.memory_space<vmem>>, vector<16xf32>,
      %get3A_121 = arith.index_cast %scan3A_111 : i32 to index
      %get3A_122 = arith.constant 16 : index
      %get3A_123 = tpu.vector_load %arg13[%get3A_121, %get3A_122] {strides = array<i32>} : memref<400x32xf32, #tpu.memory_space<vmem>>, vector<16xf32>,
      %exp3A_124 = math.exp %get3A_123 : vector<16xf32>
      %sub3A_125 = arith.constant 1.000000e+00 : f32
      %sub3A_126 = vector.broadcast %sub3A_125 : f32 to vector<16xf32>
      %sub3A_127 = arith.subf %exp3A_124, %sub3A_126 : vector<16xf32>
      %gt3A_128 = arith.constant 0.000000e+00 : f32
      %gt3A_129 = vector.broadcast %gt3A_128 : f32 to vector<16xf32>
      %gt3A_130 = arith.cmpf ogt, %get3A_123, %gt3A_129 : vector<16xf32>
      %select_n3A_131 = arith.select %gt3A_130, %get3A_123, %sub3A_127 : vector<16xi1>, vector<16xf32>
      %swap3A_132 = arith.index_cast %scan3A_111 : i32 to index
      %swap3A_133 = arith.constant 16 : index
      %swap3A_134 = tpu.vector_load %arg13[%swap3A_132, %swap3A_133] {strides = array<i32>} : memref<400x32xf32, #tpu.memory_space<vmem>>, vector<16xf32>,
      tpu.vector_store %arg13[%swap3A_132, %swap3A_133], %select_n3A_131 {strides = array<i32>} : memref<400x32xf32, #tpu.memory_space<vmem>>, vector<16xf32>,
    }
    %scan3A_94 = arith.constant 256 : i32
    "tpu.region"() ({
      %run_scoped3A = tpu.sem_alloc : memref<!tpu.dma_semaphore, #tpu.memory_space<semaphore_mem>>
      %dma_start3A = arith.constant 0 : i32
      %dma_start3A_111 = arith.constant 0 : i32
      %dma_start3A_112 = tpu.memref_slice %arg13[%dma_start3A, %dma_start3A_111] : memref<400x32xf32, #tpu.memory_space<vmem>> -> memref<256x32xf32, #tpu.memory_space<vmem>>
      %dma_start3A_113 = arith.constant 0 : i32
      %dma_start3A_114 = tpu.memref_slice %arg8[%arg0, %add3A_88, %dma_start3A_113] : memref<2x20480x32xf32, #tpu.memory_space<hbm>> -> memref<1x256x32xf32, #tpu.memory_space<hbm>>
      %dma_start3A_115 = tpu.memref_squeeze %dma_start3A_114 : memref<1x256x32xf32, #tpu.memory_space<hbm>> -> memref<256x32xf32, #tpu.memory_space<hbm>>
      %dma_start3A_116 = arith.constant 0 : i32
      %dma_start3A_117 = tpu.memref_slice %arg8[%arg0, %add3A_88, %dma_start3A_116] : memref<2x20480x32xf32, #tpu.memory_space<hbm>> -> memref<1x256x32xf32, #tpu.memory_space<hbm>>
      %dma_start3A_118 = tpu.memref_squeeze %dma_start3A_117 : memref<1x256x32xf32, #tpu.memory_space<hbm>> -> memref<256x32xf32, #tpu.memory_space<hbm>>
      %dma_start3A_119 = arith.constant 0 : i32
      %dma_start3A_120 = arith.constant 0 : i32
      %dma_start3A_121 = tpu.memref_slice %arg13[%dma_start3A_119, %dma_start3A_120] : memref<400x32xf32, #tpu.memory_space<vmem>> -> memref<256x32xf32, #tpu.memory_space<vmem>>
      tpu.enqueue_dma source(%dma_start3A_121 : memref<256x32xf32, #tpu.memory_space<vmem>>) target(%dma_start3A_118 : memref<256x32xf32, #tpu.memory_space<hbm>>) target_semaphore(%run_scoped3A : memref<!tpu.dma_semaphore, #tpu.memory_space<semaphore_mem>>)
      %dma_wait3A = arith.constant 0 : i32
      %dma_wait3A_122 = arith.constant 0 : i32
      %dma_wait3A_123 = tpu.memref_slice %arg13[%dma_wait3A, %dma_wait3A_122] : memref<400x32xf32, #tpu.memory_space<vmem>> -> memref<256x32xf32, #tpu.memory_space<vmem>>
      %dma_wait3A_124 = arith.constant 0 : i32
      %dma_wait3A_125 = tpu.memref_slice %arg8[%arg0, %add3A_88, %dma_wait3A_124] : memref<2x20480x32xf32, #tpu.memory_space<hbm>> -> memref<1x256x32xf32, #tpu.memory_space<hbm>>
      %dma_wait3A_126 = tpu.memref_squeeze %dma_wait3A_125 : memref<1x256x32xf32, #tpu.memory_space<hbm>> -> memref<256x32xf32, #tpu.memory_space<hbm>>
      %dma_wait3A_127 = arith.constant 0 : i32
      %dma_wait3A_128 = tpu.memref_slice %arg8[%arg0, %add3A_88, %dma_wait3A_127] : memref<2x20480x32xf32, #tpu.memory_space<hbm>> -> memref<1x256x32xf32, #tpu.memory_space<hbm>>
      %dma_wait3A_129 = tpu.memref_squeeze %dma_wait3A_128 : memref<1x256x32xf32, #tpu.memory_space<hbm>> -> memref<256x32xf32, #tpu.memory_space<hbm>>
      %dma_wait3A_130 = arith.constant 0 : i32
      %dma_wait3A_131 = arith.constant 0 : i32
      %dma_wait3A_132 = tpu.memref_slice %arg13[%dma_wait3A_130, %dma_wait3A_131] : memref<400x32xf32, #tpu.memory_space<vmem>> -> memref<256x32xf32, #tpu.memory_space<vmem>>
      tpu.wait_dma2 semaphore(%run_scoped3A : memref<!tpu.dma_semaphore, #tpu.memory_space<semaphore_mem>>) src(%dma_wait3A_132 : memref<256x32xf32, #tpu.memory_space<vmem>>) dst(%dma_wait3A_129 : memref<256x32xf32, #tpu.memory_space<hbm>>)
      tpu.yield
    }) : () -> ()
    %add3A_95 = arith.constant 768 : i32
    %add3A_96 = arith.addi %mul3A_70, %add3A_95 : i32
    "tpu.region"() ({
      %run_scoped3A = tpu.sem_alloc : memref<!tpu.dma_semaphore, #tpu.memory_space<semaphore_mem>>
      %dma_start3A = arith.constant 0 : i32
      %dma_start3A_111 = arith.constant 0 : i32
      %dma_start3A_112 = tpu.memref_slice %arg13[%dma_start3A, %dma_start3A_111] : memref<400x32xf32, #tpu.memory_space<vmem>> -> memref<256x32xf32, #tpu.memory_space<vmem>>
      %dma_start3A_113 = arith.constant 0 : i32
      %dma_start3A_114 = tpu.memref_slice %arg9[%add3A_96, %dma_start3A_113] : memref<20480x32xf32, #tpu.memory_space<vmem_shared>> -> memref<256x32xf32, #tpu.memory_space<vmem_shared>>
      %dma_start3A_115 = arith.constant 0 : i32
      %dma_start3A_116 = arith.constant 0 : i32
      %dma_start3A_117 = tpu.memref_slice %arg13[%dma_start3A_115, %dma_start3A_116] : memref<400x32xf32, #tpu.memory_space<vmem>> -> memref<256x32xf32, #tpu.memory_space<vmem>>
      %dma_start3A_118 = arith.constant 0 : i32
      %dma_start3A_119 = tpu.memref_slice %arg9[%add3A_96, %dma_start3A_118] : memref<20480x32xf32, #tpu.memory_space<vmem_shared>> -> memref<256x32xf32, #tpu.memory_space<vmem_shared>>
      tpu.enqueue_dma source(%dma_start3A_119 : memref<256x32xf32, #tpu.memory_space<vmem_shared>>) target(%dma_start3A_117 : memref<256x32xf32, #tpu.memory_space<vmem>>) target_semaphore(%run_scoped3A : memref<!tpu.dma_semaphore, #tpu.memory_space<semaphore_mem>>)
      %dma_wait3A = arith.constant 0 : i32
      %dma_wait3A_120 = arith.constant 0 : i32
      %dma_wait3A_121 = tpu.memref_slice %arg13[%dma_wait3A, %dma_wait3A_120] : memref<400x32xf32, #tpu.memory_space<vmem>> -> memref<256x32xf32, #tpu.memory_space<vmem>>
      %dma_wait3A_122 = arith.constant 0 : i32
      %dma_wait3A_123 = tpu.memref_slice %arg9[%add3A_96, %dma_wait3A_122] : memref<20480x32xf32, #tpu.memory_space<vmem_shared>> -> memref<256x32xf32, #tpu.memory_space<vmem_shared>>
      %dma_wait3A_124 = arith.constant 0 : i32
      %dma_wait3A_125 = arith.constant 0 : i32
      %dma_wait3A_126 = tpu.memref_slice %arg13[%dma_wait3A_124, %dma_wait3A_125] : memref<400x32xf32, #tpu.memory_space<vmem>> -> memref<256x32xf32, #tpu.memory_space<vmem>>
      %dma_wait3A_127 = arith.constant 0 : i32
      %dma_wait3A_128 = tpu.memref_slice %arg9[%add3A_96, %dma_wait3A_127] : memref<20480x32xf32, #tpu.memory_space<vmem_shared>> -> memref<256x32xf32, #tpu.memory_space<vmem_shared>>
      tpu.wait_dma2 semaphore(%run_scoped3A : memref<!tpu.dma_semaphore, #tpu.memory_space<semaphore_mem>>) src(%dma_wait3A_128 : memref<256x32xf32, #tpu.memory_space<vmem_shared>>) dst(%dma_wait3A_126 : memref<256x32xf32, #tpu.memory_space<vmem>>)
      tpu.yield
    }) : () -> ()
    %scan3A_97 = arith.constant 0 : i32
    %scan3A_98 = arith.constant 0 : i32
    %scan3A_99 = arith.constant 256 : i32
    %scan3A_100 = arith.addi %scan3A_98, %scan3A_99 : i32
    %scan3A_101 = arith.constant 1 : i32
    scf.for %scan3A_111 = %scan3A_98 to %scan3A_100 step %scan3A_101  : i32 {
      %get3A_112 = arith.index_cast %scan3A_111 : i32 to index
      %get3A_113 = arith.constant 0 : index
      %get3A_114 = tpu.vector_load %arg13[%get3A_112, %get3A_113] {strides = array<i32>} : memref<400x32xf32, #tpu.memory_space<vmem>>, vector<16xf32>,
      %exp3A = math.exp %get3A_114 : vector<16xf32>
      %sub3A = arith.constant 1.000000e+00 : f32
      %sub3A_115 = vector.broadcast %sub3A : f32 to vector<16xf32>
      %sub3A_116 = arith.subf %exp3A, %sub3A_115 : vector<16xf32>
      %gt3A = arith.constant 0.000000e+00 : f32
      %gt3A_117 = vector.broadcast %gt3A : f32 to vector<16xf32>
      %gt3A_118 = arith.cmpf ogt, %get3A_114, %gt3A_117 : vector<16xf32>
      %select_n3A = arith.select %gt3A_118, %get3A_114, %sub3A_116 : vector<16xi1>, vector<16xf32>
      %swap3A = arith.index_cast %scan3A_111 : i32 to index
      %swap3A_119 = arith.constant 0 : index
      %swap3A_120 = tpu.vector_load %arg13[%swap3A, %swap3A_119] {strides = array<i32>} : memref<400x32xf32, #tpu.memory_space<vmem>>, vector<16xf32>,
      tpu.vector_store %arg13[%swap3A, %swap3A_119], %select_n3A {strides = array<i32>} : memref<400x32xf32, #tpu.memory_space<vmem>>, vector<16xf32>,
      %get3A_121 = arith.index_cast %scan3A_111 : i32 to index
      %get3A_122 = arith.constant 16 : index
      %get3A_123 = tpu.vector_load %arg13[%get3A_121, %get3A_122] {strides = array<i32>} : memref<400x32xf32, #tpu.memory_space<vmem>>, vector<16xf32>,
      %exp3A_124 = math.exp %get3A_123 : vector<16xf32>
      %sub3A_125 = arith.constant 1.000000e+00 : f32
      %sub3A_126 = vector.broadcast %sub3A_125 : f32 to vector<16xf32>
      %sub3A_127 = arith.subf %exp3A_124, %sub3A_126 : vector<16xf32>
      %gt3A_128 = arith.constant 0.000000e+00 : f32
      %gt3A_129 = vector.broadcast %gt3A_128 : f32 to vector<16xf32>
      %gt3A_130 = arith.cmpf ogt, %get3A_123, %gt3A_129 : vector<16xf32>
      %select_n3A_131 = arith.select %gt3A_130, %get3A_123, %sub3A_127 : vector<16xi1>, vector<16xf32>
      %swap3A_132 = arith.index_cast %scan3A_111 : i32 to index
      %swap3A_133 = arith.constant 16 : index
      %swap3A_134 = tpu.vector_load %arg13[%swap3A_132, %swap3A_133] {strides = array<i32>} : memref<400x32xf32, #tpu.memory_space<vmem>>, vector<16xf32>,
      tpu.vector_store %arg13[%swap3A_132, %swap3A_133], %select_n3A_131 {strides = array<i32>} : memref<400x32xf32, #tpu.memory_space<vmem>>, vector<16xf32>,
    }
    %scan3A_102 = arith.constant 256 : i32
    "tpu.region"() ({
      %run_scoped3A = tpu.sem_alloc : memref<!tpu.dma_semaphore, #tpu.memory_space<semaphore_mem>>
      %dma_start3A = arith.constant 0 : i32
      %dma_start3A_111 = arith.constant 0 : i32
      %dma_start3A_112 = tpu.memref_slice %arg13[%dma_start3A, %dma_start3A_111] : memref<400x32xf32, #tpu.memory_space<vmem>> -> memref<256x32xf32, #tpu.memory_space<vmem>>
      %dma_start3A_113 = arith.constant 0 : i32
      %dma_start3A_114 = tpu.memref_slice %arg8[%arg0, %add3A_96, %dma_start3A_113] : memref<2x20480x32xf32, #tpu.memory_space<hbm>> -> memref<1x256x32xf32, #tpu.memory_space<hbm>>
      %dma_start3A_115 = tpu.memref_squeeze %dma_start3A_114 : memref<1x256x32xf32, #tpu.memory_space<hbm>> -> memref<256x32xf32, #tpu.memory_space<hbm>>
      %dma_start3A_116 = arith.constant 0 : i32
      %dma_start3A_117 = tpu.memref_slice %arg8[%arg0, %add3A_96, %dma_start3A_116] : memref<2x20480x32xf32, #tpu.memory_space<hbm>> -> memref<1x256x32xf32, #tpu.memory_space<hbm>>
      %dma_start3A_118 = tpu.memref_squeeze %dma_start3A_117 : memref<1x256x32xf32, #tpu.memory_space<hbm>> -> memref<256x32xf32, #tpu.memory_space<hbm>>
      %dma_start3A_119 = arith.constant 0 : i32
      %dma_start3A_120 = arith.constant 0 : i32
      %dma_start3A_121 = tpu.memref_slice %arg13[%dma_start3A_119, %dma_start3A_120] : memref<400x32xf32, #tpu.memory_space<vmem>> -> memref<256x32xf32, #tpu.memory_space<vmem>>
      tpu.enqueue_dma source(%dma_start3A_121 : memref<256x32xf32, #tpu.memory_space<vmem>>) target(%dma_start3A_118 : memref<256x32xf32, #tpu.memory_space<hbm>>) target_semaphore(%run_scoped3A : memref<!tpu.dma_semaphore, #tpu.memory_space<semaphore_mem>>)
      %dma_wait3A = arith.constant 0 : i32
      %dma_wait3A_122 = arith.constant 0 : i32
      %dma_wait3A_123 = tpu.memref_slice %arg13[%dma_wait3A, %dma_wait3A_122] : memref<400x32xf32, #tpu.memory_space<vmem>> -> memref<256x32xf32, #tpu.memory_space<vmem>>
      %dma_wait3A_124 = arith.constant 0 : i32
      %dma_wait3A_125 = tpu.memref_slice %arg8[%arg0, %add3A_96, %dma_wait3A_124] : memref<2x20480x32xf32, #tpu.memory_space<hbm>> -> memref<1x256x32xf32, #tpu.memory_space<hbm>>
      %dma_wait3A_126 = tpu.memref_squeeze %dma_wait3A_125 : memref<1x256x32xf32, #tpu.memory_space<hbm>> -> memref<256x32xf32, #tpu.memory_space<hbm>>
      %dma_wait3A_127 = arith.constant 0 : i32
      %dma_wait3A_128 = tpu.memref_slice %arg8[%arg0, %add3A_96, %dma_wait3A_127] : memref<2x20480x32xf32, #tpu.memory_space<hbm>> -> memref<1x256x32xf32, #tpu.memory_space<hbm>>
      %dma_wait3A_129 = tpu.memref_squeeze %dma_wait3A_128 : memref<1x256x32xf32, #tpu.memory_space<hbm>> -> memref<256x32xf32, #tpu.memory_space<hbm>>
      %dma_wait3A_130 = arith.constant 0 : i32
      %dma_wait3A_131 = arith.constant 0 : i32
      %dma_wait3A_132 = tpu.memref_slice %arg13[%dma_wait3A_130, %dma_wait3A_131] : memref<400x32xf32, #tpu.memory_space<vmem>> -> memref<256x32xf32, #tpu.memory_space<vmem>>
      tpu.wait_dma2 semaphore(%run_scoped3A : memref<!tpu.dma_semaphore, #tpu.memory_space<semaphore_mem>>) src(%dma_wait3A_132 : memref<256x32xf32, #tpu.memory_space<vmem>>) dst(%dma_wait3A_129 : memref<256x32xf32, #tpu.memory_space<hbm>>)
      tpu.yield
    }) : () -> ()
    %add3A_103 = arith.constant 1024 : i32
    %add3A_104 = arith.addi %mul3A_70, %add3A_103 : i32
    "tpu.region"() ({
      %run_scoped3A = tpu.sem_alloc : memref<!tpu.dma_semaphore, #tpu.memory_space<semaphore_mem>>
      %dma_start3A = arith.constant 0 : i32
      %dma_start3A_111 = arith.constant 0 : i32
      %dma_start3A_112 = tpu.memref_slice %arg13[%dma_start3A, %dma_start3A_111] : memref<400x32xf32, #tpu.memory_space<vmem>> -> memref<256x32xf32, #tpu.memory_space<vmem>>
      %dma_start3A_113 = arith.constant 0 : i32
      %dma_start3A_114 = tpu.memref_slice %arg9[%add3A_104, %dma_start3A_113] : memref<20480x32xf32, #tpu.memory_space<vmem_shared>> -> memref<256x32xf32, #tpu.memory_space<vmem_shared>>
      %dma_start3A_115 = arith.constant 0 : i32
      %dma_start3A_116 = arith.constant 0 : i32
      %dma_start3A_117 = tpu.memref_slice %arg13[%dma_start3A_115, %dma_start3A_116] : memref<400x32xf32, #tpu.memory_space<vmem>> -> memref<256x32xf32, #tpu.memory_space<vmem>>
      %dma_start3A_118 = arith.constant 0 : i32
      %dma_start3A_119 = tpu.memref_slice %arg9[%add3A_104, %dma_start3A_118] : memref<20480x32xf32, #tpu.memory_space<vmem_shared>> -> memref<256x32xf32, #tpu.memory_space<vmem_shared>>
      tpu.enqueue_dma source(%dma_start3A_119 : memref<256x32xf32, #tpu.memory_space<vmem_shared>>) target(%dma_start3A_117 : memref<256x32xf32, #tpu.memory_space<vmem>>) target_semaphore(%run_scoped3A : memref<!tpu.dma_semaphore, #tpu.memory_space<semaphore_mem>>)
      %dma_wait3A = arith.constant 0 : i32
      %dma_wait3A_120 = arith.constant 0 : i32
      %dma_wait3A_121 = tpu.memref_slice %arg13[%dma_wait3A, %dma_wait3A_120] : memref<400x32xf32, #tpu.memory_space<vmem>> -> memref<256x32xf32, #tpu.memory_space<vmem>>
      %dma_wait3A_122 = arith.constant 0 : i32
      %dma_wait3A_123 = tpu.memref_slice %arg9[%add3A_104, %dma_wait3A_122] : memref<20480x32xf32, #tpu.memory_space<vmem_shared>> -> memref<256x32xf32, #tpu.memory_space<vmem_shared>>
      %dma_wait3A_124 = arith.constant 0 : i32
      %dma_wait3A_125 = arith.constant 0 : i32
      %dma_wait3A_126 = tpu.memref_slice %arg13[%dma_wait3A_124, %dma_wait3A_125] : memref<400x32xf32, #tpu.memory_space<vmem>> -> memref<256x32xf32, #tpu.memory_space<vmem>>
      %dma_wait3A_127 = arith.constant 0 : i32
      %dma_wait3A_128 = tpu.memref_slice %arg9[%add3A_104, %dma_wait3A_127] : memref<20480x32xf32, #tpu.memory_space<vmem_shared>> -> memref<256x32xf32, #tpu.memory_space<vmem_shared>>
      tpu.wait_dma2 semaphore(%run_scoped3A : memref<!tpu.dma_semaphore, #tpu.memory_space<semaphore_mem>>) src(%dma_wait3A_128 : memref<256x32xf32, #tpu.memory_space<vmem_shared>>) dst(%dma_wait3A_126 : memref<256x32xf32, #tpu.memory_space<vmem>>)
      tpu.yield
    }) : () -> ()
    %scan3A_105 = arith.constant 0 : i32
    %scan3A_106 = arith.constant 0 : i32
    %scan3A_107 = arith.constant 256 : i32
    %scan3A_108 = arith.addi %scan3A_106, %scan3A_107 : i32
    %scan3A_109 = arith.constant 1 : i32
    scf.for %scan3A_111 = %scan3A_106 to %scan3A_108 step %scan3A_109  : i32 {
      %get3A_112 = arith.index_cast %scan3A_111 : i32 to index
      %get3A_113 = arith.constant 0 : index
      %get3A_114 = tpu.vector_load %arg13[%get3A_112, %get3A_113] {strides = array<i32>} : memref<400x32xf32, #tpu.memory_space<vmem>>, vector<16xf32>,
      %exp3A = math.exp %get3A_114 : vector<16xf32>
      %sub3A = arith.constant 1.000000e+00 : f32
      %sub3A_115 = vector.broadcast %sub3A : f32 to vector<16xf32>
      %sub3A_116 = arith.subf %exp3A, %sub3A_115 : vector<16xf32>
      %gt3A = arith.constant 0.000000e+00 : f32
      %gt3A_117 = vector.broadcast %gt3A : f32 to vector<16xf32>
      %gt3A_118 = arith.cmpf ogt, %get3A_114, %gt3A_117 : vector<16xf32>
      %select_n3A = arith.select %gt3A_118, %get3A_114, %sub3A_116 : vector<16xi1>, vector<16xf32>
      %swap3A = arith.index_cast %scan3A_111 : i32 to index
      %swap3A_119 = arith.constant 0 : index
      %swap3A_120 = tpu.vector_load %arg13[%swap3A, %swap3A_119] {strides = array<i32>} : memref<400x32xf32, #tpu.memory_space<vmem>>, vector<16xf32>,
      tpu.vector_store %arg13[%swap3A, %swap3A_119], %select_n3A {strides = array<i32>} : memref<400x32xf32, #tpu.memory_space<vmem>>, vector<16xf32>,
      %get3A_121 = arith.index_cast %scan3A_111 : i32 to index
      %get3A_122 = arith.constant 16 : index
      %get3A_123 = tpu.vector_load %arg13[%get3A_121, %get3A_122] {strides = array<i32>} : memref<400x32xf32, #tpu.memory_space<vmem>>, vector<16xf32>,
      %exp3A_124 = math.exp %get3A_123 : vector<16xf32>
      %sub3A_125 = arith.constant 1.000000e+00 : f32
      %sub3A_126 = vector.broadcast %sub3A_125 : f32 to vector<16xf32>
      %sub3A_127 = arith.subf %exp3A_124, %sub3A_126 : vector<16xf32>
      %gt3A_128 = arith.constant 0.000000e+00 : f32
      %gt3A_129 = vector.broadcast %gt3A_128 : f32 to vector<16xf32>
      %gt3A_130 = arith.cmpf ogt, %get3A_123, %gt3A_129 : vector<16xf32>
      %select_n3A_131 = arith.select %gt3A_130, %get3A_123, %sub3A_127 : vector<16xi1>, vector<16xf32>
      %swap3A_132 = arith.index_cast %scan3A_111 : i32 to index
      %swap3A_133 = arith.constant 16 : index
      %swap3A_134 = tpu.vector_load %arg13[%swap3A_132, %swap3A_133] {strides = array<i32>} : memref<400x32xf32, #tpu.memory_space<vmem>>, vector<16xf32>,
      tpu.vector_store %arg13[%swap3A_132, %swap3A_133], %select_n3A_131 {strides = array<i32>} : memref<400x32xf32, #tpu.memory_space<vmem>>, vector<16xf32>,
    }
    %scan3A_110 = arith.constant 256 : i32
    "tpu.region"() ({
      %run_scoped3A = tpu.sem_alloc : memref<!tpu.dma_semaphore, #tpu.memory_space<semaphore_mem>>
      %dma_start3A = arith.constant 0 : i32
      %dma_start3A_111 = arith.constant 0 : i32
      %dma_start3A_112 = tpu.memref_slice %arg13[%dma_start3A, %dma_start3A_111] : memref<400x32xf32, #tpu.memory_space<vmem>> -> memref<256x32xf32, #tpu.memory_space<vmem>>
      %dma_start3A_113 = arith.constant 0 : i32
      %dma_start3A_114 = tpu.memref_slice %arg8[%arg0, %add3A_104, %dma_start3A_113] : memref<2x20480x32xf32, #tpu.memory_space<hbm>> -> memref<1x256x32xf32, #tpu.memory_space<hbm>>
      %dma_start3A_115 = tpu.memref_squeeze %dma_start3A_114 : memref<1x256x32xf32, #tpu.memory_space<hbm>> -> memref<256x32xf32, #tpu.memory_space<hbm>>
      %dma_start3A_116 = arith.constant 0 : i32
      %dma_start3A_117 = tpu.memref_slice %arg8[%arg0, %add3A_104, %dma_start3A_116] : memref<2x20480x32xf32, #tpu.memory_space<hbm>> -> memref<1x256x32xf32, #tpu.memory_space<hbm>>
      %dma_start3A_118 = tpu.memref_squeeze %dma_start3A_117 : memref<1x256x32xf32, #tpu.memory_space<hbm>> -> memref<256x32xf32, #tpu.memory_space<hbm>>
      %dma_start3A_119 = arith.constant 0 : i32
      %dma_start3A_120 = arith.constant 0 : i32
      %dma_start3A_121 = tpu.memref_slice %arg13[%dma_start3A_119, %dma_start3A_120] : memref<400x32xf32, #tpu.memory_space<vmem>> -> memref<256x32xf32, #tpu.memory_space<vmem>>
      tpu.enqueue_dma source(%dma_start3A_121 : memref<256x32xf32, #tpu.memory_space<vmem>>) target(%dma_start3A_118 : memref<256x32xf32, #tpu.memory_space<hbm>>) target_semaphore(%run_scoped3A : memref<!tpu.dma_semaphore, #tpu.memory_space<semaphore_mem>>)
      %dma_wait3A = arith.constant 0 : i32
      %dma_wait3A_122 = arith.constant 0 : i32
      %dma_wait3A_123 = tpu.memref_slice %arg13[%dma_wait3A, %dma_wait3A_122] : memref<400x32xf32, #tpu.memory_space<vmem>> -> memref<256x32xf32, #tpu.memory_space<vmem>>
      %dma_wait3A_124 = arith.constant 0 : i32
      %dma_wait3A_125 = tpu.memref_slice %arg8[%arg0, %add3A_104, %dma_wait3A_124] : memref<2x20480x32xf32, #tpu.memory_space<hbm>> -> memref<1x256x32xf32, #tpu.memory_space<hbm>>
      %dma_wait3A_126 = tpu.memref_squeeze %dma_wait3A_125 : memref<1x256x32xf32, #tpu.memory_space<hbm>> -> memref<256x32xf32, #tpu.memory_space<hbm>>
      %dma_wait3A_127 = arith.constant 0 : i32
      %dma_wait3A_128 = tpu.memref_slice %arg8[%arg0, %add3A_104, %dma_wait3A_127] : memref<2x20480x32xf32, #tpu.memory_space<hbm>> -> memref<1x256x32xf32, #tpu.memory_space<hbm>>
      %dma_wait3A_129 = tpu.memref_squeeze %dma_wait3A_128 : memref<1x256x32xf32, #tpu.memory_space<hbm>> -> memref<256x32xf32, #tpu.memory_space<hbm>>
      %dma_wait3A_130 = arith.constant 0 : i32
      %dma_wait3A_131 = arith.constant 0 : i32
      %dma_wait3A_132 = tpu.memref_slice %arg13[%dma_wait3A_130, %dma_wait3A_131] : memref<400x32xf32, #tpu.memory_space<vmem>> -> memref<256x32xf32, #tpu.memory_space<vmem>>
      tpu.wait_dma2 semaphore(%run_scoped3A : memref<!tpu.dma_semaphore, #tpu.memory_space<semaphore_mem>>) src(%dma_wait3A_132 : memref<256x32xf32, #tpu.memory_space<vmem>>) dst(%dma_wait3A_129 : memref<256x32xf32, #tpu.memory_space<hbm>>)
      tpu.yield
    }) : () -> ()
    return
  }
}

module attributes {stable_mosaic.version = 14 : i64} {
  func.func @_proj_body(%arg0: i32, %arg1: memref<512x128xf32, #tpu.memory_space<vmem>>, %arg2: memref<128x256xf32, #tpu.memory_space<vmem>>, %arg3: memref<512x256xf32, #tpu.memory_space<vmem>>) attributes {dimension_semantics = [#tpu.dimension_semantics<arbitrary>], iteration_bounds = array<i64: 20>, scalar_prefetch = 0 : i64, scratch_operands = 0 : i64, tpu.core_type = #tpu.core_type<tc>, window_params = [{transform_indices = @transform_0, window_bounds = array<i64: 512, 128>}, {pipeline_mode = #tpu.pipeline_mode<synchronous>, transform_indices = @transform_1, window_bounds = array<i64: 128, 256>}, {transform_indices = @transform_2, window_bounds = array<i64: 512, 256>}]} {
    %get3A = arith.constant 0 : index
    %get3A_0 = arith.constant 0 : index
    %get3A_1 = vector.load %arg1[%get3A, %get3A_0] : memref<512x128xf32, #tpu.memory_space<vmem>>, vector<512x128xf32>
    %get3A_2 = arith.constant 0 : index
    %get3A_3 = arith.constant 0 : index
    %get3A_4 = vector.load %arg2[%get3A_2, %get3A_3] : memref<128x256xf32, #tpu.memory_space<vmem>>, vector<128x256xf32>
    %dot_general3A = arith.constant dense<0.000000e+00> : vector<512x256xf32>
    %dot_general3A_5 = tpu.matmul %get3A_1, %get3A_4, %dot_general3A {dimension_numbers = #tpu.dot_dimension_numbers<[1], [0], [0], [1], [0, 0, 1, 1], [], []>, transpose_lhs_hint = false} : vector<512x128xf32>, vector<128x256xf32>, vector<512x256xf32> -> vector<512x256xf32>
    %swap3A = arith.constant 0 : index
    %swap3A_6 = arith.constant 0 : index
    %swap3A_7 = vector.load %arg3[%swap3A, %swap3A_6] : memref<512x256xf32, #tpu.memory_space<vmem>>, vector<512x256xf32>
    tpu.vector_store %arg3[%swap3A, %swap3A_6], %dot_general3A_5 {strides = array<i32>} : memref<512x256xf32, #tpu.memory_space<vmem>>, vector<512x256xf32>,
    return
  }
  func.func @transform_0(%arg0: i32) -> (i32, i32) {
    %c0_i32 = arith.constant 0 : i32
    %c0_i32_0 = arith.constant 0 : i32
    return %arg0, %c0_i32 : i32, i32
  }
  func.func @transform_1(%arg0: i32) -> (i32, i32) {
    %c0_i32 = arith.constant 0 : i32
    %c0_i32_0 = arith.constant 0 : i32
    %c0_i32_1 = arith.constant 0 : i32
    return %c0_i32, %c0_i32_0 : i32, i32
  }
  func.func @transform_2(%arg0: i32) -> (i32, i32) {
    %c0_i32 = arith.constant 0 : i32
    %c0_i32_0 = arith.constant 0 : i32
    return %arg0, %c0_i32 : i32, i32
  }
}

</mosaic_0001>

<sc_bundles>
// kernel: kernel.4.cloned.1.call-start
scs
__scs_entry_jumppad:
0x0: {  	(pc) =	sbr.rel $0x88, $3  }
0x1: {  	(tag) =	ssettag $0x0;
	lr =	simm.s32 $0x1  }
0x2: {  	[smem:$0x3F9D] =	sst lr;
	_ =	strace $0xD0000000  }
0x3: {  	_ = 	snop  }
0x4: {  	_ = 	snop  }
0x5: {  	_ = 	snop  }
0x6: {  	_ = 	snop  }
0x7: {  	_ = 	snop  }
__scs_overlays_trampoline_lowered:
0x8: {  	[smem:$0x3FAC] =	sst s0  }
0x9: {  	[smem:$0x3FAD] =	sst s1  }
0xa: {  	[smem:$0x3FAE] =	sst s2  }
0xb: {  	[smem:$0x3FAF] =	sst s3  }
0xc: {  	[smem:$0x3FB0] =	sst s4  }
0xd: {  	[smem:$0x3FB1] =	sst s5  }
0xe: {  	[smem:$0x3FB2] =	sst s6  }
0xf: {  	[smem:$0x3FB3] =	sst s7  }
0x10: {  	[smem:$0x3FB4] =	sst s8  }
0x11: {  	[smem:$0x3FB5] =	sst s9;
	s0 =	simm.s32 @!p0 $0x0  }
0x12: {  	s1 =	sld [smem:$0x3F9B];
	s0 =	simm.s32 @p0 $0x1  }
0x13: {  	[smem:$0x3FB6] =	sst s0;
	s0 =	simm.s32 @!p1 $0x0  }
0x14: {  	s2 =	sld [smem:$0x3F9A];
	s0 =	simm.s32 @p1 $0x1  }
0x15: {  	[smem:$0x3FB7] =	sst s0;
	s0 =	simm.s32 @!p2 $0x0  }
0x16: {  	s3 =	sld [smem:$0x3FDB];
	s0 =	simm.s32 @p2 $0x1  }
0x17: {  	s4 =	simm.s32 $0x1BF5;
	[smem:$0x3FB9] =	sst s0  }
0x18: {  	s0 =	sld [smem:$0x3F9C];
	_ =	swait.ge [sflag:s4], $0x0  }
0x19: {  	s7 =	sld [smem:$0x3F9D]  }
0x1a: {  	s8 =	sadd.s32 $0xFFFFE003, lr  }
0x1b: {  	s9 =	sadd.s32 $0xFFFFFEF7, lr;
	s5 =	simm.s32 $0xFFFFFFFF;
	p2 =	slt.u32 s8, $0xFFFFF086  }
0x1c: {  	p1 =	slt.u32 s9, $0xF7A;
	s5 =	simm.s32 @!p2 $0x0  }
0x1d: {  	s5 =	simm.s32 @p1 $0x1;
	p0 =	seq.s32 s7, s2  }
0x1e: {  	s7 =	smul.u32 @!p0 $0xF7A, s2;
	p2 =	seq.s32 @!p0 s5, $0x0  }
0x1f: {  	s9 =	smul.u32 $0xF7A, s1;
	s8 =	simm.s32 @!p0 $0x1BF5;
	p2 =	por !p2, p0  }
0x20: {  	[sflag:s8] =	ssyncset.s32 @!p0 $0xFFFFF086;
	s6 =	sadd.s32 @!p0 s3, s7;
	s7 =	simm.s32 @!p0 $0x108  }
0x21: {  	s3 =	sadd.s32 s3, s9;
	s6 =	sadd.s32 @!p0 $0x88, s6;
	s7 =	simm.s32 @p2 $0x1082  }
0x22: {  	[simem:s7], [sflag:s8] =	dma.local @!p0 [hbm:s6], $0xF7A  }
0x23: {  	s9 =	sor.u32 $0xD0000000, s2;
	s6 =	simm.s32 $0x108;
	_ =	swait.ge @!p0 [sflag:s8], $0x0  }
0x24: {  	s3 =	sadd.s32 $0x88, s3;
	s6 =	simm.s32 @!p1 $0x1082;
	[sflag:s4] =	ssyncset.s32 $0xFFFFF086  }
0x25: {  	[simem:s6], [sflag:s4] =	dma.local [hbm:s3], $0xF7A  }
0x26: {  	[smem:$0x3F9D] =	sst s1;
	(tag) =	ssettag s2;
	_ =	strace s9  }
0x27: {  	s1 =	sld [smem:$0x3FAD]  }
0x28: {  	s2 =	sld [smem:$0x3FAE]  }
0x29: {  	s4 =	sld [smem:$0x3FB0]  }
0x2a: {  	p0 =	seq.s32 s5, $0x0;
	s5 =	sld [smem:$0x3FB1]  }
0x2b: {  	s6 =	sld [smem:$0x3FB2]  }
0x2c: {  	s7 =	sld [smem:$0x3FB3]  }
0x2d: {  	s3 =	simm.s32 $0x108;
	s8 =	sld [smem:$0x3FB4]  }
0x2e: {  	s3 =	simm.s32 @!p0 $0x1082;
	s9 =	sld [smem:$0x3FB5]  }
0x2f: {  	lr =	sadd.s32 s0, s3;
	s0 =	sld [smem:$0x3FAC]  }
0x30: {  	s3 =	sld [smem:$0x3FAF]  }
0x31: {  	[smem:$0x3FB8] =	sst s10  }
0x32: {  	s10 =	sld [smem:$0x3FB6];
	_ =	sdelay $0x3  }
0x33: {  	p0 =	seq.s32 s10, $0x1;
	s10 =	sld [smem:$0x3FB8];
	_ =	sdelay $0x3  }
0x34: {  	[smem:$0x3FB8] =	sst s10  }
0x35: {  	s10 =	sld [smem:$0x3FB7];
	_ =	sdelay $0x3  }
0x36: {  	p1 =	seq.s32 s10, $0x1;
	s10 =	sld [smem:$0x3FB8];
	_ =	sdelay $0x3  }
0x37: {  	[smem:$0x3FB8] =	sst s10  }
0x38: {  	s10 =	sld [smem:$0x3FB9]  }
0x39: {  	_ = 	snop;
	(pc) =	sbr.ind lr, $3  }
0x3a: {  	_ = 	snop  }
0x3b: {  	_ = 	snop  }
0x3c: {  	p2 =	seq.s32 s10, $0x1;
	s10 =	sld [smem:$0x3FB8]  }
0x3d: {  	_ =	shalt  }
0x3e: {  	_ =	shalt  }
0x3f: {  	_ =	shalt  }
0x40: {  	_ =	shalt  }
0x41: {  	_ =	shalt  }
0x42: {  	_ =	shalt  }
0x43: {  	_ =	shalt  }
0x44: {  	_ =	shalt  }
0x45: {  	_ =	shalt  }
0x46: {  	_ =	shalt  }
0x47: {  	_ =	shalt  }
0x48: {  	_ =	shalt  }
0x49: {  	_ =	shalt  }
0x4a: {  	_ =	shalt  }
0x4b: {  	_ =	shalt  }
0x4c: {  	_ =	shalt  }
0x4d: {  	_ =	shalt  }
0x4e: {  	_ =	shalt  }
0x4f: {  	_ =	shalt  }
0x50: {  	_ =	shalt  }
0x51: {  	_ =	shalt  }
0x52: {  	_ =	shalt  }
0x53: {  	_ =	shalt  }
0x54: {  	_ =	shalt  }
0x55: {  	_ =	shalt  }
0x56: {  	_ =	shalt  }
0x57: {  	_ =	shalt  }
0x58: {  	_ =	shalt  }
0x59: {  	_ =	shalt  }
0x5a: {  	_ =	shalt  }
0x5b: {  	_ =	shalt  }
0x5c: {  	_ =	shalt  }
0x5d: {  	_ =	shalt  }
0x5e: {  	_ =	shalt  }
0x5f: {  	_ =	shalt  }
0x60: {  	_ =	shalt  }
0x61: {  	_ =	shalt  }
0x62: {  	_ =	shalt  }
0x63: {  	_ =	shalt  }
0x64: {  	_ =	shalt  }
0x65: {  	_ =	shalt  }
0x66: {  	_ =	shalt  }
0x67: {  	_ =	shalt  }
0x68: {  	_ =	shalt  }
0x69: {  	_ =	shalt  }
0x6a: {  	_ =	shalt  }
0x6b: {  	_ =	shalt  }
0x6c: {  	_ =	shalt  }
0x6d: {  	_ =	shalt  }
0x6e: {  	_ =	shalt  }
0x6f: {  	_ =	shalt  }
0x70: {  	_ =	shalt  }
0x71: {  	_ =	shalt  }
0x72: {  	_ =	shalt  }
0x73: {  	_ =	shalt  }
0x74: {  	_ =	shalt  }
0x75: {  	_ =	shalt  }
0x76: {  	_ =	shalt  }
0x77: {  	_ =	shalt  }
0x78: {  	_ =	shalt  }
0x79: {  	_ =	shalt  }
0x7a: {  	_ =	shalt  }
0x7b: {  	_ =	shalt  }
0x7c: {  	_ =	shalt  }
0x7d: {  	_ =	shalt  }
0x7e: {  	_ =	shalt  }
0x7f: {  	_ =	shalt  }
0x80: {  	_ =	shalt  }
0x81: {  	_ =	shalt  }
0x82: {  	_ =	shalt  }
0x83: {  	_ =	shalt  }
0x84: {  	_ =	shalt  }
0x85: {  	_ =	shalt  }
0x86: {  	_ =	shalt  }
0x87: {  	_ =	shalt  }
.Lfunc_end0:
.L_simem_size_0:
called_computation_lowered:
.L_overlay_start_0:
0x88: {  	s2 =	sld [smem:$0x3FD9]  }
0x89: {  	s3 =	sld [smem:$0x3FFE];
	_ =	sdelay $0x1  }
0x8a: {  	s1 =	srdreg.scid  }
0x8b: {  	s0 =	sand.u32 $0x1, s1  }
0x8c: {  	s17 =	sshll.u32 s0, $0xA;
	s2 =	sadd.s32 s3, s2  }
0x8d: {  	s2 =	sadd.s32 s2, s17  }
0x8e: {  	[smem:$0x3FC4] =	sst s2  }
0x8f: {  	_ = 	snop  }
0x90: {  	s2 =	sld [smem:$0x3FD0];
	(tm) =	ssettm $0x1  }
0x91: {  	s18 =	sld [smem:$0x3FFB];
	_ =	sdelay $0x3  }
0x92: {  	_ =	strace s18  }
0x93: {  	s3 =	sld [smem:$0x3FFC];
	_ =	sdelay $0x3  }
0x94: {  	_ =	strace s3  }
0x95: {  	s3 =	sld [smem:$0x3FFD];
	_ =	sdelay $0x3  }
0x96: {  	_ =	strace s3  }
0x97: {  	_ =	strace $0x8FFFFFFF  }
0x98: {  	s19 =	sld [smem:$0x3FDB];
	_ =	sdelay $0x1  }
0x99: {  	s4 =	simm.s32 $_scs_section_size  }
0x9a: {  	s5 =	simm.s32 $_size__tile_overlayer_lowered;
	s6 =	simm.s32 $_tile_overlayer_lowered  }
0x9b: {  	s22 =	simm.s32 $0x1BFF;
	s21 =	sshll.u32 s6, $0x1;
	s3 =	sadd.s32 s4, s19  }
0x9c: {  	s7 =	simm.s32 $0x0;
	s20 =	sshll.u32 s5, $0x1;
	s5 =	sadd.s32 s21, s3  }
0x9d: {  	[timem:s7], [sflag:s22] =	dma.local [hbm:s5], s20  }
0x9e: {  	_ =	swait.ge [sflag:s22], s20  }
0x9f: {  	s4 =	ssub.s32 $0x0, s20;
	[sflag:s22] =	ssyncset.done $0x0  }
0xa0: {  	[sflag:s22] =	ssyncadd.s32 s4;
	_ =	sdelay $0x1  }
0xa1: {  	s23 =	simm.s32 $0x1B8B  }
0xa2: {  	_ =	swait.ge [sflag:s23], $0x1  }
0xa3: {  	[sflag:s23] =	ssyncset.done $0x0  }
0xa4: {  	s25 =	simm.s32 $0x1B8E;
	s24 =	sld [smem:$0x3FFE];
	[sflag:s23] =	ssyncadd.s32 $0xFFFFFFFF  }
0xa5: {  	s26 =	simm.s32 $execute0_lowered;
	[smem:$0x3FD2] =	sst s25  }
0xa6: {  	s5 =	sshll.u32 s26, $0x1;
	_ =	strace $0x80000046;
	[dreg:$0x1] =	wrdreg $0xFFFFFFFF  }
0xa7: {  	s28 =	simm.s32 $_size_execute0_lowered;
	s3 =	sadd.s32 s3, s5;
	[dreg:$0x0] =	wrdreg $0x0  }
0xa8: {  	s5 =	sshll.u32 s28, $0x1;
	[dreg:$0x2] =	wrdreg s3  }
0xa9: {  	[dreg:$0x3] =	wrdreg s5  }
0xaa: {  	[dreg:$0x4] =	wrdreg $0xC0  }
0xab: {  	_ =	task [dreg:s7], $0x5FFFF  }
0xac: {  	[dreg:$0x1] =	wrdreg $0xFFFFFFFF  }
0xad: {  	[dreg:$0x0] =	wrdreg $0x60  }
0xae: {  	[dreg:$0x2] =	wrdreg s24  }
0xaf: {  	[dreg:$0x3] =	wrdreg s2  }
0xb0: {  	[dreg:$0x4] =	wrdreg $0x0  }
0xb1: {  	[dreg:$0x5] =	wrdreg $0xA0000  }
0xb2: {  	[dreg:$0x6] =	wrdreg $0x9  }
0xb3: {  	_ =	task.clear_ibuf [dreg:s7], $0x7FFFF;
	_ =	strace $0x90000046  }
0xb4: {  	s29 =	simm.s32 $0x9;
	_ =	strace $0x80000048  }
0xb5: {  	_ =	swait.ge [sflag:s29], $0x1  }
0xb6: {  	[sflag:s29] =	ssyncadd.s32 $0xFFFFFFFF  }
0xb7: {  	_ =	strace $0x90000048  }
0xb8: {  	_ =	sfence  }
0xb9: {  	s30 =	sld [smem:$0x0];
	_ =	sdelay $0x2  }
0xba: {  	s31 =	sshll.u32 s1, $0xD;
	s1 =	sshrl.u32 s1, $0x2  }
0xbb: {  	s3 =	sand.u32 $0x4000, s31;
	s1 =	sadd.s32 s1, s30  }
0xbc: {  	s0 =	sor.u32 s3, s0;
	s1 =	sshll.u32 s1, $0x11  }
0xbd: {  	s0 =	sor.u32 s1, s0  }
0xbe: {  	s0 =	sadd.s32 $0x8F2B, s0  }
0xbf: {  	[sflag:s0] =	ssyncadd.remote.s32 $0x1  }
0xc0: {  	_ =	sfence.sel $0xFFFF  }
0xc1: {  	[dreg:$0x0] =	wrdreg $0xFFFFFFFF;
	(pc) =	sbr.abs _section_cstart, $3  }
0xc2: {  	[dreg:$0x1] =	wrdreg $0xFFFFFFFF  }
0xc3: {  	_ =	task.clear_ibuf [dreg:s7], $0x2FFFF;
	_ =	strace $0x9FFFFFFF  }
0xc4: {  	(tm) =	ssettm $0x7FFFFFFF  }
0xc5: {  	_ =	shalt  }
tec
execute0_lowered:
.L_overlay_start_1:
0x0: {  	(tag) =	ssettag $0x1  }
0x1: {  	s1 =	rddreg [dreg:$0x0]  }
0x2: {  	s2 =	rddreg [dreg:$0x1]  }
0x3: {  	s3 =	rddreg [dreg:$0x2]  }
0x4: {  	s4 =	rddreg [dreg:$0x3]  }
0x5: {  	s0 =	simm.s32 $0x0;
	s17 =	srdreg.scid;
	s24 =	stileid.u32  }
0x6: {  	s29 =	simm.s32 $0x1D7B0;
	s30 =	simm.s32 $0x1;
	s31 =	simm.s32 $0x19140  }
0x7: {  	[smem:$0x7FF] =	sst s0;
	s5 =	sadd.s32 $0x13E00, s1;
	s11 =	smul.u32 $0xA000, s24  }
0x8: {  	s0 =	sand.u32 $0x1, s17;
	s12 =	sadd.s32 $0x16800, s1;
	s15 =	smul.u32 $0x1400, s24  }
0x9: {  	_ =	strace $0x80000047;
	s6 =	sshll.u32 s0, $0x2;
	s16 =	smul.u32 $0x9C4, s0  }
0xa: {  	s7 =	ssub.s32 $0x2, s0;
	s18 =	smul.u32 $0x4E20, s0;
	s19 =	sshllo.u32 s0, $0x1  }
0xb: {  	s22 =	smul.u32 $0xA0000, s0;
	s0 =	sshll.u32 s0, $0x1;
	s6 =	sadd.s32 s6, s1  }
0xc: {  	s8 =	sshrl.u32 s7, $0x1;
	s13 =	sadd.s32 $0x2000, s11;
	s17 =	sadd.s32 $0x4000, s11  }
0xd: {  	s20 =	sadd.s32 $0x6000, s11;
	s21 =	smul.u32 $0x4E2, s19;
	s15 =	sshrl.u32 s15, $0x2  }
0xe: {  	v0 =	vmov s0;
	s0 =	simm.s32 $0x14140;
	s14 =	ssub.s32 s7, s8;
	s7 =	sadd.s32 s11, s3  }
0xf: {  	s8 =	sadd.s32 s13, s3;
	s9 =	sadd.s32 s17, s3;
	s10 =	sadd.s32 s20, s3  }
0x10: {  	s18 =	sshrl.u32 s18, $0x3;
	s16 =	sadd.s32 s5, s16;
	s17 =	sadd.s32 s22, s17  }
0x11: {  	s20 =	sadd.s32 s22, s20;
	s25 =	sadd.s32 s15, s4;
	[dreg:$0x5] =	wrdreg s16  }
0x12: {  	s16 =	sadd.s32 s5, s18;
	s5 =	sadd.s32 s5, s21;
	s18 =	sadd.s32 $0x8000, s11  }
0x13: {  	s11 =	sadd.s32 s11, s22;
	s21 =	sadd.s32 s22, s13;
	[dreg:$0x7] =	wrdreg s25  }
0x14: {  	s15 =	sshrl.u32 s17, $0x3;
	s17 =	sshrl.u32 s20, $0x3;
	s25 =	smax.u32 s14, $0x1  }
0x15: {  	s14 =	simm.s32 $0x190;
	[dreg:$0x6] =	wrdreg s5;
	s23 =	sadd.s32 s22, s18  }
0x16: {  	s28 =	sshrl.u32 s21, $0x3;
	s21 =	sadd.s32 $0x1388, s16;
	[dreg:$0x10] =	wrdreg s25  }
0x17: {  	s26 =	sshrl.u32 s11, $0x3;
	s22 =	sadd.s32 $0x186A, s16;
	[dreg:$0xd] =	wrdreg s21  }
0x18: {  	s13 =	sadd.s32 s18, s3;
	s5 =	sadd.s32 s12, s26;
	[dreg:$0xe] =	wrdreg s22  }
0x19: {  	s16 =	simm.s32 $0x1D470;
	s11 =	sadd.s32 s12, s28;
	[dreg:$0x8] =	wrdreg s5  }
0x1a: {  	s18 =	sshrl.u32 s23, $0x3;
	s23 =	sadd.s32 $0x13C00, s6;
	[dreg:$0x9] =	wrdreg s11  }
0x1b: {  	v2 =	vimm.f32 $0.0e+00;
	v3 =	vimm.s32 $0x0;
	v4 =	vimm.s32 $0x1;
	s26 =	sadd.s32 $0x16600, s1;
	s28 =	sadd.s32 $0x16650, s1;
	[dreg:$0xf] =	wrdreg s23  }
0x1c: {  	v5 =	vimm.s32 $0x2;
	v6 =	vimm.s32 $0x3;
	v7 =	vimm.s32 $0x4;
	s6 =	simm.s32 $0xA500;
	s5 =	sadd.s32 s12, s15;
	[dreg:$0x11] =	wrdreg s26  }
0x1d: {  	v8 =	vimm.s32 $0x5;
	v9 =	vimm.s32 $0x6;
	v10 =	vimm.s32 $0x7;
	s20 =	sadd.s32 s12, s18;
	s23 =	sadd.s32 $0x9E00, s1;
	[dreg:$0x12] =	wrdreg s28  }
0x1e: {  	v11 =	vimm.s32 $0x8;
	v12 =	vimm.s32 $0x9;
	v13 =	vimm.s32 $0xA;
	s26 =	smul.u32 $0x4E20, s24;
	s11 =	simm.s32 $0x1CB10;
	[dreg:$0xa] =	wrdreg s5  }
0x1f: {  	v14 =	vimm.s32 $0xB;
	v15 =	vimm.s32 $0xC;
	v16 =	vimm.s32 $0xD;
	s15 =	simm.s32 $0x1D2E0;
	s5 =	sadd.s32 s12, s17;
	[dreg:$0xc] =	wrdreg s20  }
0x20: {  	v17 =	vimm.s32 $0xE;
	v18 =	vimm.s32 $0xF;
	v1 =	vmov s19;
	s17 =	simm.s32 $0x0;
	[dreg:$0xb] =	wrdreg s5;
	s5 =	simm.s32 $0x1C340  }
.LBB2_1:
0x21: {  	s12 =	simm.s32 $0x0  }
.LBB2_2:
0x22: {  	p0 =	sne.s32 s12, $0xC780  }
.Ltmp0:
0x23: {  	_ = 	snop;
	(pc) =	sbr.rel @p0 .LBB2_2-.Ltmp0, $4  }
0x24: {  	_ = 	snop  }
0x25: {  	s18 =	sshra.s32 s12, $0x2  }
0x26: {  	[tilespmem:s18+$0x19140] =	vst v2  }
0x27: {  	s12 =	sadd.s32 $0x80, s12;
	[tilespmem:s18+$0x19150] =	vst v2  }
0x28: {  	s12 =	simm.s32 $0x40;
	s18 =	simm.s32 $0x0  }
.LBB2_4:
0x29: {  	p0 =	sne.s32 s12, $0x13FC0;
	[tilespmem:s18+$0x14140] =	vst v2;
	s18 =	smov.u32 s12;
	s12 =	sadd.s32 $0x40, s12  }
.Ltmp1:
0x2a: {  	(pc) =	sbr.rel @p0 .LBB2_4-.Ltmp1, $2  }
0x2b: {  	_ =	sdelay $0x2  }
0x2c: {  	s18 =	sshra.s32 s18, $0x2  }
0x2d: {  	[tilespmem:s18+$0x14140] =	vst v2;
	s18 =	simm.s32 $0x0;
	s12 =	rddreg [dreg:$0x11]  }
0x2e: {  	[tilespmem:s29], [sflag:$0x1] =	stream.linear.gather [hbm4b:s12+s18], $0x280, $0x38;
	[tilespmem:$0x1DA30] =	vst v63  }
0x2f: {  	_ =	swait.ge [sflag:s30], $0x280  }
0x30: {  	[sflag:s30] =	ssyncset.done $0x0  }
0x31: {  	[sflag:s30] =	ssyncadd.s32 $0xFFFFFD80  }
0x32: {  	[spmem:s7] =	stream.linear.scatter [tilespmem:s31], [sflag:$0x1], $0x2000, $0x38;
	[tilespmem:$0x1DA30] =	vst v63  }
0x33: {  	_ =	swait.ge [sflag:s30], $0x2000  }
0x34: {  	[sflag:s30] =	ssyncset.done $0x0  }
0x35: {  	[sflag:s30] =	ssyncadd.s32 $0xFFFFE000  }
0x36: {  	[spmem:s8] =	stream.linear.scatter [tilespmem:s31], [sflag:$0x1], $0x2000, $0x38;
	[tilespmem:$0x1DA30] =	vst v63  }
0x37: {  	_ =	swait.ge [sflag:s30], $0x2000  }
0x38: {  	[sflag:s30] =	ssyncset.done $0x0  }
0x39: {  	[sflag:s30] =	ssyncadd.s32 $0xFFFFE000  }
0x3a: {  	[spmem:s9] =	stream.linear.scatter [tilespmem:s31], [sflag:$0x1], $0x2000, $0x38;
	[tilespmem:$0x1DA30] =	vst v63  }
0x3b: {  	_ =	swait.ge [sflag:s30], $0x2000  }
0x3c: {  	[sflag:s30] =	ssyncset.done $0x0  }
0x3d: {  	[sflag:s30] =	ssyncadd.s32 $0xFFFFE000  }
0x3e: {  	[spmem:s10] =	stream.linear.scatter [tilespmem:s31], [sflag:$0x1], $0x2000, $0x38;
	[tilespmem:$0x1DA30] =	vst v63  }
0x3f: {  	_ =	swait.ge [sflag:s30], $0x2000  }
0x40: {  	[sflag:s30] =	ssyncset.done $0x0  }
0x41: {  	[sflag:s30] =	ssyncadd.s32 $0xFFFFE000  }
0x42: {  	[spmem:s13] =	stream.linear.scatter [tilespmem:s31], [sflag:$0x1], $0x2000, $0x38;
	[tilespmem:$0x1DA30] =	vst v63  }
0x43: {  	_ =	swait.ge [sflag:s30], $0x2000  }
0x44: {  	[sflag:s30] =	ssyncset.done $0x0  }
0x45: {  	s24 =	rddreg [dreg:$0x7];
	[sflag:s30] =	ssyncadd.s32 $0xFFFFE000  }
0x46: {  	[spmem:s24] =	stream.linear.scatter [tilespmem:s0], [sflag:$0x1], $0x500, $0x38;
	[tilespmem:$0x1DA30] =	vst v63  }
0x47: {  	_ =	swait.ge [sflag:s30], $0x500  }
0x48: {  	[sflag:s30] =	ssyncset.done $0x0  }
0x49: {  	[sflag:s30] =	ssyncadd.s32 $0xFFFFFB00  }
0x4a: {  	[bflag:$0x0] =	sbarrier.arrive $0xFFFF  }
0x4b: {  	s25 =	rddreg [dreg:$0x5]  }
0x4c: {  	[tilespmem:s6], [sflag:$0x1] =	stream.linear.gather [hbm4b:s25+s18], $0x2710, $0x38;
	[tilespmem:$0x1DA30] =	vst v63  }
0x4d: {  	_ =	swait.ge [sflag:s30], $0x2710  }
0x4e: {  	[sflag:s30] =	ssyncset.done $0x0  }
0x4f: {  	s19 =	simm.s32 $0xCC10;
	s28 =	rddreg [dreg:$0xd];
	[sflag:s30] =	ssyncadd.s32 $0xFFFFD8F0  }
0x50: {  	[tilespmem:s19], [sflag:$0x1] =	stream.linear.gather [hbm4b:s28+s18], $0x2710, $0x38;
	[tilespmem:$0x1DA30] =	vst v63  }
0x51: {  	_ =	swait.ge [sflag:s30], $0x2710  }
0x52: {  	[sflag:s30] =	ssyncset.done $0x0  }
0x53: {  	s21 =	simm.s32 $0xF320;
	s20 =	rddreg [dreg:$0x6];
	[sflag:s30] =	ssyncadd.s32 $0xFFFFD8F0  }
0x54: {  	[tilespmem:s21], [sflag:$0x1] =	stream.linear.gather [hbm4b:s20+s18], $0x2710, $0x38;
	[tilespmem:$0x1DA30] =	vst v63  }
0x55: {  	_ =	swait.ge [sflag:s30], $0x2710  }
0x56: {  	[sflag:s30] =	ssyncset.done $0x0  }
0x57: {  	s24 =	simm.s32 $0x11A30;
	s22 =	rddreg [dreg:$0xe];
	[sflag:s30] =	ssyncadd.s32 $0xFFFFD8F0  }
0x58: {  	[tilespmem:s24], [sflag:$0x1] =	stream.linear.gather [hbm4b:s22+s18], $0x2710, $0x38;
	[tilespmem:$0x1DA30] =	vst v63  }
0x59: {  	_ =	swait.ge [sflag:s30], $0x2710  }
0x5a: {  	[sflag:s30] =	ssyncset.done $0x0  }
0x5b: {  	s28 =	simm.s32 $0x1D790;
	s25 =	rddreg [dreg:$0xf];
	[sflag:s30] =	ssyncadd.s32 $0xFFFFD8F0  }
0x5c: {  	[tilespmem:s28], [sflag:$0x1] =	stream.linear.gather [hbm4b:s25+s18], $0x20, $0x38;
	[tilespmem:$0x1DA30] =	vst v63  }
0x5d: {  	_ =	swait.ge [sflag:s30], $0x20  }
0x5e: {  	[sflag:s30] =	ssyncset.done $0x0  }
0x5f: {  	[sflag:s30] =	ssyncadd.s32 $0xFFFFFFE0  }
0x60: {  	v19 =	vld [tilespmem:$0x1D790]  }
0x61: {  	s19 =	simm.s32 $0x0;
	v20 =	vld [tilespmem:$0x1D7A0]  }
.LBB2_6:
0x62: {  	s12 =	smul.u32 $0x7D0, s19;
	_ =	sdelay $0x1  }
0x63: {  	s12 =	sadd.s32 s26, s12  }
0x64: {  	s12 =	sshrl.u32 s12, $0x3  }
0x65: {  	s20 =	sadd.s32 s23, s12  }
0x66: {  	[tilespmem:s5], [sflag:$0x1] =	stream.linear.gather [hbm4b:s20+s18], $0x7D0, $0x38;
	[tilespmem:$0x1DA30] =	vst v63  }
0x67: {  	_ =	swait.ge [sflag:s30], $0x7D0  }
0x68: {  	[sflag:s30] =	ssyncset.done $0x0  }
0x69: {  	s12 =	sadd.s32 s1, s12;
	[sflag:s30] =	ssyncadd.s32 $0xFFFFF830  }
0x6a: {  	[tilespmem:s11], [sflag:$0x1] =	stream.linear.gather [hbm4b:s12+s18], $0x7D0, $0x38;
	[tilespmem:$0x1DA30] =	vst v63  }
0x6b: {  	_ =	swait.ge [sflag:s30], $0x7D0  }
0x6c: {  	[sflag:s30] =	ssyncset.done $0x0  }
0x6d: {  	s28 =	simm.s32 $0x0;
	[sflag:s30] =	ssyncadd.s32 $0xFFFFF830  }
0x6e: {  	v22 =	vld [tilespmem:s28+$0x1CB10]  }
0x6f: {  	v23 =	vld [tilespmem:s28+$0x1C340];
	_ =	sdelay $0x3  }
0x70: {  	v21 =	vadd.s32 $0x2710, v22;
	_ =	sdelay $0x3  }
0x71: {  	v24 =	vld.idx.msk [tilespmem:v23+s6+$0x0], $0xffff  }
0x72: {  	v25 =	vld.idx.msk [tilespmem:v21+s6+$0x0], $0xffff;
	_ =	sdelay $0x4  }
0x73: {  	v24 =	vadd.f32 v25, v24;
	_ =	sdelay $0x1  }
0x74: {  	v25 =	vmul.f32 $2.000000030e-01, v24;
	_ =	sdelay $0x1  }
0x75: {  	v24 =	vmax.f32 v24, v25  }
0x76: {  	v24 =	vsub.f32 v24, v19;
	_ =	sdelay $0x1  }
0x77: {  	v24 =	vmul.f32 $1.442695020e+00, v24;
	_ =	sdelay $0x1  }
0x78: {  	(erf) = vpow2.f32 v24;
	_ =	sdelay $0x5  }
0x79: {  	v23 =	vadd.s32 $0x4E20, v23  }
0x7a: {  	v62 =	vadd.s32 $0x7530, v22;
	_ =	sdelay $0x1  }
0x7b: {  	v63 =	vpop (erf)  }
0x7c: {  	[tilespmem:v22+s0+$0x0] =	vst.idx.add.f32.msk $0xffff, v63  }
0x7d: {  	v22 =	vld.idx.msk [tilespmem:v23+s6+$0x0], $0xffff  }
0x7e: {  	v23 =	vld.idx.msk [tilespmem:v62+s6+$0x0], $0xffff;
	_ =	sdelay $0x4  }
0x7f: {  	v22 =	vadd.f32 v23, v22;
	_ =	sdelay $0x1  }
0x80: {  	v23 =	vmul.f32 $2.000000030e-01, v22;
	_ =	sdelay $0x1  }
0x81: {  	v22 =	vmax.f32 v22, v23  }
0x82: {  	v22 =	vsub.f32 v22, v20;
	_ =	sdelay $0x1  }
0x83: {  	v22 =	vmul.f32 $1.442695020e+00, v22;
	_ =	sdelay $0x1  }
0x84: {  	s12 =	simm.s32 $0x40;
	(erf) = vpow2.f32 v22  }
.LBB2_7:
0x85: {  	_ =	sdelay $0x6  }
0x86: {  	p0 =	sne.s32 s12, $0x1F00;
	s20 =	smov.u32 s12;
	s12 =	sadd.s32 $0x40, s12  }
0x87: {  	s20 =	sshra.s32 s20, $0x2;
	v22 =	vpop (erf)  }
0x88: {  	[tilespmem:v21+s0+$0x0] =	vst.idx.add.f32.msk $0xffff, v22  }
0x89: {  	v22 =	vld [tilespmem:s20+$0x1CB10]  }
0x8a: {  	v23 =	vld [tilespmem:s20+$0x1C340];
	_ =	sdelay $0x3  }
0x8b: {  	v21 =	vadd.s32 $0x2710, v22;
	_ =	sdelay $0x3  }
0x8c: {  	v24 =	vld.idx.msk [tilespmem:v23+s6+$0x0], $0xffff  }
0x8d: {  	v25 =	vld.idx.msk [tilespmem:v21+s6+$0x0], $0xffff;
	_ =	sdelay $0x5  }
0x8e: {  	v24 =	vadd.f32 v25, v24;
	_ =	sdelay $0x1  }
0x8f: {  	v25 =	vmul.f32 $2.000000030e-01, v24;
	_ =	sdelay $0x1  }
0x90: {  	v24 =	vmax.f32 v24, v25  }
0x91: {  	v24 =	vsub.f32 v24, v19;
	_ =	sdelay $0x1  }
0x92: {  	v24 =	vmul.f32 $1.442695020e+00, v24;
	_ =	sdelay $0x1  }
0x93: {  	(erf) = vpow2.f32 v24;
	_ =	sdelay $0x5  }
0x94: {  	v23 =	vadd.s32 $0x4E20, v23;
	v24 =	vadd.s32 $0x7530, v22;
	_ =	sdelay $0x2  }
0x95: {  	v25 =	vpop (erf)  }
0x96: {  	[tilespmem:v22+s0+$0x0] =	vst.idx.add.f32.msk $0xffff, v25  }
0x97: {  	v22 =	vld.idx.msk [tilespmem:v23+s6+$0x0], $0xffff  }
0x98: {  	v23 =	vld.idx.msk [tilespmem:v24+s6+$0x0], $0xffff;
	_ =	sdelay $0x5  }
0x99: {  	v22 =	vadd.f32 v23, v22;
	_ =	sdelay $0x1  }
0x9a: {  	v23 =	vmul.f32 $2.000000030e-01, v22;
	_ =	sdelay $0x1  }
0x9b: {  	v22 =	vmax.f32 v22, v23  }
.Ltmp2:
0x9c: {  	v22 =	vsub.f32 v22, v20;
	(pc) =	sbr.rel @p0 .LBB2_7-.Ltmp2, $3  }
0x9d: {  	_ = 	snop  }
0x9e: {  	v22 =	vmul.f32 $1.442695020e+00, v22;
	_ =	sdelay $0x1  }
0x9f: {  	(erf) = vpow2.f32 v22  }
0xa0: {  	_ =	sdelay $0x2  }
0xa1: {  	s19 =	sadd.s32 $0x1, s19  }
0xa2: {  	p0 =	sne.s32 s19, $0xA  }
.Ltmp3:
0xa3: {  	_ = 	snop;
	(pc) =	sbr.rel @p0 .LBB2_6-.Ltmp3, $3  }
0xa4: {  	_ =	sdelay $0x1  }
0xa5: {  	v22 =	vpop (erf)  }
0xa6: {  	[tilespmem:v21+s0+$0x0] =	vst.idx.add.f32.msk $0xffff, v22  }
0xa7: {  	s19 =	simm.s32 $0x280  }
0xa8: {  	[spmem:s4] =	stream.indirect.scatter.add.f32 [tilespmem:s0], [sflag:$0x1], $0x10, s29, s19, $0xb8;
	[tilespmem:$0x1DA30] =	vst v63  }
0xa9: {  	_ =	swait.ge [sflag:s30], $0x2800  }
0xaa: {  	[sflag:s30] =	ssyncset.done $0x0  }
0xab: {  	s18 =	simm.s32 $0x0;
	s12 =	rddreg [dreg:$0x12];
	[sflag:s30] =	ssyncadd.s32 $0xFFFFD800  }
0xac: {  	[tilespmem:s29], [sflag:$0x1] =	stream.linear.gather [hbm4b:s12+s18], $0x280, $0x38;
	[tilespmem:$0x1DA30] =	vst v63  }
0xad: {  	_ =	swait.ge [sflag:s30], $0x280  }
0xae: {  	[sflag:s30] =	ssyncset.done $0x0  }
0xaf: {  	s28 =	simm.s32 $0x16940;
	[sflag:s30] =	ssyncadd.s32 $0xFFFFFD80  }
0xb0: {  	[spmem:s4] =	stream.indirect.scatter.add.f32 [tilespmem:s28], [sflag:$0x1], $0x10, s29, s19, $0xb8;
	[tilespmem:$0x1DA30] =	vst v63  }
0xb1: {  	_ =	swait.ge [sflag:s30], $0x2800  }
0xb2: {  	[sflag:s30] =	ssyncset.done $0x0  }
0xb3: {  	[sflag:s30] =	ssyncadd.s32 $0xFFFFD800  }
0xb4: {  	[bflag:$0x0] =	sbarrier.arrive $0xFFFF  }
0xb5: {  	[tilespmem:s0], [sflag:$0x1] =	stream.linear.gather [spmem:s4], $0x5000, $0x38;
	[tilespmem:$0x1DA30] =	vst v63  }
0xb6: {  	_ =	swait.ge [sflag:s30], $0x5000  }
0xb7: {  	[sflag:s30] =	ssyncset.done $0x0  }
0xb8: {  	s19 =	simm.s32 $0x0;
	[sflag:s30] =	ssyncadd.s32 $0xFFFFB000  }
.LBB2_10:
0xb9: {  	s12 =	smul.u32 $0x7D0, s19;
	_ =	sdelay $0x1  }
0xba: {  	s12 =	sadd.s32 s26, s12  }
0xbb: {  	s12 =	sshrl.u32 s12, $0x3  }
0xbc: {  	s20 =	simm.s32 $0x1C340;
	s21 =	sadd.s32 s23, s12  }
0xbd: {  	[tilespmem:s20], [sflag:$0x1] =	stream.linear.gather [hbm4b:s21+s18], $0x7D0, $0x38;
	[tilespmem:$0x1DA30] =	vst v63  }
0xbe: {  	_ =	swait.ge [sflag:s30], $0x7D0  }
0xbf: {  	[sflag:s30] =	ssyncset.done $0x0  }
0xc0: {  	s12 =	sadd.s32 s1, s12;
	s21 =	simm.s32 $0x1CB10;
	[sflag:s30] =	ssyncadd.s32 $0xFFFFF830  }
0xc1: {  	[tilespmem:s21], [sflag:$0x1] =	stream.linear.gather [hbm4b:s12+s18], $0x7D0, $0x38;
	[tilespmem:$0x1DA30] =	vst v63  }
0xc2: {  	_ =	swait.ge [sflag:s30], $0x7D0  }
0xc3: {  	[sflag:s30] =	ssyncset.done $0x0  }
0xc4: {  	s22 =	simm.s32 $0x0;
	[sflag:s30] =	ssyncadd.s32 $0xFFFFF830  }
.LBB2_11:
0xc5: {  	v21 =	vmov s21;
	_ =	sdelay $0x1  }
0xc6: {  	v22 =	vmov s20;
	_ =	sdelay $0x1  }
0xc7: {  	s12 =	simm.s32 $0x0;
	s24 =	simm.s32 $0x40  }
.LBB2_12:
0xc8: {  	p0 =	sne.s32 s24, $0x600;
	v23 =	vld.idx.msk [tilespmem:v21+s12+$0x0 ss:$0x1], $0xffff;
	_ =	sdelay $0x1  }
0xc9: {  	v24 =	vld.idx.msk [tilespmem:v22+s12+$0x0 ss:$0x1], $0xffff;
	_ =	sdelay $0x3  }
0xca: {  	v25 =	vadd.s32 $0x2710, v23;
	v26 =	vshll.u32 v23, $0x1;
	_ =	sdelay $0x1  }
0xcb: {  	v27 =	vshll.u32 v24, $0x2  }
0xcc: {  	v27 =	vor.u32 v0, v27  }
0xcd: {  	v24 =	vld.idx.msk [tilespmem:v24+s6+$0x0], $0xffff  }
0xce: {  	v25 =	vld.idx.msk [tilespmem:v25+s6+$0x0], $0xffff;
	_ =	sdelay $0x5  }
0xcf: {  	v24 =	vadd.f32 v25, v24;
	v23 =	vld.idx.msk [tilespmem:v23+s0+$0x0], $0xffff;
	[tilespmem:s12+$0x1D2E0] =	vst v27  }
0xd0: {  	[tilespmem:s12+$0x1D470] =	vst v26  }
0xd1: {  	v25 =	vmul.f32 $2.000000030e-01, v24;
	_ =	sdelay $0x1  }
0xd2: {  	v24 =	vmax.f32 v24, v25  }
0xd3: {  	v24 =	vsub.f32 v24, v19  }
0xd4: {  	v23 =	vadd.f32 $1.000000020e-16, v23  }
0xd5: {  	v24 =	vmul.f32 $1.442695020e+00, v24  }
0xd6: {  	(erf) = vrcp.f32 v23  }
0xd7: {  	(erf) = vpow2.f32 v24;
	_ =	sdelay $0x7  }
.Ltmp4:
0xd8: {  	v23 =	vpop (erf);
	(pc) =	sbr.rel @p0 .LBB2_12-.Ltmp4, $3  }
0xd9: {  	v24 =	vpop (erf)  }
0xda: {  	v23 =	vmul.f32 v24, v23;
	_ =	sdelay $0x1  }
0xdb: {  	[tilespmem:s12+$0x1D600] =	vst v23;
	s12 =	sshra.s32 s24, $0x2;
	s24 =	sadd.s32 $0x40, s24  }
0xdc: {  	_ =	sdelay $0x3  }
0xdd: {  	v23 =	vld.idx.msk [tilespmem:v21+s12+$0x0 ss:$0x1], $0xffff  }
0xde: {  	v24 =	vld.idx.msk [tilespmem:v22+s12+$0x0 ss:$0x1], $0xffff;
	_ =	sdelay $0x3  }
0xdf: {  	v25 =	vadd.s32 $0x2710, v23;
	_ =	sdelay $0x3  }
0xe0: {  	v26 =	vld.idx.msk [tilespmem:v24+s6+$0x0], $0xffff  }
0xe1: {  	v25 =	vld.idx.msk [tilespmem:v25+s6+$0x0], $0xffff;
	_ =	sdelay $0x4  }
0xe2: {  	v25 =	vadd.f32 v25, v26  }
0xe3: {  	v26 =	vld.idx.msk [tilespmem:v23+s0+$0x0], $0xffff  }
0xe4: {  	v27 =	vmul.f32 $2.000000030e-01, v25;
	_ =	sdelay $0x1  }
0xe5: {  	v25 =	vmax.f32 v25, v27  }
0xe6: {  	v25 =	vsub.f32 v25, v19  }
0xe7: {  	v26 =	vadd.f32 $1.000000020e-16, v26  }
0xe8: {  	v25 =	vmul.f32 $1.442695020e+00, v25  }
0xe9: {  	(erf) = vrcp.f32 v26  }
0xea: {  	(erf) = vpow2.f32 v25;
	_ =	sdelay $0x7  }
0xeb: {  	v24 =	vshll.u32 v24, $0x2;
	v25 =	vpop (erf)  }
0xec: {  	v24 =	vor.u32 v0, v24;
	v26 =	vpop (erf)  }
0xed: {  	v23 =	vshll.u32 v23, $0x1;
	[tilespmem:s12+$0x1D2E0] =	vst v24;
	v24 =	vmul.f32 v26, v25  }
0xee: {  	[tilespmem:s12+$0x1D470] =	vst v23  }
0xef: {  	[tilespmem:s12+$0x1D600] =	vst v24  }
0xf0: {  	[tilespmem:s31], [sflag:$0x1] =	stream.indirect.gather [hbm4b:s2+s14], $0x20, s15, s14, $0xb8;
	[tilespmem:$0x1DA30] =	vst v63  }
0xf1: {  	_ =	swait.ge [sflag:s30], $0x3200  }
0xf2: {  	[sflag:s30] =	ssyncset.done $0x0  }
0xf3: {  	s24 =	simm.s32 $0x19240;
	[sflag:s30] =	ssyncadd.s32 $0xFFFFCE00  }
0xf4: {  	v30 =	vld [tilespmem:s24+$0xFFFFFFF0]  }
0xf5: {  	v32 =	vld [tilespmem:s24+$0xFFFFFF10]  }
0xf6: {  	v34 =	vld [tilespmem:s24+$0xE0]  }
0xf7: {  	v33 =	vld [tilespmem:s24+$0xFFFFFF40]  }
0xf8: {  	v24 =	vld [tilespmem:s24+$0xFFFFFFC0]  }
0xf9: {  	v25 =	vld [tilespmem:s24+$0xFFFFFFE0]  }
0xfa: {  	v28 =	vld [tilespmem:s24+$0xFFFFFF70]  }
0xfb: {  	s25 =	simm.s32 $0x0;
	v31 =	vld [tilespmem:s24+$0xFFFFFFD0]  }
0xfc: {  	v23 =	vld [tilespmem:s25+$0x1D600]  }
0xfd: {  	v26 =	vld [tilespmem:s24+$0xFFFFFFB0]  }
0xfe: {  	v36 =	vld [tilespmem:s24+$0xFFFFFF00]  }
0xff: {  	v29 =	vld [tilespmem:s24+$0xFFFFFF20]  }
0x100: {  	v43 =	vld [tilespmem:s24+$0xC0]  }
0x101: {  	v38 =	vld [tilespmem:s24+$0x90];
	v39 =	vperm.xlane v23, v3;
	v27 =	vperm.xlane v23, v18  }
0x102: {  	v41 =	vld [tilespmem:s24+$0xFFFFFF50];
	v40 =	vperm.xlane v23, v5;
	v35 =	vperm.xlane v23, v17  }
0x103: {  	v42 =	vld [tilespmem:s24+$0xB0];
	v45 =	vmul.f32 v36, v39;
	v36 =	vperm.xlane v23, v16  }
0x104: {  	s28 =	simm.s32 $0x19240;
	s25 =	simm.s32 $0x40;
	v37 =	vld [tilespmem:s24+$0xD0];
	v44 =	vmul.f32 v33, v40;
	v33 =	vperm.xlane v23, v15  }
.LBB2_14:
0x105: {  	p0 =	sne.s32 s25, $0x600  }
0x106: {  	[tilespmem:s24+$0xFFFFFF00] =	vst v45;
	v45 =	vld [tilespmem:s24+$0x60];
	v43 =	vmul.f32 v43, v35;
	v34 =	vmul.f32 v34, v27;
	s28 =	sadd.s32 $0x200, s28;
	s12 =	smov.u32 s25;
	s25 =	sadd.s32 $0x40, s25  }
0x107: {  	[tilespmem:s24+$0xFFFFFF40] =	vst v44;
	v44 =	vperm.xlane v23, v13;
	v38 =	vmul.f32 v38, v33;
	v46 =	vld [tilespmem:s24+$0xA0]  }
0x108: {  	v32 =	vmul.f32 v32, v39;
	v39 =	vmul.f32 v41, v40;
	v40 =	vld [tilespmem:s24+$0x70];
	[tilespmem:s24+$0xE0] =	vst v34  }
0x109: {  	v34 =	vperm.xlane v23, v8;
	v41 =	vld [tilespmem:s24+$0x80];
	v42 =	vmul.f32 v42, v36;
	[tilespmem:s24+$0xC0] =	vst v43  }
0x10a: {  	v43 =	vperm.xlane v23, v9;
	[tilespmem:s24+$0xFFFFFF10] =	vst v32;
	v32 =	vld [tilespmem:s24+$0xFFFFFF60];
	v35 =	vmul.f32 v37, v35  }
0x10b: {  	v48 =	vperm.xlane v23, v14;
	v37 =	vperm.xlane v23, v10;
	v47 =	vld [tilespmem:s24+$0x40];
	[tilespmem:s24+$0xB0] =	vst v42  }
0x10c: {  	[tilespmem:s24+$0xFFFFFF50] =	vst v39;
	v39 =	vperm.xlane v23, v12;
	v42 =	vld [tilespmem:s24+$0x20];
	v36 =	vmul.f32 v46, v36  }
0x10d: {  	v46 =	vperm.xlane v23, v6;
	v49 =	vld [tilespmem:s24+$0x50];
	v40 =	vmul.f32 v40, v48;
	[tilespmem:s24+$0x90] =	vst v38  }
0x10e: {  	v30 =	vmul.f32 v30, v37;
	v38 =	vld [tilespmem:s24+$0x0];
	v33 =	vmul.f32 v41, v33;
	[tilespmem:s24+$0xA0] =	vst v36  }
0x10f: {  	v31 =	vmul.f32 v31, v43;
	v32 =	vmul.f32 v32, v46;
	v36 =	vld [tilespmem:s24+$0x30];
	[tilespmem:s24+$0x70] =	vst v40  }
0x110: {  	v41 =	vmul.f32 v45, v48;
	v40 =	vperm.xlane v23, v4;
	[tilespmem:s24+$0xFFFFFFF0] =	vst v30;
	v30 =	vld [tilespmem:s24+$0x10]  }
0x111: {  	v47 =	vmul.f32 v47, v44;
	v45 =	vld [tilespmem:s24+$0xFFFFFFA0];
	[tilespmem:s24+$0xFFFFFFD0] =	vst v31;
	v31 =	vperm.xlane v23, v11  }
0x112: {  	v42 =	vmul.f32 v42, v39;
	v48 =	vld [tilespmem:s24+$0xFFFFFF30];
	v44 =	vmul.f32 v49, v44;
	[tilespmem:s24+$0xD0] =	vst v35  }
0x113: {  	v28 =	vmul.f32 v28, v46;
	v29 =	vmul.f32 v29, v40;
	[tilespmem:s24+$0x80] =	vst v33;
	v33 =	vld [tilespmem:s24+$0xF0]  }
0x114: {  	v38 =	vmul.f32 v38, v31;
	v35 =	vld [tilespmem:s24+$0xFFFFFF90];
	v36 =	vmul.f32 v36, v39;
	[tilespmem:s24+$0x60] =	vst v41  }
0x115: {  	v25 =	vmul.f32 v25, v37;
	[tilespmem:s24+$0xFFFFFF70] =	vst v28;
	v28 =	vld [tilespmem:s24+$0xFFFFFF80];
	v37 =	vmul.f32 v30, v31  }
0x116: {  	v24 =	vmul.f32 v24, v43;
	[tilespmem:s24+$0xFFFFFF60] =	vst v32;
	v30 =	vmul.f32 v45, v34  }
0x117: {  	v26 =	vmul.f32 v26, v34;
	[tilespmem:s24+$0xFFFFFF20] =	vst v29;
	v29 =	vmul.f32 v48, v40  }
0x118: {  	v23 =	vperm.xlane v23, v7;
	[tilespmem:s24+$0xFFFFFFE0] =	vst v25;
	v25 =	vmul.f32 v33, v27  }
0x119: {  	[tilespmem:s24+$0xFFFFFFC0] =	vst v24  }
0x11a: {  	v24 =	vmul.f32 v28, v23;
	v23 =	vmul.f32 v35, v23;
	[tilespmem:s24+$0xF0] =	vst v25  }
0x11b: {  	[tilespmem:s24+$0xFFFFFFB0] =	vst v26  }
0x11c: {  	[tilespmem:s24+$0xFFFFFF90] =	vst v23  }
0x11d: {  	[tilespmem:s24+$0xFFFFFFA0] =	vst v30  }
0x11e: {  	v30 =	vld [tilespmem:s28+$0xFFFFFFF0];
	[tilespmem:s24+$0x40] =	vst v47  }
0x11f: {  	v32 =	vld [tilespmem:s28+$0xFFFFFF10];
	[tilespmem:s24+$0xFFFFFF80] =	vst v24  }
0x120: {  	v34 =	vld [tilespmem:s28+$0xE0];
	[tilespmem:s24+$0x0] =	vst v38  }
0x121: {  	v33 =	vld [tilespmem:s28+$0xFFFFFF40];
	[tilespmem:s24+$0x30] =	vst v36  }
0x122: {  	v24 =	vld [tilespmem:s28+$0xFFFFFFC0];
	[tilespmem:s24+$0x20] =	vst v42  }
0x123: {  	v25 =	vld [tilespmem:s28+$0xFFFFFFE0];
	[tilespmem:s24+$0x50] =	vst v44  }
0x124: {  	v28 =	vld [tilespmem:s28+$0xFFFFFF70];
	[tilespmem:s24+$0xFFFFFF30] =	vst v29  }
0x125: {  	s12 =	sshra.s32 s12, $0x2;
	v31 =	vld [tilespmem:s28+$0xFFFFFFD0];
	[tilespmem:s24+$0x10] =	vst v37;
	s24 =	smov.u32 s28  }
0x126: {  	v23 =	vld [tilespmem:s12+$0x1D600]  }
0x127: {  	v26 =	vld [tilespmem:s28+$0xFFFFFFB0]  }
0x128: {  	v36 =	vld [tilespmem:s28+$0xFFFFFF00]  }
0x129: {  	v29 =	vld [tilespmem:s28+$0xFFFFFF20]  }
.Ltmp5:
0x12a: {  	v43 =	vld [tilespmem:s28+$0xC0];
	(pc) =	sbr.rel @p0 .LBB2_14-.Ltmp5, $4  }
0x12b: {  	v39 =	vperm.xlane v23, v3;
	v38 =	vld [tilespmem:s28+$0x90];
	v27 =	vperm.xlane v23, v18  }
0x12c: {  	v40 =	vperm.xlane v23, v5;
	v35 =	vperm.xlane v23, v17;
	v41 =	vld [tilespmem:s28+$0xFFFFFF50]  }
0x12d: {  	v45 =	vmul.f32 v36, v39;
	v36 =	vperm.xlane v23, v16;
	v42 =	vld [tilespmem:s28+$0xB0]  }
0x12e: {  	v44 =	vmul.f32 v33, v40;
	v33 =	vperm.xlane v23, v15;
	v37 =	vld [tilespmem:s28+$0xD0]  }
0x12f: {  	[tilespmem:s24+$0xFFFFFF00] =	vst v45;
	v34 =	vmul.f32 v34, v27  }
0x130: {  	v43 =	vmul.f32 v43, v35;
	[tilespmem:s24+$0xFFFFFF40] =	vst v44  }
0x131: {  	v32 =	vmul.f32 v32, v39;
	[tilespmem:s24+$0xE0] =	vst v34  }
0x132: {  	v57 =	vperm.xlane v23, v10;
	v54 =	vmul.f32 v38, v33;
	[tilespmem:s24+$0xC0] =	vst v43  }
0x133: {  	v59 =	vperm.xlane v23, v9;
	v40 =	vmul.f32 v41, v40;
	[tilespmem:s24+$0xFFFFFF10] =	vst v32  }
0x134: {  	v61 =	vperm.xlane v23, v6;
	v30 =	vmul.f32 v30, v57;
	[tilespmem:s24+$0x90] =	vst v54  }
0x135: {  	v46 =	vperm.xlane v23, v4;
	v31 =	vmul.f32 v31, v59;
	[tilespmem:s24+$0xFFFFFF50] =	vst v40  }
0x136: {  	v28 =	vmul.f32 v28, v61;
	[tilespmem:s24+$0xFFFFFFF0] =	vst v30  }
0x137: {  	v50 =	vld [tilespmem:s24+$0xA0];
	v49 =	vmul.f32 v29, v46;
	[tilespmem:s24+$0xFFFFFFD0] =	vst v31  }
0x138: {  	v51 =	vld [tilespmem:s24+$0x70];
	v25 =	vmul.f32 v25, v57;
	[tilespmem:s24+$0xFFFFFF70] =	vst v28  }
0x139: {  	v53 =	vld [tilespmem:s24+$0x80];
	v24 =	vmul.f32 v24, v59;
	[tilespmem:s24+$0xFFFFFF20] =	vst v49  }
0x13a: {  	v52 =	vld [tilespmem:s24+$0x60];
	v42 =	vmul.f32 v42, v36;
	[tilespmem:s24+$0xFFFFFFE0] =	vst v25  }
0x13b: {  	v55 =	vld [tilespmem:s24+$0xFFFFFF60];
	v56 =	vperm.xlane v23, v14;
	v60 =	vmul.f32 v37, v35;
	[tilespmem:s24+$0xFFFFFFC0] =	vst v24  }
0x13c: {  	v41 =	vld [tilespmem:s24+$0xF0];
	[tilespmem:s24+$0xB0] =	vst v42;
	v58 =	vmul.f32 v50, v36  }
0x13d: {  	v45 =	vld [tilespmem:s24+$0x40];
	v39 =	vmul.f32 v51, v56;
	[tilespmem:s24+$0xD0] =	vst v60  }
0x13e: {  	v47 =	vld [tilespmem:s24+$0xFFFFFF90];
	v62 =	vmul.f32 v53, v33;
	[tilespmem:s24+$0xA0] =	vst v58  }
0x13f: {  	v63 =	vld [tilespmem:s24+$0xFFFFFFA0];
	v34 =	vmul.f32 v52, v56;
	[tilespmem:s24+$0x70] =	vst v39  }
0x140: {  	v48 =	vld [tilespmem:s24+$0xFFFFFF30];
	v37 =	vmul.f32 v55, v61;
	v51 =	vperm.xlane v23, v8;
	[tilespmem:s24+$0x80] =	vst v62  }
0x141: {  	v44 =	vld [tilespmem:s24+$0x50];
	v53 =	vperm.xlane v23, v7;
	[tilespmem:s24+$0x60] =	vst v34;
	v54 =	vmul.f32 v41, v27  }
0x142: {  	v40 =	vld [tilespmem:s24+$0x20];
	[tilespmem:s24+$0xFFFFFF60] =	vst v37;
	v26 =	vmul.f32 v26, v51  }
0x143: {  	v50 =	vld [tilespmem:s24+$0xFFFFFF80];
	v55 =	vperm.xlane v23, v13;
	v56 =	vmul.f32 v47, v53;
	[tilespmem:s24+$0xF0] =	vst v54  }
0x144: {  	v36 =	vld [tilespmem:s24+$0x0];
	v57 =	vmul.f32 v63, v51;
	[tilespmem:s24+$0xFFFFFFB0] =	vst v26  }
0x145: {  	v39 =	vld [tilespmem:s24+$0x30];
	v59 =	vmul.f32 v45, v55;
	[tilespmem:s24+$0xFFFFFF90] =	vst v56  }
0x146: {  	v24 =	vmul.f32 v44, v55;
	[tilespmem:s24+$0xFFFFFFA0] =	vst v57  }
0x147: {  	v52 =	vld [tilespmem:s24+$0x10];
	v58 =	vperm.xlane v23, v11;
	v63 =	vmul.f32 v48, v46;
	[tilespmem:s24+$0x40] =	vst v59  }
0x148: {  	v23 =	vperm.xlane v23, v12;
	[tilespmem:s24+$0x50] =	vst v24;
	v60 =	vmul.f32 v50, v53  }
0x149: {  	[tilespmem:s24+$0xFFFFFF30] =	vst v63;
	v61 =	vmul.f32 v36, v58  }
0x14a: {  	v62 =	vmul.f32 v39, v23;
	[tilespmem:s24+$0xFFFFFF80] =	vst v60;
	v23 =	vmul.f32 v40, v23  }
0x14b: {  	[tilespmem:s24+$0x0] =	vst v61  }
0x14c: {  	[tilespmem:s24+$0x20] =	vst v23;
	v23 =	vmul.f32 v52, v58  }
0x14d: {  	[tilespmem:s24+$0x30] =	vst v62  }
0x14e: {  	[tilespmem:s24+$0x10] =	vst v23  }
0x14f: {  	[spmem:s3] =	stream.indirect.scatter.add.f32 [tilespmem:s31], [sflag:$0x1], $0x20, s16, s14, $0xb8;
	[tilespmem:$0x1DA30] =	vst v63  }
0x150: {  	_ =	swait.ge [sflag:s30], $0x3200  }
0x151: {  	[sflag:s30] =	ssyncset.done $0x0  }
0x152: {  	s12 =	simm.s32 $0x0;
	[sflag:s30] =	ssyncadd.s32 $0xFFFFCE00  }
0x153: {  	s24 =	simm.s32 $0x40;
	v23 =	vld.idx.msk [tilespmem:v22+s12+$0x0 ss:$0x1], $0xffff  }
.LBB2_16:
0x154: {  	p0 =	sne.s32 s24, $0x600;
	v24 =	vld.idx.msk [tilespmem:v21+s12+$0x0 ss:$0x1], $0xffff;
	_ =	sdelay $0x4  }
0x155: {  	v25 =	vadd.s32 $0x4E20, v23;
	v23 =	vshll.u32 v23, $0x2  }
0x156: {  	v26 =	vadd.s32 $0x7530, v24;
	v23 =	vor.u32 v1, v23;
	v27 =	vshll.u32 v24, $0x1  }
0x157: {  	v27 =	vor.u32 $0x1, v27;
	_ =	sdelay $0x2  }
0x158: {  	v25 =	vld.idx.msk [tilespmem:v25+s6+$0x0], $0xffff  }
0x159: {  	v26 =	vld.idx.msk [tilespmem:v26+s6+$0x0], $0xffff  }
0x15a: {  	v24 =	vadd.s32 $0x2710, v24;
	_ =	sdelay $0x4  }
0x15b: {  	v25 =	vadd.f32 v26, v25;
	v24 =	vld.idx.msk [tilespmem:v24+s0+$0x0], $0xffff;
	[tilespmem:s12+$0x1D470] =	vst v27  }
0x15c: {  	[tilespmem:s12+$0x1D2E0] =	vst v23  }
0x15d: {  	v23 =	vmul.f32 $2.000000030e-01, v25;
	_ =	sdelay $0x1  }
0x15e: {  	v23 =	vmax.f32 v25, v23  }
0x15f: {  	v23 =	vsub.f32 v23, v20  }
0x160: {  	v24 =	vadd.f32 $1.000000020e-16, v24  }
0x161: {  	v23 =	vmul.f32 $1.442695020e+00, v23  }
0x162: {  	(erf) = vrcp.f32 v24  }
0x163: {  	(erf) = vpow2.f32 v23;
	_ =	sdelay $0x7  }
0x164: {  	v23 =	vpop (erf)  }
.Ltmp6:
0x165: {  	v24 =	vpop (erf);
	(pc) =	sbr.rel @p0 .LBB2_16-.Ltmp6, $3  }
0x166: {  	v23 =	vmul.f32 v24, v23;
	_ =	sdelay $0x1  }
0x167: {  	[tilespmem:s12+$0x1D600] =	vst v23;
	s12 =	sshra.s32 s24, $0x2  }
0x168: {  	s24 =	sadd.s32 $0x40, s24;
	v23 =	vld.idx.msk [tilespmem:v22+s12+$0x0 ss:$0x1], $0xffff  }
0x169: {  	_ =	sdelay $0x3  }
0x16a: {  	v21 =	vld.idx.msk [tilespmem:v21+s12+$0x0 ss:$0x1], $0xffff;
	_ =	sdelay $0x3  }
0x16b: {  	v22 =	vadd.s32 $0x4E20, v23  }
0x16c: {  	v24 =	vadd.s32 $0x7530, v21;
	_ =	sdelay $0x3  }
0x16d: {  	v22 =	vld.idx.msk [tilespmem:v22+s6+$0x0], $0xffff  }
0x16e: {  	v24 =	vld.idx.msk [tilespmem:v24+s6+$0x0], $0xffff  }
0x16f: {  	v25 =	vadd.s32 $0x2710, v21;
	_ =	sdelay $0x3  }
0x170: {  	v22 =	vadd.f32 v24, v22  }
0x171: {  	v24 =	vld.idx.msk [tilespmem:v25+s0+$0x0], $0xffff  }
0x172: {  	v25 =	vmul.f32 $2.000000030e-01, v22;
	_ =	sdelay $0x1  }
0x173: {  	v22 =	vmax.f32 v22, v25  }
0x174: {  	v22 =	vsub.f32 v22, v20  }
0x175: {  	v24 =	vadd.f32 $1.000000020e-16, v24  }
0x176: {  	v22 =	vmul.f32 $1.442695020e+00, v22  }
0x177: {  	(erf) = vrcp.f32 v24  }
0x178: {  	(erf) = vpow2.f32 v22;
	_ =	sdelay $0x7  }
0x179: {  	v21 =	vshll.u32 v21, $0x1;
	v22 =	vpop (erf)  }
0x17a: {  	v23 =	vshll.u32 v23, $0x2;
	v21 =	vor.u32 $0x1, v21;
	v24 =	vpop (erf)  }
0x17b: {  	v23 =	vor.u32 v1, v23;
	[tilespmem:s12+$0x1D470] =	vst v21;
	v21 =	vmul.f32 v24, v22  }
0x17c: {  	[tilespmem:s12+$0x1D2E0] =	vst v23  }
0x17d: {  	[tilespmem:s12+$0x1D600] =	vst v21  }
0x17e: {  	[tilespmem:s31], [sflag:$0x1] =	stream.indirect.gather [hbm4b:s2+s14], $0x20, s15, s14, $0xb8;
	[tilespmem:$0x1DA30] =	vst v63  }
0x17f: {  	_ =	swait.ge [sflag:s30], $0x3200  }
0x180: {  	[sflag:s30] =	ssyncset.done $0x0  }
0x181: {  	s24 =	simm.s32 $0x19240;
	[sflag:s30] =	ssyncadd.s32 $0xFFFFCE00  }
0x182: {  	v28 =	vld [tilespmem:s24+$0xFFFFFFF0]  }
0x183: {  	v30 =	vld [tilespmem:s24+$0xFFFFFF10]  }
0x184: {  	v32 =	vld [tilespmem:s24+$0xE0]  }
0x185: {  	v31 =	vld [tilespmem:s24+$0xFFFFFF40]  }
0x186: {  	v22 =	vld [tilespmem:s24+$0xFFFFFFC0]  }
0x187: {  	v23 =	vld [tilespmem:s24+$0xFFFFFFE0]  }
0x188: {  	v26 =	vld [tilespmem:s24+$0xFFFFFF70]  }
0x189: {  	s25 =	simm.s32 $0x0;
	v29 =	vld [tilespmem:s24+$0xFFFFFFD0]  }
0x18a: {  	v21 =	vld [tilespmem:s25+$0x1D600]  }
0x18b: {  	v24 =	vld [tilespmem:s24+$0xFFFFFFB0]  }
0x18c: {  	v34 =	vld [tilespmem:s24+$0xFFFFFF00]  }
0x18d: {  	v27 =	vld [tilespmem:s24+$0xFFFFFF20]  }
0x18e: {  	v41 =	vld [tilespmem:s24+$0xC0]  }
0x18f: {  	v36 =	vld [tilespmem:s24+$0x90];
	v37 =	vperm.xlane v21, v3;
	v25 =	vperm.xlane v21, v18  }
0x190: {  	v39 =	vld [tilespmem:s24+$0xFFFFFF50];
	v38 =	vperm.xlane v21, v5;
	v33 =	vperm.xlane v21, v17  }
0x191: {  	v40 =	vld [tilespmem:s24+$0xB0];
	v43 =	vmul.f32 v34, v37;
	v34 =	vperm.xlane v21, v16  }
0x192: {  	s28 =	simm.s32 $0x19240;
	s25 =	simm.s32 $0x40;
	v35 =	vld [tilespmem:s24+$0xD0];
	v42 =	vmul.f32 v31, v38;
	v31 =	vperm.xlane v21, v15  }
.LBB2_18:
0x193: {  	p0 =	sne.s32 s25, $0x600  }
0x194: {  	[tilespmem:s24+$0xFFFFFF00] =	vst v43;
	v43 =	vld [tilespmem:s24+$0x60];
	v41 =	vmul.f32 v41, v33;
	v32 =	vmul.f32 v32, v25;
	s28 =	sadd.s32 $0x200, s28;
	s12 =	smov.u32 s25;
	s25 =	sadd.s32 $0x40, s25  }
0x195: {  	[tilespmem:s24+$0xFFFFFF40] =	vst v42;
	v42 =	vperm.xlane v21, v13;
	v36 =	vmul.f32 v36, v31;
	v44 =	vld [tilespmem:s24+$0xA0]  }
0x196: {  	v30 =	vmul.f32 v30, v37;
	v37 =	vmul.f32 v39, v38;
	v38 =	vld [tilespmem:s24+$0x70];
	[tilespmem:s24+$0xE0] =	vst v32  }
0x197: {  	v32 =	vperm.xlane v21, v8;
	v39 =	vld [tilespmem:s24+$0x80];
	v40 =	vmul.f32 v40, v34;
	[tilespmem:s24+$0xC0] =	vst v41  }
0x198: {  	v41 =	vperm.xlane v21, v9;
	[tilespmem:s24+$0xFFFFFF10] =	vst v30;
	v30 =	vld [tilespmem:s24+$0xFFFFFF60];
	v33 =	vmul.f32 v35, v33  }
0x199: {  	v46 =	vperm.xlane v21, v14;
	v35 =	vperm.xlane v21, v10;
	v45 =	vld [tilespmem:s24+$0x40];
	[tilespmem:s24+$0xB0] =	vst v40  }
0x19a: {  	[tilespmem:s24+$0xFFFFFF50] =	vst v37;
	v37 =	vperm.xlane v21, v12;
	v40 =	vld [tilespmem:s24+$0x20];
	v34 =	vmul.f32 v44, v34  }
0x19b: {  	v44 =	vperm.xlane v21, v6;
	v47 =	vld [tilespmem:s24+$0x50];
	v38 =	vmul.f32 v38, v46;
	[tilespmem:s24+$0x90] =	vst v36  }
0x19c: {  	v28 =	vmul.f32 v28, v35;
	v36 =	vld [tilespmem:s24+$0x0];
	v31 =	vmul.f32 v39, v31;
	[tilespmem:s24+$0xA0] =	vst v34  }
0x19d: {  	v29 =	vmul.f32 v29, v41;
	v30 =	vmul.f32 v30, v44;
	v34 =	vld [tilespmem:s24+$0x30];
	[tilespmem:s24+$0x70] =	vst v38  }
0x19e: {  	v39 =	vmul.f32 v43, v46;
	v38 =	vperm.xlane v21, v4;
	[tilespmem:s24+$0xFFFFFFF0] =	vst v28;
	v28 =	vld [tilespmem:s24+$0x10]  }
0x19f: {  	v45 =	vmul.f32 v45, v42;
	v43 =	vld [tilespmem:s24+$0xFFFFFFA0];
	[tilespmem:s24+$0xFFFFFFD0] =	vst v29;
	v29 =	vperm.xlane v21, v11  }
0x1a0: {  	v40 =	vmul.f32 v40, v37;
	v46 =	vld [tilespmem:s24+$0xFFFFFF30];
	v42 =	vmul.f32 v47, v42;
	[tilespmem:s24+$0xD0] =	vst v33  }
0x1a1: {  	v26 =	vmul.f32 v26, v44;
	v27 =	vmul.f32 v27, v38;
	[tilespmem:s24+$0x80] =	vst v31;
	v31 =	vld [tilespmem:s24+$0xF0]  }
0x1a2: {  	v36 =	vmul.f32 v36, v29;
	v33 =	vld [tilespmem:s24+$0xFFFFFF90];
	v34 =	vmul.f32 v34, v37;
	[tilespmem:s24+$0x60] =	vst v39  }
0x1a3: {  	v23 =	vmul.f32 v23, v35;
	[tilespmem:s24+$0xFFFFFF70] =	vst v26;
	v26 =	vld [tilespmem:s24+$0xFFFFFF80];
	v35 =	vmul.f32 v28, v29  }
0x1a4: {  	v22 =	vmul.f32 v22, v41;
	[tilespmem:s24+$0xFFFFFF60] =	vst v30;
	v28 =	vmul.f32 v43, v32  }
0x1a5: {  	v24 =	vmul.f32 v24, v32;
	[tilespmem:s24+$0xFFFFFF20] =	vst v27;
	v27 =	vmul.f32 v46, v38  }
0x1a6: {  	v21 =	vperm.xlane v21, v7;
	[tilespmem:s24+$0xFFFFFFE0] =	vst v23;
	v23 =	vmul.f32 v31, v25  }
0x1a7: {  	[tilespmem:s24+$0xFFFFFFC0] =	vst v22  }
0x1a8: {  	v22 =	vmul.f32 v26, v21;
	v21 =	vmul.f32 v33, v21;
	[tilespmem:s24+$0xF0] =	vst v23  }
0x1a9: {  	[tilespmem:s24+$0xFFFFFFB0] =	vst v24  }
0x1aa: {  	[tilespmem:s24+$0xFFFFFF90] =	vst v21  }
0x1ab: {  	[tilespmem:s24+$0xFFFFFFA0] =	vst v28  }
0x1ac: {  	v28 =	vld [tilespmem:s28+$0xFFFFFFF0];
	[tilespmem:s24+$0x40] =	vst v45  }
0x1ad: {  	v30 =	vld [tilespmem:s28+$0xFFFFFF10];
	[tilespmem:s24+$0xFFFFFF80] =	vst v22  }
0x1ae: {  	v32 =	vld [tilespmem:s28+$0xE0];
	[tilespmem:s24+$0x0] =	vst v36  }
0x1af: {  	v31 =	vld [tilespmem:s28+$0xFFFFFF40];
	[tilespmem:s24+$0x30] =	vst v34  }
0x1b0: {  	v22 =	vld [tilespmem:s28+$0xFFFFFFC0];
	[tilespmem:s24+$0x20] =	vst v40  }
0x1b1: {  	v23 =	vld [tilespmem:s28+$0xFFFFFFE0];
	[tilespmem:s24+$0x50] =	vst v42  }
0x1b2: {  	v26 =	vld [tilespmem:s28+$0xFFFFFF70];
	[tilespmem:s24+$0xFFFFFF30] =	vst v27  }
0x1b3: {  	s12 =	sshra.s32 s12, $0x2;
	v29 =	vld [tilespmem:s28+$0xFFFFFFD0];
	[tilespmem:s24+$0x10] =	vst v35;
	s24 =	smov.u32 s28  }
0x1b4: {  	v21 =	vld [tilespmem:s12+$0x1D600]  }
0x1b5: {  	v24 =	vld [tilespmem:s28+$0xFFFFFFB0]  }
0x1b6: {  	v34 =	vld [tilespmem:s28+$0xFFFFFF00]  }
0x1b7: {  	v27 =	vld [tilespmem:s28+$0xFFFFFF20]  }
.Ltmp7:
0x1b8: {  	v41 =	vld [tilespmem:s28+$0xC0];
	(pc) =	sbr.rel @p0 .LBB2_18-.Ltmp7, $4  }
0x1b9: {  	v37 =	vperm.xlane v21, v3;
	v36 =	vld [tilespmem:s28+$0x90];
	v25 =	vperm.xlane v21, v18  }
0x1ba: {  	v38 =	vperm.xlane v21, v5;
	v33 =	vperm.xlane v21, v17;
	v39 =	vld [tilespmem:s28+$0xFFFFFF50]  }
0x1bb: {  	v43 =	vmul.f32 v34, v37;
	v34 =	vperm.xlane v21, v16;
	v40 =	vld [tilespmem:s28+$0xB0]  }
0x1bc: {  	v42 =	vmul.f32 v31, v38;
	v31 =	vperm.xlane v21, v15;
	v35 =	vld [tilespmem:s28+$0xD0]  }
0x1bd: {  	[tilespmem:s24+$0xFFFFFF00] =	vst v43;
	v32 =	vmul.f32 v32, v25  }
0x1be: {  	v41 =	vmul.f32 v41, v33;
	[tilespmem:s24+$0xFFFFFF40] =	vst v42  }
0x1bf: {  	v30 =	vmul.f32 v30, v37;
	[tilespmem:s24+$0xE0] =	vst v32  }
0x1c0: {  	v60 =	vperm.xlane v21, v10;
	v57 =	vmul.f32 v36, v31;
	[tilespmem:s24+$0xC0] =	vst v41  }
0x1c1: {  	v63 =	vperm.xlane v21, v9;
	v38 =	vmul.f32 v39, v38;
	[tilespmem:s24+$0xFFFFFF10] =	vst v30  }
0x1c2: {  	v46 =	vperm.xlane v21, v6;
	v28 =	vmul.f32 v28, v60;
	[tilespmem:s24+$0x90] =	vst v57  }
0x1c3: {  	v29 =	vmul.f32 v29, v63;
	[tilespmem:s24+$0xFFFFFF50] =	vst v38  }
0x1c4: {  	v53 =	vld [tilespmem:s24+$0xA0];
	v26 =	vmul.f32 v26, v46;
	[tilespmem:s24+$0xFFFFFFF0] =	vst v28  }
0x1c5: {  	v54 =	vld [tilespmem:s24+$0x70];
	v23 =	vmul.f32 v23, v60;
	[tilespmem:s24+$0xFFFFFFD0] =	vst v29  }
0x1c6: {  	v56 =	vld [tilespmem:s24+$0x80];
	v22 =	vmul.f32 v22, v63;
	[tilespmem:s24+$0xFFFFFF70] =	vst v26  }
0x1c7: {  	v55 =	vld [tilespmem:s24+$0x60];
	v40 =	vmul.f32 v40, v34;
	[tilespmem:s24+$0xFFFFFFE0] =	vst v23  }
0x1c8: {  	v58 =	vld [tilespmem:s24+$0xFFFFFF60];
	v59 =	vperm.xlane v21, v14;
	v44 =	vmul.f32 v35, v33;
	[tilespmem:s24+$0xFFFFFFC0] =	vst v22  }
0x1c9: {  	[tilespmem:s24+$0xB0] =	vst v40;
	v62 =	vmul.f32 v53, v34  }
0x1ca: {  	v50 =	vld [tilespmem:s24+$0xF0];
	v37 =	vmul.f32 v54, v59;
	[tilespmem:s24+$0xD0] =	vst v44  }
0x1cb: {  	v61 =	vld [tilespmem:s24+$0x40];
	v48 =	vmul.f32 v56, v31;
	[tilespmem:s24+$0xA0] =	vst v62  }
0x1cc: {  	v51 =	vperm.xlane v21, v4;
	v42 =	vld [tilespmem:s24+$0x50];
	v32 =	vmul.f32 v55, v59;
	[tilespmem:s24+$0x70] =	vst v37  }
0x1cd: {  	v35 =	vmul.f32 v58, v46;
	[tilespmem:s24+$0x80] =	vst v48  }
0x1ce: {  	v52 =	vld [tilespmem:s24+$0xFFFFFF90];
	v22 =	vperm.xlane v21, v13;
	v54 =	vmul.f32 v27, v51;
	[tilespmem:s24+$0x60] =	vst v32  }
0x1cf: {  	v49 =	vld [tilespmem:s24+$0xFFFFFFA0];
	v23 =	vmul.f32 v50, v25;
	[tilespmem:s24+$0xFFFFFF60] =	vst v35  }
0x1d0: {  	v47 =	vld [tilespmem:s24+$0x30];
	v56 =	vperm.xlane v21, v8;
	v61 =	vmul.f32 v61, v22;
	[tilespmem:s24+$0xFFFFFF20] =	vst v54  }
0x1d1: {  	v45 =	vld [tilespmem:s24+$0x0];
	v58 =	vperm.xlane v21, v7;
	v22 =	vmul.f32 v42, v22;
	[tilespmem:s24+$0xF0] =	vst v23  }
0x1d2: {  	v60 =	vperm.xlane v21, v11;
	v38 =	vld [tilespmem:s24+$0x20];
	v24 =	vmul.f32 v24, v56;
	[tilespmem:s24+$0x40] =	vst v61  }
0x1d3: {  	v55 =	vld [tilespmem:s24+$0xFFFFFF80];
	v21 =	vperm.xlane v21, v12;
	v59 =	vmul.f32 v52, v58;
	[tilespmem:s24+$0x50] =	vst v22  }
0x1d4: {  	v53 =	vld [tilespmem:s24+$0xFFFFFF30];
	v23 =	vmul.f32 v49, v56;
	[tilespmem:s24+$0xFFFFFFB0] =	vst v24  }
0x1d5: {  	v57 =	vld [tilespmem:s24+$0x10];
	v63 =	vmul.f32 v47, v21;
	[tilespmem:s24+$0xFFFFFF90] =	vst v59  }
0x1d6: {  	[tilespmem:s24+$0xFFFFFFA0] =	vst v23;
	v23 =	vmul.f32 v45, v60  }
0x1d7: {  	v21 =	vmul.f32 v38, v21;
	[tilespmem:s24+$0x30] =	vst v63  }
0x1d8: {  	v62 =	vmul.f32 v55, v58;
	[tilespmem:s24+$0x0] =	vst v23  }
0x1d9: {  	v23 =	vmul.f32 v53, v51;
	[tilespmem:s24+$0x20] =	vst v21  }
0x1da: {  	s22 =	sadd.s32 $0x1, s22;
	v21 =	vmul.f32 v57, v60;
	[tilespmem:s24+$0xFFFFFF80] =	vst v62  }
0x1db: {  	p0 =	sne.s32 s22, $0x5;
	[tilespmem:s24+$0xFFFFFF30] =	vst v23  }
.Ltmp8:
0x1dc: {  	[tilespmem:s24+$0x10] =	vst v21;
	(pc) =	sbr.rel @p0 .LBB2_11-.Ltmp8, $4  }
0x1dd: {  	[spmem:s3] =	stream.indirect.scatter.add.f32 [tilespmem:s31], [sflag:$0x1], $0x20, s16, s14, $0xb8;
	[tilespmem:$0x1DA30] =	vst v63  }
0x1de: {  	_ =	swait.ge [sflag:s30], $0x3200  }
0x1df: {  	[sflag:s30] =	ssyncset.done $0x0  }
0x1e0: {  	s20 =	sadd.s32 $0x190, s20;
	s21 =	sadd.s32 $0x190, s21;
	[sflag:s30] =	ssyncadd.s32 $0xFFFFCE00  }
0x1e1: {  	s19 =	sadd.s32 $0x1, s19  }
0x1e2: {  	p0 =	sne.s32 s19, $0xA  }
.Ltmp9:
0x1e3: {  	_ = 	snop;
	(pc) =	sbr.rel @p0 .LBB2_10-.Ltmp9, $1  }
0x1e4: {  	_ =	sdelay $0x3  }
0x1e5: {  	[bflag:$0x0] =	sbarrier.arrive $0xFFFF  }
0x1e6: {  	[tilespmem:s31], [sflag:$0x1] =	stream.linear.gather [spmem:s7], $0x2000, $0x38;
	[tilespmem:$0x1DA30] =	vst v63  }
0x1e7: {  	_ =	swait.ge [sflag:s30], $0x2000  }
0x1e8: {  	[sflag:s30] =	ssyncset.done $0x0  }
0x1e9: {  	s12 =	simm.s32 $0x0;
	[sflag:s30] =	ssyncadd.s32 $0xFFFFE000  }
0x1ea: {  	s18 =	simm.s32 $0x80;
	v19 =	vld [tilespmem:s12+$0x19140]  }
.LBB2_22:
0x1eb: {  	p0 =	sne.s32 s18, $0x7F80;
	v20 =	vld [tilespmem:s12+$0x19150];
	_ =	sdelay $0x3  }
0x1ec: {  	v21 =	vmul.f32 $1.442695020e+00, v19  }
0x1ed: {  	v22 =	vmul.f32 $1.442695020e+00, v20  }
0x1ee: {  	(erf) = vpow2.f32 v21  }
0x1ef: {  	(erf) = vpow2.f32 v22;
	_ =	sdelay $0x7  }
0x1f0: {  	v21 =	vpop (erf)  }
.Ltmp10:
0x1f1: {  	v21 =	vadd.f32 $-1.000000000e+00, v21;
	v22 =	vpop (erf);
	(pc) =	sbr.rel @p0 .LBB2_22-.Ltmp10, $4  }
0x1f2: {  	vm0 =	vgt.f32 v19, $0.0e+00;
	v22 =	vadd.f32 $-1.000000000e+00, v22  }
0x1f3: {  	v19 =	vsel vm0, v19, v21;
	vm0 =	vgt.f32 v20, $0.0e+00  }
0x1f4: {  	s19 =	sshra.s32 s18, $0x2;
	[tilespmem:s12+$0x19140] =	vst v19;
	v20 =	vsel vm0, v20, v22  }
0x1f5: {  	s18 =	sadd.s32 $0x80, s18;
	v19 =	vld [tilespmem:s19+$0x19140];
	[tilespmem:s12+$0x19150] =	vst v20;
	s12 =	smov.u32 s19  }
0x1f6: {  	v20 =	vld [tilespmem:s12+$0x19150];
	_ =	sdelay $0x3  }
0x1f7: {  	v21 =	vmul.f32 $1.442695020e+00, v19  }
0x1f8: {  	v22 =	vmul.f32 $1.442695020e+00, v20  }
0x1f9: {  	(erf) = vpow2.f32 v21  }
0x1fa: {  	(erf) = vpow2.f32 v22;
	_ =	sdelay $0x7  }
0x1fb: {  	v21 =	vpop (erf)  }
0x1fc: {  	v21 =	vadd.f32 $-1.000000000e+00, v21;
	v22 =	vpop (erf)  }
0x1fd: {  	vm0 =	vgt.f32 v19, $0.0e+00;
	v22 =	vadd.f32 $-1.000000000e+00, v22  }
0x1fe: {  	vm15 =	vgt.f32 v20, $0.0e+00;
	v19 =	vsel vm0, v19, v21  }
0x1ff: {  	[tilespmem:s12+$0x19140] =	vst v19;
	v19 =	vsel vm15, v20, v22  }
0x200: {  	s28 =	simm.s32 $0x0;
	s18 =	rddreg [dreg:$0x8];
	[tilespmem:s12+$0x19150] =	vst v19  }
0x201: {  	[hbm4b:s18+s28] =	stream.linear.scatter [tilespmem:s31], [sflag:$0x1], $0x2000, $0x38;
	[tilespmem:$0x1DA30] =	vst v63  }
0x202: {  	_ =	swait.ge [sflag:s30], $0x2000  }
0x203: {  	[sflag:s30] =	ssyncset.done $0x0  }
0x204: {  	[sflag:s30] =	ssyncadd.s32 $0xFFFFE000  }
0x205: {  	[tilespmem:s31], [sflag:$0x1] =	stream.linear.gather [spmem:s8], $0x2000, $0x38;
	[tilespmem:$0x1DA30] =	vst v63  }
0x206: {  	_ =	swait.ge [sflag:s30], $0x2000  }
0x207: {  	[sflag:s30] =	ssyncset.done $0x0  }
0x208: {  	s12 =	simm.s32 $0x0;
	[sflag:s30] =	ssyncadd.s32 $0xFFFFE000  }
0x209: {  	s18 =	simm.s32 $0x80;
	v19 =	vld [tilespmem:s12+$0x19140]  }
.LBB2_24:
0x20a: {  	p0 =	sne.s32 s18, $0x7F80;
	v20 =	vld [tilespmem:s12+$0x19150];
	_ =	sdelay $0x3  }
0x20b: {  	v21 =	vmul.f32 $1.442695020e+00, v19  }
0x20c: {  	v22 =	vmul.f32 $1.442695020e+00, v20  }
0x20d: {  	(erf) = vpow2.f32 v21  }
0x20e: {  	(erf) = vpow2.f32 v22;
	_ =	sdelay $0x7  }
0x20f: {  	v21 =	vpop (erf)  }
.Ltmp11:
0x210: {  	v21 =	vadd.f32 $-1.000000000e+00, v21;
	v22 =	vpop (erf);
	(pc) =	sbr.rel @p0 .LBB2_24-.Ltmp11, $4  }
0x211: {  	vm0 =	vgt.f32 v19, $0.0e+00;
	v22 =	vadd.f32 $-1.000000000e+00, v22  }
0x212: {  	v19 =	vsel vm0, v19, v21;
	vm0 =	vgt.f32 v20, $0.0e+00  }
0x213: {  	s19 =	sshra.s32 s18, $0x2;
	[tilespmem:s12+$0x19140] =	vst v19;
	v20 =	vsel vm0, v20, v22  }
0x214: {  	s18 =	sadd.s32 $0x80, s18;
	v19 =	vld [tilespmem:s19+$0x19140];
	[tilespmem:s12+$0x19150] =	vst v20;
	s12 =	smov.u32 s19  }
0x215: {  	v20 =	vld [tilespmem:s12+$0x19150];
	_ =	sdelay $0x3  }
0x216: {  	v21 =	vmul.f32 $1.442695020e+00, v19  }
0x217: {  	v22 =	vmul.f32 $1.442695020e+00, v20  }
0x218: {  	(erf) = vpow2.f32 v21  }
0x219: {  	(erf) = vpow2.f32 v22;
	_ =	sdelay $0x7  }
0x21a: {  	v21 =	vpop (erf)  }
0x21b: {  	v21 =	vadd.f32 $-1.000000000e+00, v21;
	v22 =	vpop (erf)  }
0x21c: {  	vm0 =	vgt.f32 v19, $0.0e+00;
	v22 =	vadd.f32 $-1.000000000e+00, v22  }
0x21d: {  	vm15 =	vgt.f32 v20, $0.0e+00;
	v19 =	vsel vm0, v19, v21  }
0x21e: {  	[tilespmem:s12+$0x19140] =	vst v19;
	v19 =	vsel vm15, v20, v22  }
0x21f: {  	s28 =	simm.s32 $0x0;
	s18 =	rddreg [dreg:$0x9];
	[tilespmem:s12+$0x19150] =	vst v19  }
0x220: {  	[hbm4b:s18+s28] =	stream.linear.scatter [tilespmem:s31], [sflag:$0x1], $0x2000, $0x38;
	[tilespmem:$0x1DA30] =	vst v63  }
0x221: {  	_ =	swait.ge [sflag:s30], $0x2000  }
0x222: {  	[sflag:s30] =	ssyncset.done $0x0  }
0x223: {  	[sflag:s30] =	ssyncadd.s32 $0xFFFFE000  }
0x224: {  	[tilespmem:s31], [sflag:$0x1] =	stream.linear.gather [spmem:s9], $0x2000, $0x38;
	[tilespmem:$0x1DA30] =	vst v63  }
0x225: {  	_ =	swait.ge [sflag:s30], $0x2000  }
0x226: {  	[sflag:s30] =	ssyncset.done $0x0  }
0x227: {  	s12 =	simm.s32 $0x0;
	[sflag:s30] =	ssyncadd.s32 $0xFFFFE000  }
0x228: {  	s18 =	simm.s32 $0x80;
	v19 =	vld [tilespmem:s12+$0x19140]  }
.LBB2_26:
0x229: {  	p0 =	sne.s32 s18, $0x7F80;
	v20 =	vld [tilespmem:s12+$0x19150];
	_ =	sdelay $0x3  }
0x22a: {  	v21 =	vmul.f32 $1.442695020e+00, v19  }
0x22b: {  	v22 =	vmul.f32 $1.442695020e+00, v20  }
0x22c: {  	(erf) = vpow2.f32 v21  }
0x22d: {  	(erf) = vpow2.f32 v22;
	_ =	sdelay $0x7  }
0x22e: {  	v21 =	vpop (erf)  }
.Ltmp12:
0x22f: {  	v21 =	vadd.f32 $-1.000000000e+00, v21;
	v22 =	vpop (erf);
	(pc) =	sbr.rel @p0 .LBB2_26-.Ltmp12, $4  }
0x230: {  	vm0 =	vgt.f32 v19, $0.0e+00;
	v22 =	vadd.f32 $-1.000000000e+00, v22  }
0x231: {  	v19 =	vsel vm0, v19, v21;
	vm0 =	vgt.f32 v20, $0.0e+00  }
0x232: {  	s19 =	sshra.s32 s18, $0x2;
	[tilespmem:s12+$0x19140] =	vst v19;
	v20 =	vsel vm0, v20, v22  }
0x233: {  	s18 =	sadd.s32 $0x80, s18;
	v19 =	vld [tilespmem:s19+$0x19140];
	[tilespmem:s12+$0x19150] =	vst v20;
	s12 =	smov.u32 s19  }
0x234: {  	v20 =	vld [tilespmem:s12+$0x19150];
	_ =	sdelay $0x3  }
0x235: {  	v21 =	vmul.f32 $1.442695020e+00, v19  }
0x236: {  	v22 =	vmul.f32 $1.442695020e+00, v20  }
0x237: {  	(erf) = vpow2.f32 v21  }
0x238: {  	(erf) = vpow2.f32 v22;
	_ =	sdelay $0x7  }
0x239: {  	v21 =	vpop (erf)  }
0x23a: {  	v21 =	vadd.f32 $-1.000000000e+00, v21;
	v22 =	vpop (erf)  }
0x23b: {  	vm0 =	vgt.f32 v19, $0.0e+00;
	v22 =	vadd.f32 $-1.000000000e+00, v22  }
0x23c: {  	vm15 =	vgt.f32 v20, $0.0e+00;
	v19 =	vsel vm0, v19, v21  }
0x23d: {  	[tilespmem:s12+$0x19140] =	vst v19;
	v19 =	vsel vm15, v20, v22  }
0x23e: {  	s28 =	simm.s32 $0x0;
	s18 =	rddreg [dreg:$0xa];
	[tilespmem:s12+$0x19150] =	vst v19  }
0x23f: {  	[hbm4b:s18+s28] =	stream.linear.scatter [tilespmem:s31], [sflag:$0x1], $0x2000, $0x38;
	[tilespmem:$0x1DA30] =	vst v63  }
0x240: {  	_ =	swait.ge [sflag:s30], $0x2000  }
0x241: {  	[sflag:s30] =	ssyncset.done $0x0  }
0x242: {  	[sflag:s30] =	ssyncadd.s32 $0xFFFFE000  }
0x243: {  	[tilespmem:s31], [sflag:$0x1] =	stream.linear.gather [spmem:s10], $0x2000, $0x38;
	[tilespmem:$0x1DA30] =	vst v63  }
0x244: {  	_ =	swait.ge [sflag:s30], $0x2000  }
0x245: {  	[sflag:s30] =	ssyncset.done $0x0  }
0x246: {  	s12 =	simm.s32 $0x0;
	[sflag:s30] =	ssyncadd.s32 $0xFFFFE000  }
0x247: {  	s18 =	simm.s32 $0x80;
	v19 =	vld [tilespmem:s12+$0x19140]  }
.LBB2_28:
0x248: {  	p0 =	sne.s32 s18, $0x7F80;
	v20 =	vld [tilespmem:s12+$0x19150];
	_ =	sdelay $0x3  }
0x249: {  	v21 =	vmul.f32 $1.442695020e+00, v19  }
0x24a: {  	v22 =	vmul.f32 $1.442695020e+00, v20  }
0x24b: {  	(erf) = vpow2.f32 v21  }
0x24c: {  	(erf) = vpow2.f32 v22;
	_ =	sdelay $0x7  }
0x24d: {  	v21 =	vpop (erf)  }
.Ltmp13:
0x24e: {  	v21 =	vadd.f32 $-1.000000000e+00, v21;
	v22 =	vpop (erf);
	(pc) =	sbr.rel @p0 .LBB2_28-.Ltmp13, $4  }
0x24f: {  	vm0 =	vgt.f32 v19, $0.0e+00;
	v22 =	vadd.f32 $-1.000000000e+00, v22  }
0x250: {  	v19 =	vsel vm0, v19, v21;
	vm0 =	vgt.f32 v20, $0.0e+00  }
0x251: {  	s19 =	sshra.s32 s18, $0x2;
	[tilespmem:s12+$0x19140] =	vst v19;
	v20 =	vsel vm0, v20, v22  }
0x252: {  	s18 =	sadd.s32 $0x80, s18;
	v19 =	vld [tilespmem:s19+$0x19140];
	[tilespmem:s12+$0x19150] =	vst v20;
	s12 =	smov.u32 s19  }
0x253: {  	v20 =	vld [tilespmem:s12+$0x19150];
	_ =	sdelay $0x3  }
0x254: {  	v21 =	vmul.f32 $1.442695020e+00, v19  }
0x255: {  	v22 =	vmul.f32 $1.442695020e+00, v20  }
0x256: {  	(erf) = vpow2.f32 v21  }
0x257: {  	(erf) = vpow2.f32 v22;
	_ =	sdelay $0x7  }
0x258: {  	v21 =	vpop (erf)  }
0x259: {  	v21 =	vadd.f32 $-1.000000000e+00, v21;
	v22 =	vpop (erf)  }
0x25a: {  	vm0 =	vgt.f32 v19, $0.0e+00;
	v22 =	vadd.f32 $-1.000000000e+00, v22  }
0x25b: {  	vm15 =	vgt.f32 v20, $0.0e+00;
	v19 =	vsel vm0, v19, v21  }
0x25c: {  	[tilespmem:s12+$0x19140] =	vst v19;
	v19 =	vsel vm15, v20, v22  }
0x25d: {  	s28 =	simm.s32 $0x0;
	s18 =	rddreg [dreg:$0xb];
	[tilespmem:s12+$0x19150] =	vst v19  }
0x25e: {  	[hbm4b:s18+s28] =	stream.linear.scatter [tilespmem:s31], [sflag:$0x1], $0x2000, $0x38;
	[tilespmem:$0x1DA30] =	vst v63  }
0x25f: {  	_ =	swait.ge [sflag:s30], $0x2000  }
0x260: {  	[sflag:s30] =	ssyncset.done $0x0  }
0x261: {  	[sflag:s30] =	ssyncadd.s32 $0xFFFFE000  }
0x262: {  	[tilespmem:s31], [sflag:$0x1] =	stream.linear.gather [spmem:s13], $0x2000, $0x38;
	[tilespmem:$0x1DA30] =	vst v63  }
0x263: {  	_ =	swait.ge [sflag:s30], $0x2000  }
0x264: {  	[sflag:s30] =	ssyncset.done $0x0  }
0x265: {  	s12 =	simm.s32 $0x0;
	[sflag:s30] =	ssyncadd.s32 $0xFFFFE000  }
0x266: {  	s18 =	simm.s32 $0x80;
	v19 =	vld [tilespmem:s12+$0x19140]  }
.LBB2_30:
0x267: {  	p0 =	sne.s32 s18, $0x7F80;
	v20 =	vld [tilespmem:s12+$0x19150];
	_ =	sdelay $0x3  }
0x268: {  	v21 =	vmul.f32 $1.442695020e+00, v19  }
0x269: {  	v22 =	vmul.f32 $1.442695020e+00, v20  }
0x26a: {  	(erf) = vpow2.f32 v21  }
0x26b: {  	(erf) = vpow2.f32 v22;
	_ =	sdelay $0x7  }
0x26c: {  	v21 =	vpop (erf)  }
.Ltmp14:
0x26d: {  	v21 =	vadd.f32 $-1.000000000e+00, v21;
	v22 =	vpop (erf);
	(pc) =	sbr.rel @p0 .LBB2_30-.Ltmp14, $4  }
0x26e: {  	vm0 =	vgt.f32 v19, $0.0e+00;
	v22 =	vadd.f32 $-1.000000000e+00, v22  }
0x26f: {  	v19 =	vsel vm0, v19, v21;
	vm0 =	vgt.f32 v20, $0.0e+00  }
0x270: {  	s19 =	sshra.s32 s18, $0x2;
	[tilespmem:s12+$0x19140] =	vst v19;
	v20 =	vsel vm0, v20, v22  }
0x271: {  	s18 =	sadd.s32 $0x80, s18;
	v19 =	vld [tilespmem:s19+$0x19140];
	[tilespmem:s12+$0x19150] =	vst v20;
	s12 =	smov.u32 s19  }
0x272: {  	v20 =	vld [tilespmem:s12+$0x19150];
	_ =	sdelay $0x3  }
0x273: {  	v21 =	vmul.f32 $1.442695020e+00, v19  }
0x274: {  	v22 =	vmul.f32 $1.442695020e+00, v20  }
0x275: {  	(erf) = vpow2.f32 v21  }
0x276: {  	(erf) = vpow2.f32 v22;
	_ =	sdelay $0x7  }
0x277: {  	v21 =	vpop (erf)  }
0x278: {  	v21 =	vadd.f32 $-1.000000000e+00, v21;
	v22 =	vpop (erf)  }
0x279: {  	vm0 =	vgt.f32 v19, $0.0e+00;
	v22 =	vadd.f32 $-1.000000000e+00, v22  }
0x27a: {  	vm15 =	vgt.f32 v20, $0.0e+00;
	v19 =	vsel vm0, v19, v21  }
0x27b: {  	[tilespmem:s12+$0x19140] =	vst v19;
	v19 =	vsel vm15, v20, v22  }
0x27c: {  	s25 =	simm.s32 $0x0;
	s18 =	rddreg [dreg:$0xc];
	[tilespmem:s12+$0x19150] =	vst v19  }
0x27d: {  	[hbm4b:s18+s25] =	stream.linear.scatter [tilespmem:s31], [sflag:$0x1], $0x2000, $0x38;
	[tilespmem:$0x1DA30] =	vst v63  }
0x27e: {  	_ =	swait.ge [sflag:s30], $0x2000  }
0x27f: {  	s17 =	sadd.s32 $0x1, s17;
	s28 =	rddreg [dreg:$0x10]  }
0x280: {  	p0 =	sne.s32 s17, s28  }
.Ltmp15:
0x281: {  	_ = 	snop;
	(pc) =	sbr.rel @p0 .LBB2_1-.Ltmp15, $3  }
0x282: {  	_ =	sdelay $0x1  }
0x283: {  	[sflag:s30] =	ssyncset.done $0x0  }
0x284: {  	[sflag:s30] =	ssyncadd.s32 $0xFFFFE000  }
0x285: {  	_ =	sfence.sel $0x180000  }
0x286: {  	[bflag:$0x0] =	sbarrier.arrive $0xFFFF  }
0x287: {  	_ =	strace $0x90000047  }
0x288: {  	s0 =	stileid.u32;
	[bflag:$0x2] =	sbarrier.arrive $0xFFFF  }
0x289: {  	p0 =	sne.s32 s0, $0x0;
	s0 =	rddreg [dreg:$0x4]  }
0x28a: {  	s0 =	sadd.s32 @!p0 $0x100000, s0  }
0x28b: {  	[sflag:s0] =	ssyncadd.tile.s32 @!p0 $0x1;
	_ =	shalt  }
.Lfunc_end2:
_tile_overlayer_lowered:
.L_overlay_start_2:
0x28c: {  	(tag) =	ssettag $0x2  }
0x28d: {  	s0 =	rddreg [dreg:$0x0];
	s2 =	stileid.u32  }
0x28e: {  	s1 =	rddreg [dreg:$0x1];
	p0 =	sne.s32 s2, $0x0  }
0x28f: {  	s3 =	rddreg [dreg:$0x2];
	[bflag:$0x3] =	sbarrier.arrive $0xFFFF;
	s2 =	simm.s32 @!p0 $0x1C01  }
0x290: {  	[timem:s3], [sflag:s2] =	dma.local @!p0 [hbm:s0], s1  }
0x291: {  	s0 =	simm.s32 @!p0 $0x1  }
0x292: {  	_ =	swait.ge @!p0 [sflag:s0], s1  }
0x293: {  	s1 =	ssub.s32 @!p0 $0x0, s1;
	[sflag:s0] =	ssyncset.done @!p0 $0x0  }
0x294: {  	[sflag:s0] =	ssyncadd.s32 @!p0 s1  }
0x295: {  	[bflag:$0x3] =	sbarrier.arrive $0xFFFF  }
0x296: {  	_ =	shalt  }

</sc_bundles>
